<compile_context>
chip_gen: v7x
topology: tpu7x:2x2x1
jax: 0.10.2.dev20260603
libtpu: 0.0.44.dev20260713+nightly
codegen_flags: <defaults>
</compile_context>

<pallas_src>
import functools
import math

import jax
import jax.numpy as jnp
from jax import lax
from jax.experimental import pallas as pl
from jax.experimental.pallas import tpu as pltpu
from jax.experimental.pallas import tpu_sc as plsc

D_MODEL = 64
SCALE = math.sqrt(D_MODEL)

NC = 2
NS = 16
NW = NC * NS

GSIZE = 128
NBUF = 4
PREF = 2


@functools.cache
def _build(n_b):

    def body(table_hbm, idx_hbm, out_hbm, idx_v, gbuf, obuf, gsems, wsems):
        wid = lax.axis_index("s") * NC + lax.axis_index("c")
        jota = lax.iota(jnp.int32, 16)
        pltpu.sync_copy(idx_hbm.at[wid], idx_v)

        def fire_gather(c, b):
            pltpu.async_copy(
                table_hbm.at[idx_v.at[c]], gbuf.at[b], gsems.at[b])

        def wait_gather(b):
            pltpu.make_async_copy(
                table_hbm.at[pl.ds(0, GSIZE)], gbuf.at[b], gsems.at[b]).wait()

        def fire_write(c, b):
            pltpu.async_copy(
                obuf.at[b, :, :, :, pl.ds(0, GSIZE)],
                out_hbm.at[c, pl.ds(0, D_MODEL // 8), pl.ds(wid, 1)],
                wsems.at[b])

        def wait_write(b):
            pltpu.make_async_copy(
                obuf.at[b, :, :, :, pl.ds(0, GSIZE)],
                out_hbm.at[0, pl.ds(0, D_MODEL // 8), pl.ds(0, 1)],
                wsems.at[b]).wait()

        zv = 0 * jota
        jhis = [(j0 * 16 + jota) >> 3 for j0 in range(D_MODEL // 16)]
        jlos = [(j0 * 16 + jota) & 7 for j0 in range(D_MODEL // 16)]

        def transpose_block(b):
            @plsc.parallel_loop(0, GSIZE, unroll=8)
            def _(a):
                av = a + zv
                for j0 in range(D_MODEL // 16):
                    vals = gbuf[b, a, pl.ds(j0 * 16, 16)]
                    plsc.store_scatter(
                        obuf.at[b], [jhis[j0], zv, jlos[j0], av],
                        vals * SCALE)

        for b in range(PREF):
            fire_gather(b, b)

        def pipe_body(p, carry):
            for b in range(NBUF):
                c = p * NBUF + b
                wait_gather(b)
                bf = (b + PREF) % NBUF

                @pl.when(c >= NBUF - PREF)
                def _():
                    wait_write(bf)

                @pl.when(c + PREF < n_b)
                def _():
                    fire_gather(c + PREF, bf)

                transpose_block(b)
                fire_write(c, b)
            return carry

        lax.fori_loop(0, n_b // NBUF, pipe_body, 0)

        for b in range(NBUF - PREF, NBUF):
            wait_write(b)

    return pl.kernel(
        body,
        mesh=plsc.VectorSubcoreMesh(core_axis_name="c", subcore_axis_name="s"),
        compiler_params=pltpu.CompilerParams(
            use_tc_tiling_on_sc=False, needs_layout_passes=False),
        out_type=jax.ShapeDtypeStruct(
            (n_b, D_MODEL // 8, NW, 8, GSIZE), jnp.float32),
        scratch_types=[
            pltpu.VMEM((n_b, GSIZE), jnp.int32),
            pltpu.VMEM((NBUF, GSIZE, D_MODEL), jnp.float32),
            pltpu.VMEM((NBUF, D_MODEL // 8, 1, 8, 136), jnp.float32),
            pltpu.SemaphoreType.DMA((NBUF,)),
            pltpu.SemaphoreType.DMA((NBUF,)),
        ],
    )


def kernel(x, table):
    a_dim, b_dim = x.shape
    assert a_dim == NW * GSIZE and b_dim % NBUF == 0
    tpad = jnp.pad(table, ((0, 0), (0, 2 * D_MODEL - table.shape[1])))
    tlin = tpad.reshape(2 * table.shape[0], D_MODEL)
    idx_t = (x.astype(jnp.int32) * 2).T.reshape(
        b_dim, NW, GSIZE).transpose(1, 0, 2)
    o5 = _build(b_dim)(tlin, idx_t)
    return o5.transpose(2, 4, 0, 1, 3).reshape(a_dim, b_dim, D_MODEL)

# --- scband reference (transcript-rebuilt; emitter-appended) ---
"""Pipeline reference for scband-embeddings-37065567764817 (READ-ONLY COPY).

The authoritative reference and input builder live on the scoring server;
editing this copy changes nothing except your own understanding.
"""

import jax, jax.numpy as jnp
import numpy as np
import math

D_MODEL = 64
VOCAB = 1000000

def setup_inputs(seed: int = 0) -> dict:
    key = jax.random.key(seed)
    k1, k2 = jax.random.split(key)
    x = jax.random.randint(k1, (4096, 200), 0, VOCAB, dtype=jnp.int64 if jax.config.jax_enable_x64 else jnp.int32)
    table = jax.random.normal(k2, (VOCAB, D_MODEL), dtype=jnp.float32)
    return {"x": x, "table": table}

def reference(x, table):
    embed = jnp.take(table, x, axis=0) * math.sqrt(D_MODEL)
    return embed

if __name__ == "__main__":
    import jax
    _d = setup_inputs()
    print(jax.jit(kernel)(*tuple(_d.values())))

</pallas_src>

<mosaic_0001>
#map = affine_map<(d0, d1) -> (0, 0)>
#map1 = affine_map<(d0, d1) -> (0, 0, 0)>
#map2 = affine_map<(d0, d1) -> (0, 0, 0, 0, 0)>
module attributes {stable_mosaic.version = 14 : i64} {
  func.func @body(%arg0: i32, %arg1: i32, %arg2: memref<2000000x64xf32, #tpu.memory_space<hbm>>, %arg3: memref<32x200x128xi32, #tpu.memory_space<hbm>>, %arg4: memref<200x8x32x8x128xf32, #tpu.memory_space<hbm>>, %arg5: memref<200x128xi32, #tpu.memory_space<vmem>>, %arg6: memref<4x128x64xf32, #tpu.memory_space<vmem>>, %arg7: memref<4x8x1x8x136xf32, #tpu.memory_space<vmem>>, %arg8: memref<4x!tpu.dma_semaphore, #tpu.memory_space<semaphore_mem>>, %arg9: memref<4x!tpu.dma_semaphore, #tpu.memory_space<semaphore_mem>>) attributes {dimension_semantics = [#tpu.dimension_semantics<core_parallel>, #tpu.dimension_semantics<subcore_parallel>], iteration_bounds = array<i64: 2, 16>, scalar_prefetch = 0 : i64, scratch_operands = 5 : i64, tpu.core_type = #tpu.core_type<sc_vector_subcore>, window_params = [{transform_indices = #map}, {transform_indices = #map1}, {transform_indices = #map2}]} {
    %mul3A = arith.constant 2 : i32
    %mul3A_0 = arith.muli %arg1, %mul3A : i32
    %add3A = arith.addi %mul3A_0, %arg0 : i32
    %iota3A = tpu.iota {dimensions = array<i32: 0>} : vector<16xi32>
    "tpu.region"() ({
      %run_scoped3A = tpu.sem_alloc : memref<!tpu.dma_semaphore, #tpu.memory_space<semaphore_mem>>
      %dma_start3A_141 = arith.constant 0 : i32
      %dma_start3A_142 = arith.constant 0 : i32
      %dma_start3A_143 = tpu.memref_slice %arg3[%add3A, %dma_start3A_141, %dma_start3A_142] : memref<32x200x128xi32, #tpu.memory_space<hbm>> -> memref<1x200x128xi32, #tpu.memory_space<hbm>>
      %dma_start3A_144 = tpu.memref_squeeze %dma_start3A_143 : memref<1x200x128xi32, #tpu.memory_space<hbm>> -> memref<200x128xi32, #tpu.memory_space<hbm>>
      %dma_start3A_145 = arith.constant 0 : i32
      %dma_start3A_146 = arith.constant 0 : i32
      %dma_start3A_147 = tpu.memref_slice %arg3[%add3A, %dma_start3A_145, %dma_start3A_146] : memref<32x200x128xi32, #tpu.memory_space<hbm>> -> memref<1x200x128xi32, #tpu.memory_space<hbm>>
      %dma_start3A_148 = tpu.memref_squeeze %dma_start3A_147 : memref<1x200x128xi32, #tpu.memory_space<hbm>> -> memref<200x128xi32, #tpu.memory_space<hbm>>
      tpu.enqueue_dma source(%dma_start3A_148 : memref<200x128xi32, #tpu.memory_space<hbm>>) target(%arg5 : memref<200x128xi32, #tpu.memory_space<vmem>>) target_semaphore(%run_scoped3A : memref<!tpu.dma_semaphore, #tpu.memory_space<semaphore_mem>>)
      %dma_wait3A_149 = arith.constant 0 : i32
      %dma_wait3A_150 = arith.constant 0 : i32
      %dma_wait3A_151 = tpu.memref_slice %arg3[%add3A, %dma_wait3A_149, %dma_wait3A_150] : memref<32x200x128xi32, #tpu.memory_space<hbm>> -> memref<1x200x128xi32, #tpu.memory_space<hbm>>
      %dma_wait3A_152 = tpu.memref_squeeze %dma_wait3A_151 : memref<1x200x128xi32, #tpu.memory_space<hbm>> -> memref<200x128xi32, #tpu.memory_space<hbm>>
      %dma_wait3A_153 = arith.constant 0 : i32
      %dma_wait3A_154 = arith.constant 0 : i32
      %dma_wait3A_155 = tpu.memref_slice %arg3[%add3A, %dma_wait3A_153, %dma_wait3A_154] : memref<32x200x128xi32, #tpu.memory_space<hbm>> -> memref<1x200x128xi32, #tpu.memory_space<hbm>>
      %dma_wait3A_156 = tpu.memref_squeeze %dma_wait3A_155 : memref<1x200x128xi32, #tpu.memory_space<hbm>> -> memref<200x128xi32, #tpu.memory_space<hbm>>
      tpu.wait_dma2 semaphore(%run_scoped3A : memref<!tpu.dma_semaphore, #tpu.memory_space<semaphore_mem>>) src(%dma_wait3A_156 : memref<200x128xi32, #tpu.memory_space<hbm>>) dst(%arg5 : memref<200x128xi32, #tpu.memory_space<vmem>>)
      tpu.yield
    }) : () -> ()
    %mul3A_1 = arith.constant 0 : i32
    %mul3A_2 = vector.broadcast %mul3A_1 : i32 to vector<16xi32>
    %mul3A_3 = arith.muli %mul3A_2, %iota3A : vector<16xi32>
    %add3A_4 = arith.constant 0 : i32
    %add3A_5 = vector.broadcast %add3A_4 : i32 to vector<16xi32>
    %add3A_6 = arith.addi %add3A_5, %iota3A : vector<16xi32>
    %shift_right_arithmetic3A = arith.constant 3 : i32
    %shift_right_arithmetic3A_7 = vector.broadcast %shift_right_arithmetic3A : i32 to vector<16xi32>
    %shift_right_arithmetic3A_8 = arith.shrsi %add3A_6, %shift_right_arithmetic3A_7 : vector<16xi32>
    %add3A_9 = arith.constant 16 : i32
    %add3A_10 = vector.broadcast %add3A_9 : i32 to vector<16xi32>
    %add3A_11 = arith.addi %add3A_10, %iota3A : vector<16xi32>
    %shift_right_arithmetic3A_12 = arith.constant 3 : i32
    %shift_right_arithmetic3A_13 = vector.broadcast %shift_right_arithmetic3A_12 : i32 to vector<16xi32>
    %shift_right_arithmetic3A_14 = arith.shrsi %add3A_11, %shift_right_arithmetic3A_13 : vector<16xi32>
    %add3A_15 = arith.constant 32 : i32
    %add3A_16 = vector.broadcast %add3A_15 : i32 to vector<16xi32>
    %add3A_17 = arith.addi %add3A_16, %iota3A : vector<16xi32>
    %shift_right_arithmetic3A_18 = arith.constant 3 : i32
    %shift_right_arithmetic3A_19 = vector.broadcast %shift_right_arithmetic3A_18 : i32 to vector<16xi32>
    %shift_right_arithmetic3A_20 = arith.shrsi %add3A_17, %shift_right_arithmetic3A_19 : vector<16xi32>
    %add3A_21 = arith.constant 48 : i32
    %add3A_22 = vector.broadcast %add3A_21 : i32 to vector<16xi32>
    %add3A_23 = arith.addi %add3A_22, %iota3A : vector<16xi32>
    %shift_right_arithmetic3A_24 = arith.constant 3 : i32
    %shift_right_arithmetic3A_25 = vector.broadcast %shift_right_arithmetic3A_24 : i32 to vector<16xi32>
    %shift_right_arithmetic3A_26 = arith.shrsi %add3A_23, %shift_right_arithmetic3A_25 : vector<16xi32>
    %add3A_27 = arith.constant 0 : i32
    %add3A_28 = vector.broadcast %add3A_27 : i32 to vector<16xi32>
    %add3A_29 = arith.addi %add3A_28, %iota3A : vector<16xi32>
    %and3A = arith.constant 7 : i32
    %and3A_30 = vector.broadcast %and3A : i32 to vector<16xi32>
    %and3A_31 = arith.andi %add3A_29, %and3A_30 : vector<16xi32>
    %add3A_32 = arith.constant 16 : i32
    %add3A_33 = vector.broadcast %add3A_32 : i32 to vector<16xi32>
    %add3A_34 = arith.addi %add3A_33, %iota3A : vector<16xi32>
    %and3A_35 = arith.constant 7 : i32
    %and3A_36 = vector.broadcast %and3A_35 : i32 to vector<16xi32>
    %and3A_37 = arith.andi %add3A_34, %and3A_36 : vector<16xi32>
    %add3A_38 = arith.constant 32 : i32
    %add3A_39 = vector.broadcast %add3A_38 : i32 to vector<16xi32>
    %add3A_40 = arith.addi %add3A_39, %iota3A : vector<16xi32>
    %and3A_41 = arith.constant 7 : i32
    %and3A_42 = vector.broadcast %and3A_41 : i32 to vector<16xi32>
    %and3A_43 = arith.andi %add3A_40, %and3A_42 : vector<16xi32>
    %add3A_44 = arith.constant 48 : i32
    %add3A_45 = vector.broadcast %add3A_44 : i32 to vector<16xi32>
    %add3A_46 = arith.addi %add3A_45, %iota3A : vector<16xi32>
    %and3A_47 = arith.constant 7 : i32
    %and3A_48 = vector.broadcast %and3A_47 : i32 to vector<16xi32>
    %and3A_49 = arith.andi %add3A_46, %and3A_48 : vector<16xi32>
    %dma_start3A = arith.constant 0 : i32
    %dma_start3A_50 = arith.constant 0 : i32
    %dma_start3A_51 = arith.constant 0 : i32
    %dma_start3A_52 = arith.constant 0 : i32
    %dma_start3A_53 = arith.constant 0 : i32
    %dma_start3A_54 = tpu.memref_slice %arg6[%dma_start3A_50, %dma_start3A_52, %dma_start3A_53] : memref<4x128x64xf32, #tpu.memory_space<vmem>> -> memref<1x128x64xf32, #tpu.memory_space<vmem>>
    %dma_start3A_55 = tpu.memref_squeeze %dma_start3A_54 : memref<1x128x64xf32, #tpu.memory_space<vmem>> -> memref<128x64xf32, #tpu.memory_space<vmem>>
    %dma_start3A_56 = arith.constant 0 : i32
    %dma_start3A_57 = tpu.memref_slice %arg5[%dma_start3A, %dma_start3A_56] : memref<200x128xi32, #tpu.memory_space<vmem>> -> memref<1x128xi32, #tpu.memory_space<vmem>>
    %dma_start3A_58 = tpu.memref_squeeze %dma_start3A_57 : memref<1x128xi32, #tpu.memory_space<vmem>> -> memref<128xi32, #tpu.memory_space<vmem>>
    %dma_start3A_59 = arith.constant 0 : i32
    %dma_start3A_60 = arith.constant 0 : i32
    %dma_start3A_61 = tpu.memref_slice %arg2[%dma_start3A_59, %dma_start3A_60] : memref<2000000x64xf32, #tpu.memory_space<hbm>> -> memref<2000000x64xf32, #tpu.memory_space<hbm>>
    %dma_start3A_62 = tpu.memref_slice %arg8[%dma_start3A_51] : memref<4x!tpu.dma_semaphore, #tpu.memory_space<semaphore_mem>> -> memref<1x!tpu.dma_semaphore, #tpu.memory_space<semaphore_mem>>
    %dma_start3A_63 = tpu.memref_squeeze %dma_start3A_62 : memref<1x!tpu.dma_semaphore, #tpu.memory_space<semaphore_mem>> -> memref<!tpu.dma_semaphore, #tpu.memory_space<semaphore_mem>>
    tpu.enqueue_indirect_dma source(%dma_start3A_61 : memref<2000000x64xf32, #tpu.memory_space<hbm>>) target(%dma_start3A_55 : memref<128x64xf32, #tpu.memory_space<vmem>>) offsets(%dma_start3A_58 : memref<128xi32, #tpu.memory_space<vmem>>) semaphore(%dma_start3A_63 : memref<!tpu.dma_semaphore, #tpu.memory_space<semaphore_mem>>)
    %dma_start3A_64 = arith.constant 1 : i32
    %dma_start3A_65 = arith.constant 1 : i32
    %dma_start3A_66 = arith.constant 1 : i32
    %dma_start3A_67 = arith.constant 0 : i32
    %dma_start3A_68 = arith.constant 0 : i32
    %dma_start3A_69 = tpu.memref_slice %arg6[%dma_start3A_65, %dma_start3A_67, %dma_start3A_68] : memref<4x128x64xf32, #tpu.memory_space<vmem>> -> memref<1x128x64xf32, #tpu.memory_space<vmem>>
    %dma_start3A_70 = tpu.memref_squeeze %dma_start3A_69 : memref<1x128x64xf32, #tpu.memory_space<vmem>> -> memref<128x64xf32, #tpu.memory_space<vmem>>
    %dma_start3A_71 = arith.constant 0 : i32
    %dma_start3A_72 = tpu.memref_slice %arg5[%dma_start3A_64, %dma_start3A_71] : memref<200x128xi32, #tpu.memory_space<vmem>> -> memref<1x128xi32, #tpu.memory_space<vmem>>
    %dma_start3A_73 = tpu.memref_squeeze %dma_start3A_72 : memref<1x128xi32, #tpu.memory_space<vmem>> -> memref<128xi32, #tpu.memory_space<vmem>>
    %dma_start3A_74 = arith.constant 0 : i32
    %dma_start3A_75 = arith.constant 0 : i32
    %dma_start3A_76 = tpu.memref_slice %arg2[%dma_start3A_74, %dma_start3A_75] : memref<2000000x64xf32, #tpu.memory_space<hbm>> -> memref<2000000x64xf32, #tpu.memory_space<hbm>>
    %dma_start3A_77 = tpu.memref_slice %arg8[%dma_start3A_66] : memref<4x!tpu.dma_semaphore, #tpu.memory_space<semaphore_mem>> -> memref<1x!tpu.dma_semaphore, #tpu.memory_space<semaphore_mem>>
    %dma_start3A_78 = tpu.memref_squeeze %dma_start3A_77 : memref<1x!tpu.dma_semaphore, #tpu.memory_space<semaphore_mem>> -> memref<!tpu.dma_semaphore, #tpu.memory_space<semaphore_mem>>
    tpu.enqueue_indirect_dma source(%dma_start3A_76 : memref<2000000x64xf32, #tpu.memory_space<hbm>>) target(%dma_start3A_70 : memref<128x64xf32, #tpu.memory_space<vmem>>) offsets(%dma_start3A_73 : memref<128xi32, #tpu.memory_space<vmem>>) semaphore(%dma_start3A_78 : memref<!tpu.dma_semaphore, #tpu.memory_space<semaphore_mem>>)
    %scan3A = arith.constant 0 : i32
    %scan3A_79 = arith.constant 0 : i32
    %scan3A_80 = arith.constant 50 : i32
    %scan3A_81 = arith.addi %scan3A_79, %scan3A_80 : i32
    %scan3A_82 = arith.constant 1 : i32
    scf.for %scan3A_141 = %scan3A_79 to %scan3A_81 step %scan3A_82  : i32 {
      %mul3A_142 = arith.constant 4 : i32
      %mul3A_143 = arith.muli %scan3A_141, %mul3A_142 : i32
      %add3A_144 = arith.constant 0 : i32
      %add3A_145 = arith.addi %mul3A_143, %add3A_144 : i32
      %dma_wait3A_146 = arith.constant 0 : i32
      %dma_wait3A_147 = arith.constant 0 : i32
      %dma_wait3A_148 = arith.constant 0 : i32
      %dma_wait3A_149 = arith.constant 0 : i32
      %dma_wait3A_150 = tpu.memref_slice %arg6[%dma_wait3A_146, %dma_wait3A_148, %dma_wait3A_149] : memref<4x128x64xf32, #tpu.memory_space<vmem>> -> memref<1x128x64xf32, #tpu.memory_space<vmem>>
      %dma_wait3A_151 = tpu.memref_squeeze %dma_wait3A_150 : memref<1x128x64xf32, #tpu.memory_space<vmem>> -> memref<128x64xf32, #tpu.memory_space<vmem>>
      %dma_wait3A_152 = arith.constant 0 : i32
      %dma_wait3A_153 = arith.constant 0 : i32
      %dma_wait3A_154 = tpu.memref_slice %arg2[%dma_wait3A_152, %dma_wait3A_153] : memref<2000000x64xf32, #tpu.memory_space<hbm>> -> memref<128x64xf32, #tpu.memory_space<hbm>>
      %dma_wait3A_155 = tpu.memref_slice %arg8[%dma_wait3A_147] : memref<4x!tpu.dma_semaphore, #tpu.memory_space<semaphore_mem>> -> memref<1x!tpu.dma_semaphore, #tpu.memory_space<semaphore_mem>>
      %dma_wait3A_156 = tpu.memref_squeeze %dma_wait3A_155 : memref<1x!tpu.dma_semaphore, #tpu.memory_space<semaphore_mem>> -> memref<!tpu.dma_semaphore, #tpu.memory_space<semaphore_mem>>
      %dma_wait3A_157 = arith.constant 0 : i32
      %dma_wait3A_158 = arith.constant 0 : i32
      %dma_wait3A_159 = tpu.memref_slice %arg6[%dma_wait3A_146, %dma_wait3A_157, %dma_wait3A_158] : memref<4x128x64xf32, #tpu.memory_space<vmem>> -> memref<1x128x64xf32, #tpu.memory_space<vmem>>
      %dma_wait3A_160 = tpu.memref_squeeze %dma_wait3A_159 : memref<1x128x64xf32, #tpu.memory_space<vmem>> -> memref<128x64xf32, #tpu.memory_space<vmem>>
      %dma_wait3A_161 = arith.constant 0 : i32
      %dma_wait3A_162 = arith.constant 0 : i32
      %dma_wait3A_163 = tpu.memref_slice %arg2[%dma_wait3A_161, %dma_wait3A_162] : memref<2000000x64xf32, #tpu.memory_space<hbm>> -> memref<128x64xf32, #tpu.memory_space<hbm>>
      tpu.wait_dma2 semaphore(%dma_wait3A_156 : memref<!tpu.dma_semaphore, #tpu.memory_space<semaphore_mem>>) src(%dma_wait3A_163 : memref<128x64xf32, #tpu.memory_space<hbm>>) dst(%dma_wait3A_160 : memref<128x64xf32, #tpu.memory_space<vmem>>)
      %ge3A = arith.constant 2 : i32
      %ge3A_164 = arith.cmpi sge, %add3A_145, %ge3A : i32
      %convert_element_type3A = arith.extui %ge3A_164 : i1 to i32
      %cond3A = arith.constant 0 : i32
      %cond3A_165 = arith.cmpi ne, %convert_element_type3A, %cond3A : i32
      scf.if %cond3A_165 {
        %dma_wait3A_389 = arith.constant 2 : i32
        %dma_wait3A_390 = arith.constant 0 : i32
        %dma_wait3A_391 = arith.constant 2 : i32
        %dma_wait3A_392 = arith.constant 0 : i32
        %dma_wait3A_393 = arith.constant 0 : i32
        %dma_wait3A_394 = arith.constant 0 : i32
        %dma_wait3A_395 = arith.constant 0 : i32
        %dma_wait3A_396 = tpu.memref_slice %arg7[%dma_wait3A_389, %dma_wait3A_392, %dma_wait3A_393, %dma_wait3A_394, %dma_wait3A_395] : memref<4x8x1x8x136xf32, #tpu.memory_space<vmem>> -> memref<1x8x1x8x128xf32, #tpu.memory_space<vmem>>
        %dma_wait3A_397 = tpu.memref_squeeze %dma_wait3A_396 : memref<1x8x1x8x128xf32, #tpu.memory_space<vmem>> -> memref<8x1x8x128xf32, #tpu.memory_space<vmem>>
        %dma_wait3A_398 = arith.constant 0 : i32
        %dma_wait3A_399 = arith.constant 0 : i32
        %dma_wait3A_400 = arith.constant 0 : i32
        %dma_wait3A_401 = arith.constant 0 : i32
        %dma_wait3A_402 = tpu.memref_slice %arg4[%dma_wait3A_390, %dma_wait3A_398, %dma_wait3A_399, %dma_wait3A_400, %dma_wait3A_401] : memref<200x8x32x8x128xf32, #tpu.memory_space<hbm>> -> memref<1x8x1x8x128xf32, #tpu.memory_space<hbm>>
        %dma_wait3A_403 = tpu.memref_squeeze %dma_wait3A_402 : memref<1x8x1x8x128xf32, #tpu.memory_space<hbm>> -> memref<8x1x8x128xf32, #tpu.memory_space<hbm>>
        %dma_wait3A_404 = tpu.memref_slice %arg9[%dma_wait3A_391] : memref<4x!tpu.dma_semaphore, #tpu.memory_space<semaphore_mem>> -> memref<1x!tpu.dma_semaphore, #tpu.memory_space<semaphore_mem>>
        %dma_wait3A_405 = tpu.memref_squeeze %dma_wait3A_404 : memref<1x!tpu.dma_semaphore, #tpu.memory_space<semaphore_mem>> -> memref<!tpu.dma_semaphore, #tpu.memory_space<semaphore_mem>>
        %dma_wait3A_406 = arith.constant 0 : i32
        %dma_wait3A_407 = arith.constant 0 : i32
        %dma_wait3A_408 = arith.constant 0 : i32
        %dma_wait3A_409 = arith.constant 0 : i32
        %dma_wait3A_410 = tpu.memref_slice %arg4[%dma_wait3A_390, %dma_wait3A_406, %dma_wait3A_407, %dma_wait3A_408, %dma_wait3A_409] : memref<200x8x32x8x128xf32, #tpu.memory_space<hbm>> -> memref<1x8x1x8x128xf32, #tpu.memory_space<hbm>>
        %dma_wait3A_411 = tpu.memref_squeeze %dma_wait3A_410 : memref<1x8x1x8x128xf32, #tpu.memory_space<hbm>> -> memref<8x1x8x128xf32, #tpu.memory_space<hbm>>
        %dma_wait3A_412 = arith.constant 0 : i32
        %dma_wait3A_413 = arith.constant 0 : i32
        %dma_wait3A_414 = arith.constant 0 : i32
        %dma_wait3A_415 = arith.constant 0 : i32
        %dma_wait3A_416 = tpu.memref_slice %arg7[%dma_wait3A_389, %dma_wait3A_412, %dma_wait3A_413, %dma_wait3A_414, %dma_wait3A_415] : memref<4x8x1x8x136xf32, #tpu.memory_space<vmem>> -> memref<1x8x1x8x128xf32, #tpu.memory_space<vmem>>
        %dma_wait3A_417 = tpu.memref_squeeze %dma_wait3A_416 : memref<1x8x1x8x128xf32, #tpu.memory_space<vmem>> -> memref<8x1x8x128xf32, #tpu.memory_space<vmem>>
        tpu.wait_dma2 semaphore(%dma_wait3A_405 : memref<!tpu.dma_semaphore, #tpu.memory_space<semaphore_mem>>) src(%dma_wait3A_417 : memref<8x1x8x128xf32, #tpu.memory_space<vmem>>) dst(%dma_wait3A_411 : memref<8x1x8x128xf32, #tpu.memory_space<hbm>>)
      } else {
      }
      %add3A_166 = arith.constant 2 : i32
      %add3A_167 = arith.addi %add3A_145, %add3A_166 : i32
      %lt3A = arith.constant 200 : i32
      %lt3A_168 = arith.cmpi slt, %add3A_167, %lt3A : i32
      %convert_element_type3A_169 = arith.extui %lt3A_168 : i1 to i32
      %cond3A_170 = arith.constant 0 : i32
      %cond3A_171 = arith.cmpi ne, %convert_element_type3A_169, %cond3A_170 : i32
      scf.if %cond3A_171 {
        %add3A_389 = arith.constant 2 : i32
        %add3A_390 = arith.addi %add3A_145, %add3A_389 : i32
        %dma_start3A_391 = arith.constant 2 : i32
        %dma_start3A_392 = arith.constant 2 : i32
        %dma_start3A_393 = arith.constant 0 : i32
        %dma_start3A_394 = arith.constant 0 : i32
        %dma_start3A_395 = tpu.memref_slice %arg6[%dma_start3A_391, %dma_start3A_393, %dma_start3A_394] : memref<4x128x64xf32, #tpu.memory_space<vmem>> -> memref<1x128x64xf32, #tpu.memory_space<vmem>>
        %dma_start3A_396 = tpu.memref_squeeze %dma_start3A_395 : memref<1x128x64xf32, #tpu.memory_space<vmem>> -> memref<128x64xf32, #tpu.memory_space<vmem>>
        %dma_start3A_397 = arith.constant 0 : i32
        %dma_start3A_398 = tpu.memref_slice %arg5[%add3A_390, %dma_start3A_397] : memref<200x128xi32, #tpu.memory_space<vmem>> -> memref<1x128xi32, #tpu.memory_space<vmem>>
        %dma_start3A_399 = tpu.memref_squeeze %dma_start3A_398 : memref<1x128xi32, #tpu.memory_space<vmem>> -> memref<128xi32, #tpu.memory_space<vmem>>
        %dma_start3A_400 = arith.constant 0 : i32
        %dma_start3A_401 = arith.constant 0 : i32
        %dma_start3A_402 = tpu.memref_slice %arg2[%dma_start3A_400, %dma_start3A_401] : memref<2000000x64xf32, #tpu.memory_space<hbm>> -> memref<2000000x64xf32, #tpu.memory_space<hbm>>
        %dma_start3A_403 = tpu.memref_slice %arg8[%dma_start3A_392] : memref<4x!tpu.dma_semaphore, #tpu.memory_space<semaphore_mem>> -> memref<1x!tpu.dma_semaphore, #tpu.memory_space<semaphore_mem>>
        %dma_start3A_404 = tpu.memref_squeeze %dma_start3A_403 : memref<1x!tpu.dma_semaphore, #tpu.memory_space<semaphore_mem>> -> memref<!tpu.dma_semaphore, #tpu.memory_space<semaphore_mem>>
        tpu.enqueue_indirect_dma source(%dma_start3A_402 : memref<2000000x64xf32, #tpu.memory_space<hbm>>) target(%dma_start3A_396 : memref<128x64xf32, #tpu.memory_space<vmem>>) offsets(%dma_start3A_399 : memref<128xi32, #tpu.memory_space<vmem>>) semaphore(%dma_start3A_404 : memref<!tpu.dma_semaphore, #tpu.memory_space<semaphore_mem>>)
      } else {
      }
      %parallel_loop3A = arith.constant 0 : i32
      %parallel_loop3A_172 = arith.constant 128 : i32
      %parallel_loop3A_173 = arith.constant 1 : i32
      scf.for %parallel_loop3A_389 = %parallel_loop3A to %parallel_loop3A_172 step %parallel_loop3A_173  : i32 {
        %parallel_loop3A_390 = vector.broadcast %parallel_loop3A_389 : i32 to vector<16xi32>
        %parallel_loop3A_391 = arith.addi %parallel_loop3A_390, %mul3A_3 : vector<16xi32>
        %parallel_loop3A_392 = arith.constant 0 : i32
        %parallel_loop3A_393 = arith.index_cast %parallel_loop3A_392 : i32 to index
        %parallel_loop3A_394 = arith.index_cast %parallel_loop3A_389 : i32 to index
        %parallel_loop3A_395 = arith.constant 0 : index
        %parallel_loop3A_396 = tpu.vector_load %arg6[%parallel_loop3A_393, %parallel_loop3A_394, %parallel_loop3A_395] {strides = array<i32>} : memref<4x128x64xf32, #tpu.memory_space<vmem>>, vector<16xf32>,
        %parallel_loop3A_397 = arith.constant 8.000000e+00 : f32
        %parallel_loop3A_398 = vector.broadcast %parallel_loop3A_397 : f32 to vector<16xf32>
        %parallel_loop3A_399 = arith.mulf %parallel_loop3A_396, %parallel_loop3A_398 : vector<16xf32>
        %parallel_loop3A_400 = arith.constant 0 : i32
        %parallel_loop3A_401 = arith.constant 0 : i32
        %parallel_loop3A_402 = arith.constant 0 : i32
        %parallel_loop3A_403 = arith.constant 0 : i32
        %parallel_loop3A_404 = arith.constant 0 : i32
        %parallel_loop3A_405 = tpu.memref_slice %arg7[%parallel_loop3A_400, %parallel_loop3A_401, %parallel_loop3A_402, %parallel_loop3A_403, %parallel_loop3A_404] : memref<4x8x1x8x136xf32, #tpu.memory_space<vmem>> -> memref<1x8x1x8x136xf32, #tpu.memory_space<vmem>>
        %parallel_loop3A_406 = tpu.memref_squeeze %parallel_loop3A_405 : memref<1x8x1x8x136xf32, #tpu.memory_space<vmem>> -> memref<8x1x8x136xf32, #tpu.memory_space<vmem>>
        tpu.vector_store_idx %parallel_loop3A_406[%shift_right_arithmetic3A_8, %mul3A_3, %and3A_31, %parallel_loop3A_391], %parallel_loop3A_399 : memref<8x1x8x136xf32, #tpu.memory_space<vmem>>[vector<16xi32>, vector<16xi32>, vector<16xi32>, vector<16xi32>], vector<16xf32>,
        %parallel_loop3A_407 = arith.constant 0 : i32
        %parallel_loop3A_408 = arith.index_cast %parallel_loop3A_407 : i32 to index
        %parallel_loop3A_409 = arith.index_cast %parallel_loop3A_389 : i32 to index
        %parallel_loop3A_410 = arith.constant 16 : index
        %parallel_loop3A_411 = tpu.vector_load %arg6[%parallel_loop3A_408, %parallel_loop3A_409, %parallel_loop3A_410] {strides = array<i32>} : memref<4x128x64xf32, #tpu.memory_space<vmem>>, vector<16xf32>,
        %parallel_loop3A_412 = arith.constant 8.000000e+00 : f32
        %parallel_loop3A_413 = vector.broadcast %parallel_loop3A_412 : f32 to vector<16xf32>
        %parallel_loop3A_414 = arith.mulf %parallel_loop3A_411, %parallel_loop3A_413 : vector<16xf32>
        %parallel_loop3A_415 = arith.constant 0 : i32
        %parallel_loop3A_416 = arith.constant 0 : i32
        %parallel_loop3A_417 = arith.constant 0 : i32
        %parallel_loop3A_418 = arith.constant 0 : i32
        %parallel_loop3A_419 = arith.constant 0 : i32
        %parallel_loop3A_420 = tpu.memref_slice %arg7[%parallel_loop3A_415, %parallel_loop3A_416, %parallel_loop3A_417, %parallel_loop3A_418, %parallel_loop3A_419] : memref<4x8x1x8x136xf32, #tpu.memory_space<vmem>> -> memref<1x8x1x8x136xf32, #tpu.memory_space<vmem>>
        %parallel_loop3A_421 = tpu.memref_squeeze %parallel_loop3A_420 : memref<1x8x1x8x136xf32, #tpu.memory_space<vmem>> -> memref<8x1x8x136xf32, #tpu.memory_space<vmem>>
        tpu.vector_store_idx %parallel_loop3A_421[%shift_right_arithmetic3A_14, %mul3A_3, %and3A_37, %parallel_loop3A_391], %parallel_loop3A_414 : memref<8x1x8x136xf32, #tpu.memory_space<vmem>>[vector<16xi32>, vector<16xi32>, vector<16xi32>, vector<16xi32>], vector<16xf32>,
        %parallel_loop3A_422 = arith.constant 0 : i32
        %parallel_loop3A_423 = arith.index_cast %parallel_loop3A_422 : i32 to index
        %parallel_loop3A_424 = arith.index_cast %parallel_loop3A_389 : i32 to index
        %parallel_loop3A_425 = arith.constant 32 : index
        %parallel_loop3A_426 = tpu.vector_load %arg6[%parallel_loop3A_423, %parallel_loop3A_424, %parallel_loop3A_425] {strides = array<i32>} : memref<4x128x64xf32, #tpu.memory_space<vmem>>, vector<16xf32>,
        %parallel_loop3A_427 = arith.constant 8.000000e+00 : f32
        %parallel_loop3A_428 = vector.broadcast %parallel_loop3A_427 : f32 to vector<16xf32>
        %parallel_loop3A_429 = arith.mulf %parallel_loop3A_426, %parallel_loop3A_428 : vector<16xf32>
        %parallel_loop3A_430 = arith.constant 0 : i32
        %parallel_loop3A_431 = arith.constant 0 : i32
        %parallel_loop3A_432 = arith.constant 0 : i32
        %parallel_loop3A_433 = arith.constant 0 : i32
        %parallel_loop3A_434 = arith.constant 0 : i32
        %parallel_loop3A_435 = tpu.memref_slice %arg7[%parallel_loop3A_430, %parallel_loop3A_431, %parallel_loop3A_432, %parallel_loop3A_433, %parallel_loop3A_434] : memref<4x8x1x8x136xf32, #tpu.memory_space<vmem>> -> memref<1x8x1x8x136xf32, #tpu.memory_space<vmem>>
        %parallel_loop3A_436 = tpu.memref_squeeze %parallel_loop3A_435 : memref<1x8x1x8x136xf32, #tpu.memory_space<vmem>> -> memref<8x1x8x136xf32, #tpu.memory_space<vmem>>
        tpu.vector_store_idx %parallel_loop3A_436[%shift_right_arithmetic3A_20, %mul3A_3, %and3A_43, %parallel_loop3A_391], %parallel_loop3A_429 : memref<8x1x8x136xf32, #tpu.memory_space<vmem>>[vector<16xi32>, vector<16xi32>, vector<16xi32>, vector<16xi32>], vector<16xf32>,
        %parallel_loop3A_437 = arith.constant 0 : i32
        %parallel_loop3A_438 = arith.index_cast %parallel_loop3A_437 : i32 to index
        %parallel_loop3A_439 = arith.index_cast %parallel_loop3A_389 : i32 to index
        %parallel_loop3A_440 = arith.constant 48 : index
        %parallel_loop3A_441 = tpu.vector_load %arg6[%parallel_loop3A_438, %parallel_loop3A_439, %parallel_loop3A_440] {strides = array<i32>} : memref<4x128x64xf32, #tpu.memory_space<vmem>>, vector<16xf32>,
        %parallel_loop3A_442 = arith.constant 8.000000e+00 : f32
        %parallel_loop3A_443 = vector.broadcast %parallel_loop3A_442 : f32 to vector<16xf32>
        %parallel_loop3A_444 = arith.mulf %parallel_loop3A_441, %parallel_loop3A_443 : vector<16xf32>
        %parallel_loop3A_445 = arith.constant 0 : i32
        %parallel_loop3A_446 = arith.constant 0 : i32
        %parallel_loop3A_447 = arith.constant 0 : i32
        %parallel_loop3A_448 = arith.constant 0 : i32
        %parallel_loop3A_449 = arith.constant 0 : i32
        %parallel_loop3A_450 = tpu.memref_slice %arg7[%parallel_loop3A_445, %parallel_loop3A_446, %parallel_loop3A_447, %parallel_loop3A_448, %parallel_loop3A_449] : memref<4x8x1x8x136xf32, #tpu.memory_space<vmem>> -> memref<1x8x1x8x136xf32, #tpu.memory_space<vmem>>
        %parallel_loop3A_451 = tpu.memref_squeeze %parallel_loop3A_450 : memref<1x8x1x8x136xf32, #tpu.memory_space<vmem>> -> memref<8x1x8x136xf32, #tpu.memory_space<vmem>>
        tpu.vector_store_idx %parallel_loop3A_451[%shift_right_arithmetic3A_26, %mul3A_3, %and3A_49, %parallel_loop3A_391], %parallel_loop3A_444 : memref<8x1x8x136xf32, #tpu.memory_space<vmem>>[vector<16xi32>, vector<16xi32>, vector<16xi32>, vector<16xi32>], vector<16xf32>,
      } {sc.loop_unroll_factor = 8 : i64, sc.parallel_access}
      %dma_start3A_174 = arith.constant 0 : i32
      %dma_start3A_175 = arith.constant 0 : i32
      %dma_start3A_176 = arith.constant 0 : i32
      %dma_start3A_177 = arith.constant 0 : i32
      %dma_start3A_178 = arith.constant 0 : i32
      %dma_start3A_179 = arith.constant 0 : i32
      %dma_start3A_180 = tpu.memref_slice %arg7[%dma_start3A_174, %dma_start3A_176, %dma_start3A_177, %dma_start3A_178, %dma_start3A_179] : memref<4x8x1x8x136xf32, #tpu.memory_space<vmem>> -> memref<1x8x1x8x128xf32, #tpu.memory_space<vmem>>
      %dma_start3A_181 = tpu.memref_squeeze %dma_start3A_180 : memref<1x8x1x8x128xf32, #tpu.memory_space<vmem>> -> memref<8x1x8x128xf32, #tpu.memory_space<vmem>>
      %dma_start3A_182 = arith.constant 0 : i32
      %dma_start3A_183 = arith.constant 0 : i32
      %dma_start3A_184 = arith.constant 0 : i32
      %dma_start3A_185 = tpu.memref_slice %arg4[%add3A_145, %dma_start3A_182, %add3A, %dma_start3A_183, %dma_start3A_184] : memref<200x8x32x8x128xf32, #tpu.memory_space<hbm>> -> memref<1x8x1x8x128xf32, #tpu.memory_space<hbm>>
      %dma_start3A_186 = tpu.memref_squeeze %dma_start3A_185 : memref<1x8x1x8x128xf32, #tpu.memory_space<hbm>> -> memref<8x1x8x128xf32, #tpu.memory_space<hbm>>
      %dma_start3A_187 = tpu.memref_slice %arg9[%dma_start3A_175] : memref<4x!tpu.dma_semaphore, #tpu.memory_space<semaphore_mem>> -> memref<1x!tpu.dma_semaphore, #tpu.memory_space<semaphore_mem>>
      %dma_start3A_188 = tpu.memref_squeeze %dma_start3A_187 : memref<1x!tpu.dma_semaphore, #tpu.memory_space<semaphore_mem>> -> memref<!tpu.dma_semaphore, #tpu.memory_space<semaphore_mem>>
      %dma_start3A_189 = arith.constant 0 : i32
      %dma_start3A_190 = arith.constant 0 : i32
      %dma_start3A_191 = arith.constant 0 : i32
      %dma_start3A_192 = tpu.memref_slice %arg4[%add3A_145, %dma_start3A_189, %add3A, %dma_start3A_190, %dma_start3A_191] : memref<200x8x32x8x128xf32, #tpu.memory_space<hbm>> -> memref<1x8x1x8x128xf32, #tpu.memory_space<hbm>>
      %dma_start3A_193 = tpu.memref_squeeze %dma_start3A_192 : memref<1x8x1x8x128xf32, #tpu.memory_space<hbm>> -> memref<8x1x8x128xf32, #tpu.memory_space<hbm>>
      %dma_start3A_194 = arith.constant 0 : i32
      %dma_start3A_195 = arith.constant 0 : i32
      %dma_start3A_196 = arith.constant 0 : i32
      %dma_start3A_197 = arith.constant 0 : i32
      %dma_start3A_198 = tpu.memref_slice %arg7[%dma_start3A_174, %dma_start3A_194, %dma_start3A_195, %dma_start3A_196, %dma_start3A_197] : memref<4x8x1x8x136xf32, #tpu.memory_space<vmem>> -> memref<1x8x1x8x128xf32, #tpu.memory_space<vmem>>
      %dma_start3A_199 = tpu.memref_squeeze %dma_start3A_198 : memref<1x8x1x8x128xf32, #tpu.memory_space<vmem>> -> memref<8x1x8x128xf32, #tpu.memory_space<vmem>>
      tpu.enqueue_dma source(%dma_start3A_199 : memref<8x1x8x128xf32, #tpu.memory_space<vmem>>) target(%dma_start3A_193 : memref<8x1x8x128xf32, #tpu.memory_space<hbm>>) target_semaphore(%dma_start3A_188 : memref<!tpu.dma_semaphore, #tpu.memory_space<semaphore_mem>>)
      %mul3A_200 = arith.constant 4 : i32
      %mul3A_201 = arith.muli %scan3A_141, %mul3A_200 : i32
      %add3A_202 = arith.constant 1 : i32
      %add3A_203 = arith.addi %mul3A_201, %add3A_202 : i32
      %dma_wait3A_204 = arith.constant 1 : i32
      %dma_wait3A_205 = arith.constant 1 : i32
      %dma_wait3A_206 = arith.constant 0 : i32
      %dma_wait3A_207 = arith.constant 0 : i32
      %dma_wait3A_208 = tpu.memref_slice %arg6[%dma_wait3A_204, %dma_wait3A_206, %dma_wait3A_207] : memref<4x128x64xf32, #tpu.memory_space<vmem>> -> memref<1x128x64xf32, #tpu.memory_space<vmem>>
      %dma_wait3A_209 = tpu.memref_squeeze %dma_wait3A_208 : memref<1x128x64xf32, #tpu.memory_space<vmem>> -> memref<128x64xf32, #tpu.memory_space<vmem>>
      %dma_wait3A_210 = arith.constant 0 : i32
      %dma_wait3A_211 = arith.constant 0 : i32
      %dma_wait3A_212 = tpu.memref_slice %arg2[%dma_wait3A_210, %dma_wait3A_211] : memref<2000000x64xf32, #tpu.memory_space<hbm>> -> memref<128x64xf32, #tpu.memory_space<hbm>>
      %dma_wait3A_213 = tpu.memref_slice %arg8[%dma_wait3A_205] : memref<4x!tpu.dma_semaphore, #tpu.memory_space<semaphore_mem>> -> memref<1x!tpu.dma_semaphore, #tpu.memory_space<semaphore_mem>>
      %dma_wait3A_214 = tpu.memref_squeeze %dma_wait3A_213 : memref<1x!tpu.dma_semaphore, #tpu.memory_space<semaphore_mem>> -> memref<!tpu.dma_semaphore, #tpu.memory_space<semaphore_mem>>
      %dma_wait3A_215 = arith.constant 0 : i32
      %dma_wait3A_216 = arith.constant 0 : i32
      %dma_wait3A_217 = tpu.memref_slice %arg6[%dma_wait3A_204, %dma_wait3A_215, %dma_wait3A_216] : memref<4x128x64xf32, #tpu.memory_space<vmem>> -> memref<1x128x64xf32, #tpu.memory_space<vmem>>
      %dma_wait3A_218 = tpu.memref_squeeze %dma_wait3A_217 : memref<1x128x64xf32, #tpu.memory_space<vmem>> -> memref<128x64xf32, #tpu.memory_space<vmem>>
      %dma_wait3A_219 = arith.constant 0 : i32
      %dma_wait3A_220 = arith.constant 0 : i32
      %dma_wait3A_221 = tpu.memref_slice %arg2[%dma_wait3A_219, %dma_wait3A_220] : memref<2000000x64xf32, #tpu.memory_space<hbm>> -> memref<128x64xf32, #tpu.memory_space<hbm>>
      tpu.wait_dma2 semaphore(%dma_wait3A_214 : memref<!tpu.dma_semaphore, #tpu.memory_space<semaphore_mem>>) src(%dma_wait3A_221 : memref<128x64xf32, #tpu.memory_space<hbm>>) dst(%dma_wait3A_218 : memref<128x64xf32, #tpu.memory_space<vmem>>)
      %ge3A_222 = arith.constant 2 : i32
      %ge3A_223 = arith.cmpi sge, %add3A_203, %ge3A_222 : i32
      %convert_element_type3A_224 = arith.extui %ge3A_223 : i1 to i32
      %cond3A_225 = arith.constant 0 : i32
      %cond3A_226 = arith.cmpi ne, %convert_element_type3A_224, %cond3A_225 : i32
      scf.if %cond3A_226 {
        %dma_wait3A_389 = arith.constant 3 : i32
        %dma_wait3A_390 = arith.constant 0 : i32
        %dma_wait3A_391 = arith.constant 3 : i32
        %dma_wait3A_392 = arith.constant 0 : i32
        %dma_wait3A_393 = arith.constant 0 : i32
        %dma_wait3A_394 = arith.constant 0 : i32
        %dma_wait3A_395 = arith.constant 0 : i32
        %dma_wait3A_396 = tpu.memref_slice %arg7[%dma_wait3A_389, %dma_wait3A_392, %dma_wait3A_393, %dma_wait3A_394, %dma_wait3A_395] : memref<4x8x1x8x136xf32, #tpu.memory_space<vmem>> -> memref<1x8x1x8x128xf32, #tpu.memory_space<vmem>>
        %dma_wait3A_397 = tpu.memref_squeeze %dma_wait3A_396 : memref<1x8x1x8x128xf32, #tpu.memory_space<vmem>> -> memref<8x1x8x128xf32, #tpu.memory_space<vmem>>
        %dma_wait3A_398 = arith.constant 0 : i32
        %dma_wait3A_399 = arith.constant 0 : i32
        %dma_wait3A_400 = arith.constant 0 : i32
        %dma_wait3A_401 = arith.constant 0 : i32
        %dma_wait3A_402 = tpu.memref_slice %arg4[%dma_wait3A_390, %dma_wait3A_398, %dma_wait3A_399, %dma_wait3A_400, %dma_wait3A_401] : memref<200x8x32x8x128xf32, #tpu.memory_space<hbm>> -> memref<1x8x1x8x128xf32, #tpu.memory_space<hbm>>
        %dma_wait3A_403 = tpu.memref_squeeze %dma_wait3A_402 : memref<1x8x1x8x128xf32, #tpu.memory_space<hbm>> -> memref<8x1x8x128xf32, #tpu.memory_space<hbm>>
        %dma_wait3A_404 = tpu.memref_slice %arg9[%dma_wait3A_391] : memref<4x!tpu.dma_semaphore, #tpu.memory_space<semaphore_mem>> -> memref<1x!tpu.dma_semaphore, #tpu.memory_space<semaphore_mem>>
        %dma_wait3A_405 = tpu.memref_squeeze %dma_wait3A_404 : memref<1x!tpu.dma_semaphore, #tpu.memory_space<semaphore_mem>> -> memref<!tpu.dma_semaphore, #tpu.memory_space<semaphore_mem>>
        %dma_wait3A_406 = arith.constant 0 : i32
        %dma_wait3A_407 = arith.constant 0 : i32
        %dma_wait3A_408 = arith.constant 0 : i32
        %dma_wait3A_409 = arith.constant 0 : i32
        %dma_wait3A_410 = tpu.memref_slice %arg4[%dma_wait3A_390, %dma_wait3A_406, %dma_wait3A_407, %dma_wait3A_408, %dma_wait3A_409] : memref<200x8x32x8x128xf32, #tpu.memory_space<hbm>> -> memref<1x8x1x8x128xf32, #tpu.memory_space<hbm>>
        %dma_wait3A_411 = tpu.memref_squeeze %dma_wait3A_410 : memref<1x8x1x8x128xf32, #tpu.memory_space<hbm>> -> memref<8x1x8x128xf32, #tpu.memory_space<hbm>>
        %dma_wait3A_412 = arith.constant 0 : i32
        %dma_wait3A_413 = arith.constant 0 : i32
        %dma_wait3A_414 = arith.constant 0 : i32
        %dma_wait3A_415 = arith.constant 0 : i32
        %dma_wait3A_416 = tpu.memref_slice %arg7[%dma_wait3A_389, %dma_wait3A_412, %dma_wait3A_413, %dma_wait3A_414, %dma_wait3A_415] : memref<4x8x1x8x136xf32, #tpu.memory_space<vmem>> -> memref<1x8x1x8x128xf32, #tpu.memory_space<vmem>>
        %dma_wait3A_417 = tpu.memref_squeeze %dma_wait3A_416 : memref<1x8x1x8x128xf32, #tpu.memory_space<vmem>> -> memref<8x1x8x128xf32, #tpu.memory_space<vmem>>
        tpu.wait_dma2 semaphore(%dma_wait3A_405 : memref<!tpu.dma_semaphore, #tpu.memory_space<semaphore_mem>>) src(%dma_wait3A_417 : memref<8x1x8x128xf32, #tpu.memory_space<vmem>>) dst(%dma_wait3A_411 : memref<8x1x8x128xf32, #tpu.memory_space<hbm>>)
      } else {
      }
      %add3A_227 = arith.constant 2 : i32
      %add3A_228 = arith.addi %add3A_203, %add3A_227 : i32
      %lt3A_229 = arith.constant 200 : i32
      %lt3A_230 = arith.cmpi slt, %add3A_228, %lt3A_229 : i32
      %convert_element_type3A_231 = arith.extui %lt3A_230 : i1 to i32
      %cond3A_232 = arith.constant 0 : i32
      %cond3A_233 = arith.cmpi ne, %convert_element_type3A_231, %cond3A_232 : i32
      scf.if %cond3A_233 {
        %add3A_389 = arith.constant 2 : i32
        %add3A_390 = arith.addi %add3A_203, %add3A_389 : i32
        %dma_start3A_391 = arith.constant 3 : i32
        %dma_start3A_392 = arith.constant 3 : i32
        %dma_start3A_393 = arith.constant 0 : i32
        %dma_start3A_394 = arith.constant 0 : i32
        %dma_start3A_395 = tpu.memref_slice %arg6[%dma_start3A_391, %dma_start3A_393, %dma_start3A_394] : memref<4x128x64xf32, #tpu.memory_space<vmem>> -> memref<1x128x64xf32, #tpu.memory_space<vmem>>
        %dma_start3A_396 = tpu.memref_squeeze %dma_start3A_395 : memref<1x128x64xf32, #tpu.memory_space<vmem>> -> memref<128x64xf32, #tpu.memory_space<vmem>>
        %dma_start3A_397 = arith.constant 0 : i32
        %dma_start3A_398 = tpu.memref_slice %arg5[%add3A_390, %dma_start3A_397] : memref<200x128xi32, #tpu.memory_space<vmem>> -> memref<1x128xi32, #tpu.memory_space<vmem>>
        %dma_start3A_399 = tpu.memref_squeeze %dma_start3A_398 : memref<1x128xi32, #tpu.memory_space<vmem>> -> memref<128xi32, #tpu.memory_space<vmem>>
        %dma_start3A_400 = arith.constant 0 : i32
        %dma_start3A_401 = arith.constant 0 : i32
        %dma_start3A_402 = tpu.memref_slice %arg2[%dma_start3A_400, %dma_start3A_401] : memref<2000000x64xf32, #tpu.memory_space<hbm>> -> memref<2000000x64xf32, #tpu.memory_space<hbm>>
        %dma_start3A_403 = tpu.memref_slice %arg8[%dma_start3A_392] : memref<4x!tpu.dma_semaphore, #tpu.memory_space<semaphore_mem>> -> memref<1x!tpu.dma_semaphore, #tpu.memory_space<semaphore_mem>>
        %dma_start3A_404 = tpu.memref_squeeze %dma_start3A_403 : memref<1x!tpu.dma_semaphore, #tpu.memory_space<semaphore_mem>> -> memref<!tpu.dma_semaphore, #tpu.memory_space<semaphore_mem>>
        tpu.enqueue_indirect_dma source(%dma_start3A_402 : memref<2000000x64xf32, #tpu.memory_space<hbm>>) target(%dma_start3A_396 : memref<128x64xf32, #tpu.memory_space<vmem>>) offsets(%dma_start3A_399 : memref<128xi32, #tpu.memory_space<vmem>>) semaphore(%dma_start3A_404 : memref<!tpu.dma_semaphore, #tpu.memory_space<semaphore_mem>>)
      } else {
      }
      %parallel_loop3A_234 = arith.constant 0 : i32
      %parallel_loop3A_235 = arith.constant 128 : i32
      %parallel_loop3A_236 = arith.constant 1 : i32
      scf.for %parallel_loop3A_389 = %parallel_loop3A_234 to %parallel_loop3A_235 step %parallel_loop3A_236  : i32 {
        %parallel_loop3A_390 = vector.broadcast %parallel_loop3A_389 : i32 to vector<16xi32>
        %parallel_loop3A_391 = arith.addi %parallel_loop3A_390, %mul3A_3 : vector<16xi32>
        %parallel_loop3A_392 = arith.constant 1 : i32
        %parallel_loop3A_393 = arith.index_cast %parallel_loop3A_392 : i32 to index
        %parallel_loop3A_394 = arith.index_cast %parallel_loop3A_389 : i32 to index
        %parallel_loop3A_395 = arith.constant 0 : index
        %parallel_loop3A_396 = tpu.vector_load %arg6[%parallel_loop3A_393, %parallel_loop3A_394, %parallel_loop3A_395] {strides = array<i32>} : memref<4x128x64xf32, #tpu.memory_space<vmem>>, vector<16xf32>,
        %parallel_loop3A_397 = arith.constant 8.000000e+00 : f32
        %parallel_loop3A_398 = vector.broadcast %parallel_loop3A_397 : f32 to vector<16xf32>
        %parallel_loop3A_399 = arith.mulf %parallel_loop3A_396, %parallel_loop3A_398 : vector<16xf32>
        %parallel_loop3A_400 = arith.constant 1 : i32
        %parallel_loop3A_401 = arith.constant 0 : i32
        %parallel_loop3A_402 = arith.constant 0 : i32
        %parallel_loop3A_403 = arith.constant 0 : i32
        %parallel_loop3A_404 = arith.constant 0 : i32
        %parallel_loop3A_405 = tpu.memref_slice %arg7[%parallel_loop3A_400, %parallel_loop3A_401, %parallel_loop3A_402, %parallel_loop3A_403, %parallel_loop3A_404] : memref<4x8x1x8x136xf32, #tpu.memory_space<vmem>> -> memref<1x8x1x8x136xf32, #tpu.memory_space<vmem>>
        %parallel_loop3A_406 = tpu.memref_squeeze %parallel_loop3A_405 : memref<1x8x1x8x136xf32, #tpu.memory_space<vmem>> -> memref<8x1x8x136xf32, #tpu.memory_space<vmem>>
        tpu.vector_store_idx %parallel_loop3A_406[%shift_right_arithmetic3A_8, %mul3A_3, %and3A_31, %parallel_loop3A_391], %parallel_loop3A_399 : memref<8x1x8x136xf32, #tpu.memory_space<vmem>>[vector<16xi32>, vector<16xi32>, vector<16xi32>, vector<16xi32>], vector<16xf32>,
        %parallel_loop3A_407 = arith.constant 1 : i32
        %parallel_loop3A_408 = arith.index_cast %parallel_loop3A_407 : i32 to index
        %parallel_loop3A_409 = arith.index_cast %parallel_loop3A_389 : i32 to index
        %parallel_loop3A_410 = arith.constant 16 : index
        %parallel_loop3A_411 = tpu.vector_load %arg6[%parallel_loop3A_408, %parallel_loop3A_409, %parallel_loop3A_410] {strides = array<i32>} : memref<4x128x64xf32, #tpu.memory_space<vmem>>, vector<16xf32>,
        %parallel_loop3A_412 = arith.constant 8.000000e+00 : f32
        %parallel_loop3A_413 = vector.broadcast %parallel_loop3A_412 : f32 to vector<16xf32>
        %parallel_loop3A_414 = arith.mulf %parallel_loop3A_411, %parallel_loop3A_413 : vector<16xf32>
        %parallel_loop3A_415 = arith.constant 1 : i32
        %parallel_loop3A_416 = arith.constant 0 : i32
        %parallel_loop3A_417 = arith.constant 0 : i32
        %parallel_loop3A_418 = arith.constant 0 : i32
        %parallel_loop3A_419 = arith.constant 0 : i32
        %parallel_loop3A_420 = tpu.memref_slice %arg7[%parallel_loop3A_415, %parallel_loop3A_416, %parallel_loop3A_417, %parallel_loop3A_418, %parallel_loop3A_419] : memref<4x8x1x8x136xf32, #tpu.memory_space<vmem>> -> memref<1x8x1x8x136xf32, #tpu.memory_space<vmem>>
        %parallel_loop3A_421 = tpu.memref_squeeze %parallel_loop3A_420 : memref<1x8x1x8x136xf32, #tpu.memory_space<vmem>> -> memref<8x1x8x136xf32, #tpu.memory_space<vmem>>
        tpu.vector_store_idx %parallel_loop3A_421[%shift_right_arithmetic3A_14, %mul3A_3, %and3A_37, %parallel_loop3A_391], %parallel_loop3A_414 : memref<8x1x8x136xf32, #tpu.memory_space<vmem>>[vector<16xi32>, vector<16xi32>, vector<16xi32>, vector<16xi32>], vector<16xf32>,
        %parallel_loop3A_422 = arith.constant 1 : i32
        %parallel_loop3A_423 = arith.index_cast %parallel_loop3A_422 : i32 to index
        %parallel_loop3A_424 = arith.index_cast %parallel_loop3A_389 : i32 to index
        %parallel_loop3A_425 = arith.constant 32 : index
        %parallel_loop3A_426 = tpu.vector_load %arg6[%parallel_loop3A_423, %parallel_loop3A_424, %parallel_loop3A_425] {strides = array<i32>} : memref<4x128x64xf32, #tpu.memory_space<vmem>>, vector<16xf32>,
        %parallel_loop3A_427 = arith.constant 8.000000e+00 : f32
        %parallel_loop3A_428 = vector.broadcast %parallel_loop3A_427 : f32 to vector<16xf32>
        %parallel_loop3A_429 = arith.mulf %parallel_loop3A_426, %parallel_loop3A_428 : vector<16xf32>
        %parallel_loop3A_430 = arith.constant 1 : i32
        %parallel_loop3A_431 = arith.constant 0 : i32
        %parallel_loop3A_432 = arith.constant 0 : i32
        %parallel_loop3A_433 = arith.constant 0 : i32
        %parallel_loop3A_434 = arith.constant 0 : i32
        %parallel_loop3A_435 = tpu.memref_slice %arg7[%parallel_loop3A_430, %parallel_loop3A_431, %parallel_loop3A_432, %parallel_loop3A_433, %parallel_loop3A_434] : memref<4x8x1x8x136xf32, #tpu.memory_space<vmem>> -> memref<1x8x1x8x136xf32, #tpu.memory_space<vmem>>
        %parallel_loop3A_436 = tpu.memref_squeeze %parallel_loop3A_435 : memref<1x8x1x8x136xf32, #tpu.memory_space<vmem>> -> memref<8x1x8x136xf32, #tpu.memory_space<vmem>>
        tpu.vector_store_idx %parallel_loop3A_436[%shift_right_arithmetic3A_20, %mul3A_3, %and3A_43, %parallel_loop3A_391], %parallel_loop3A_429 : memref<8x1x8x136xf32, #tpu.memory_space<vmem>>[vector<16xi32>, vector<16xi32>, vector<16xi32>, vector<16xi32>], vector<16xf32>,
        %parallel_loop3A_437 = arith.constant 1 : i32
        %parallel_loop3A_438 = arith.index_cast %parallel_loop3A_437 : i32 to index
        %parallel_loop3A_439 = arith.index_cast %parallel_loop3A_389 : i32 to index
        %parallel_loop3A_440 = arith.constant 48 : index
        %parallel_loop3A_441 = tpu.vector_load %arg6[%parallel_loop3A_438, %parallel_loop3A_439, %parallel_loop3A_440] {strides = array<i32>} : memref<4x128x64xf32, #tpu.memory_space<vmem>>, vector<16xf32>,
        %parallel_loop3A_442 = arith.constant 8.000000e+00 : f32
        %parallel_loop3A_443 = vector.broadcast %parallel_loop3A_442 : f32 to vector<16xf32>
        %parallel_loop3A_444 = arith.mulf %parallel_loop3A_441, %parallel_loop3A_443 : vector<16xf32>
        %parallel_loop3A_445 = arith.constant 1 : i32
        %parallel_loop3A_446 = arith.constant 0 : i32
        %parallel_loop3A_447 = arith.constant 0 : i32
        %parallel_loop3A_448 = arith.constant 0 : i32
        %parallel_loop3A_449 = arith.constant 0 : i32
        %parallel_loop3A_450 = tpu.memref_slice %arg7[%parallel_loop3A_445, %parallel_loop3A_446, %parallel_loop3A_447, %parallel_loop3A_448, %parallel_loop3A_449] : memref<4x8x1x8x136xf32, #tpu.memory_space<vmem>> -> memref<1x8x1x8x136xf32, #tpu.memory_space<vmem>>
        %parallel_loop3A_451 = tpu.memref_squeeze %parallel_loop3A_450 : memref<1x8x1x8x136xf32, #tpu.memory_space<vmem>> -> memref<8x1x8x136xf32, #tpu.memory_space<vmem>>
        tpu.vector_store_idx %parallel_loop3A_451[%shift_right_arithmetic3A_26, %mul3A_3, %and3A_49, %parallel_loop3A_391], %parallel_loop3A_444 : memref<8x1x8x136xf32, #tpu.memory_space<vmem>>[vector<16xi32>, vector<16xi32>, vector<16xi32>, vector<16xi32>], vector<16xf32>,
      } {sc.loop_unroll_factor = 8 : i64, sc.parallel_access}
      %dma_start3A_237 = arith.constant 1 : i32
      %dma_start3A_238 = arith.constant 1 : i32
      %dma_start3A_239 = arith.constant 0 : i32
      %dma_start3A_240 = arith.constant 0 : i32
      %dma_start3A_241 = arith.constant 0 : i32
      %dma_start3A_242 = arith.constant 0 : i32
      %dma_start3A_243 = tpu.memref_slice %arg7[%dma_start3A_237, %dma_start3A_239, %dma_start3A_240, %dma_start3A_241, %dma_start3A_242] : memref<4x8x1x8x136xf32, #tpu.memory_space<vmem>> -> memref<1x8x1x8x128xf32, #tpu.memory_space<vmem>>
      %dma_start3A_244 = tpu.memref_squeeze %dma_start3A_243 : memref<1x8x1x8x128xf32, #tpu.memory_space<vmem>> -> memref<8x1x8x128xf32, #tpu.memory_space<vmem>>
      %dma_start3A_245 = arith.constant 0 : i32
      %dma_start3A_246 = arith.constant 0 : i32
      %dma_start3A_247 = arith.constant 0 : i32
      %dma_start3A_248 = tpu.memref_slice %arg4[%add3A_203, %dma_start3A_245, %add3A, %dma_start3A_246, %dma_start3A_247] : memref<200x8x32x8x128xf32, #tpu.memory_space<hbm>> -> memref<1x8x1x8x128xf32, #tpu.memory_space<hbm>>
      %dma_start3A_249 = tpu.memref_squeeze %dma_start3A_248 : memref<1x8x1x8x128xf32, #tpu.memory_space<hbm>> -> memref<8x1x8x128xf32, #tpu.memory_space<hbm>>
      %dma_start3A_250 = tpu.memref_slice %arg9[%dma_start3A_238] : memref<4x!tpu.dma_semaphore, #tpu.memory_space<semaphore_mem>> -> memref<1x!tpu.dma_semaphore, #tpu.memory_space<semaphore_mem>>
      %dma_start3A_251 = tpu.memref_squeeze %dma_start3A_250 : memref<1x!tpu.dma_semaphore, #tpu.memory_space<semaphore_mem>> -> memref<!tpu.dma_semaphore, #tpu.memory_space<semaphore_mem>>
      %dma_start3A_252 = arith.constant 0 : i32
      %dma_start3A_253 = arith.constant 0 : i32
      %dma_start3A_254 = arith.constant 0 : i32
      %dma_start3A_255 = tpu.memref_slice %arg4[%add3A_203, %dma_start3A_252, %add3A, %dma_start3A_253, %dma_start3A_254] : memref<200x8x32x8x128xf32, #tpu.memory_space<hbm>> -> memref<1x8x1x8x128xf32, #tpu.memory_space<hbm>>
      %dma_start3A_256 = tpu.memref_squeeze %dma_start3A_255 : memref<1x8x1x8x128xf32, #tpu.memory_space<hbm>> -> memref<8x1x8x128xf32, #tpu.memory_space<hbm>>
      %dma_start3A_257 = arith.constant 0 : i32
      %dma_start3A_258 = arith.constant 0 : i32
      %dma_start3A_259 = arith.constant 0 : i32
      %dma_start3A_260 = arith.constant 0 : i32
      %dma_start3A_261 = tpu.memref_slice %arg7[%dma_start3A_237, %dma_start3A_257, %dma_start3A_258, %dma_start3A_259, %dma_start3A_260] : memref<4x8x1x8x136xf32, #tpu.memory_space<vmem>> -> memref<1x8x1x8x128xf32, #tpu.memory_space<vmem>>
      %dma_start3A_262 = tpu.memref_squeeze %dma_start3A_261 : memref<1x8x1x8x128xf32, #tpu.memory_space<vmem>> -> memref<8x1x8x128xf32, #tpu.memory_space<vmem>>
      tpu.enqueue_dma source(%dma_start3A_262 : memref<8x1x8x128xf32, #tpu.memory_space<vmem>>) target(%dma_start3A_256 : memref<8x1x8x128xf32, #tpu.memory_space<hbm>>) target_semaphore(%dma_start3A_251 : memref<!tpu.dma_semaphore, #tpu.memory_space<semaphore_mem>>)
      %mul3A_263 = arith.constant 4 : i32
      %mul3A_264 = arith.muli %scan3A_141, %mul3A_263 : i32
      %add3A_265 = arith.constant 2 : i32
      %add3A_266 = arith.addi %mul3A_264, %add3A_265 : i32
      %dma_wait3A_267 = arith.constant 2 : i32
      %dma_wait3A_268 = arith.constant 2 : i32
      %dma_wait3A_269 = arith.constant 0 : i32
      %dma_wait3A_270 = arith.constant 0 : i32
      %dma_wait3A_271 = tpu.memref_slice %arg6[%dma_wait3A_267, %dma_wait3A_269, %dma_wait3A_270] : memref<4x128x64xf32, #tpu.memory_space<vmem>> -> memref<1x128x64xf32, #tpu.memory_space<vmem>>
      %dma_wait3A_272 = tpu.memref_squeeze %dma_wait3A_271 : memref<1x128x64xf32, #tpu.memory_space<vmem>> -> memref<128x64xf32, #tpu.memory_space<vmem>>
      %dma_wait3A_273 = arith.constant 0 : i32
      %dma_wait3A_274 = arith.constant 0 : i32
      %dma_wait3A_275 = tpu.memref_slice %arg2[%dma_wait3A_273, %dma_wait3A_274] : memref<2000000x64xf32, #tpu.memory_space<hbm>> -> memref<128x64xf32, #tpu.memory_space<hbm>>
      %dma_wait3A_276 = tpu.memref_slice %arg8[%dma_wait3A_268] : memref<4x!tpu.dma_semaphore, #tpu.memory_space<semaphore_mem>> -> memref<1x!tpu.dma_semaphore, #tpu.memory_space<semaphore_mem>>
      %dma_wait3A_277 = tpu.memref_squeeze %dma_wait3A_276 : memref<1x!tpu.dma_semaphore, #tpu.memory_space<semaphore_mem>> -> memref<!tpu.dma_semaphore, #tpu.memory_space<semaphore_mem>>
      %dma_wait3A_278 = arith.constant 0 : i32
      %dma_wait3A_279 = arith.constant 0 : i32
      %dma_wait3A_280 = tpu.memref_slice %arg6[%dma_wait3A_267, %dma_wait3A_278, %dma_wait3A_279] : memref<4x128x64xf32, #tpu.memory_space<vmem>> -> memref<1x128x64xf32, #tpu.memory_space<vmem>>
      %dma_wait3A_281 = tpu.memref_squeeze %dma_wait3A_280 : memref<1x128x64xf32, #tpu.memory_space<vmem>> -> memref<128x64xf32, #tpu.memory_space<vmem>>
      %dma_wait3A_282 = arith.constant 0 : i32
      %dma_wait3A_283 = arith.constant 0 : i32
      %dma_wait3A_284 = tpu.memref_slice %arg2[%dma_wait3A_282, %dma_wait3A_283] : memref<2000000x64xf32, #tpu.memory_space<hbm>> -> memref<128x64xf32, #tpu.memory_space<hbm>>
      tpu.wait_dma2 semaphore(%dma_wait3A_277 : memref<!tpu.dma_semaphore, #tpu.memory_space<semaphore_mem>>) src(%dma_wait3A_284 : memref<128x64xf32, #tpu.memory_space<hbm>>) dst(%dma_wait3A_281 : memref<128x64xf32, #tpu.memory_space<vmem>>)
      %ge3A_285 = arith.constant 2 : i32
      %ge3A_286 = arith.cmpi sge, %add3A_266, %ge3A_285 : i32
      %convert_element_type3A_287 = arith.extui %ge3A_286 : i1 to i32
      %cond3A_288 = arith.constant 0 : i32
      %cond3A_289 = arith.cmpi ne, %convert_element_type3A_287, %cond3A_288 : i32
      scf.if %cond3A_289 {
        %dma_wait3A_389 = arith.constant 0 : i32
        %dma_wait3A_390 = arith.constant 0 : i32
        %dma_wait3A_391 = arith.constant 0 : i32
        %dma_wait3A_392 = arith.constant 0 : i32
        %dma_wait3A_393 = arith.constant 0 : i32
        %dma_wait3A_394 = arith.constant 0 : i32
        %dma_wait3A_395 = arith.constant 0 : i32
        %dma_wait3A_396 = tpu.memref_slice %arg7[%dma_wait3A_389, %dma_wait3A_392, %dma_wait3A_393, %dma_wait3A_394, %dma_wait3A_395] : memref<4x8x1x8x136xf32, #tpu.memory_space<vmem>> -> memref<1x8x1x8x128xf32, #tpu.memory_space<vmem>>
        %dma_wait3A_397 = tpu.memref_squeeze %dma_wait3A_396 : memref<1x8x1x8x128xf32, #tpu.memory_space<vmem>> -> memref<8x1x8x128xf32, #tpu.memory_space<vmem>>
        %dma_wait3A_398 = arith.constant 0 : i32
        %dma_wait3A_399 = arith.constant 0 : i32
        %dma_wait3A_400 = arith.constant 0 : i32
        %dma_wait3A_401 = arith.constant 0 : i32
        %dma_wait3A_402 = tpu.memref_slice %arg4[%dma_wait3A_390, %dma_wait3A_398, %dma_wait3A_399, %dma_wait3A_400, %dma_wait3A_401] : memref<200x8x32x8x128xf32, #tpu.memory_space<hbm>> -> memref<1x8x1x8x128xf32, #tpu.memory_space<hbm>>
        %dma_wait3A_403 = tpu.memref_squeeze %dma_wait3A_402 : memref<1x8x1x8x128xf32, #tpu.memory_space<hbm>> -> memref<8x1x8x128xf32, #tpu.memory_space<hbm>>
        %dma_wait3A_404 = tpu.memref_slice %arg9[%dma_wait3A_391] : memref<4x!tpu.dma_semaphore, #tpu.memory_space<semaphore_mem>> -> memref<1x!tpu.dma_semaphore, #tpu.memory_space<semaphore_mem>>
        %dma_wait3A_405 = tpu.memref_squeeze %dma_wait3A_404 : memref<1x!tpu.dma_semaphore, #tpu.memory_space<semaphore_mem>> -> memref<!tpu.dma_semaphore, #tpu.memory_space<semaphore_mem>>
        %dma_wait3A_406 = arith.constant 0 : i32
        %dma_wait3A_407 = arith.constant 0 : i32
        %dma_wait3A_408 = arith.constant 0 : i32
        %dma_wait3A_409 = arith.constant 0 : i32
        %dma_wait3A_410 = tpu.memref_slice %arg4[%dma_wait3A_390, %dma_wait3A_406, %dma_wait3A_407, %dma_wait3A_408, %dma_wait3A_409] : memref<200x8x32x8x128xf32, #tpu.memory_space<hbm>> -> memref<1x8x1x8x128xf32, #tpu.memory_space<hbm>>
        %dma_wait3A_411 = tpu.memref_squeeze %dma_wait3A_410 : memref<1x8x1x8x128xf32, #tpu.memory_space<hbm>> -> memref<8x1x8x128xf32, #tpu.memory_space<hbm>>
        %dma_wait3A_412 = arith.constant 0 : i32
        %dma_wait3A_413 = arith.constant 0 : i32
        %dma_wait3A_414 = arith.constant 0 : i32
        %dma_wait3A_415 = arith.constant 0 : i32
        %dma_wait3A_416 = tpu.memref_slice %arg7[%dma_wait3A_389, %dma_wait3A_412, %dma_wait3A_413, %dma_wait3A_414, %dma_wait3A_415] : memref<4x8x1x8x136xf32, #tpu.memory_space<vmem>> -> memref<1x8x1x8x128xf32, #tpu.memory_space<vmem>>
        %dma_wait3A_417 = tpu.memref_squeeze %dma_wait3A_416 : memref<1x8x1x8x128xf32, #tpu.memory_space<vmem>> -> memref<8x1x8x128xf32, #tpu.memory_space<vmem>>
        tpu.wait_dma2 semaphore(%dma_wait3A_405 : memref<!tpu.dma_semaphore, #tpu.memory_space<semaphore_mem>>) src(%dma_wait3A_417 : memref<8x1x8x128xf32, #tpu.memory_space<vmem>>) dst(%dma_wait3A_411 : memref<8x1x8x128xf32, #tpu.memory_space<hbm>>)
      } else {
      }
      %add3A_290 = arith.constant 2 : i32
      %add3A_291 = arith.addi %add3A_266, %add3A_290 : i32
      %lt3A_292 = arith.constant 200 : i32
      %lt3A_293 = arith.cmpi slt, %add3A_291, %lt3A_292 : i32
      %convert_element_type3A_294 = arith.extui %lt3A_293 : i1 to i32
      %cond3A_295 = arith.constant 0 : i32
      %cond3A_296 = arith.cmpi ne, %convert_element_type3A_294, %cond3A_295 : i32
      scf.if %cond3A_296 {
        %add3A_389 = arith.constant 2 : i32
        %add3A_390 = arith.addi %add3A_266, %add3A_389 : i32
        %dma_start3A_391 = arith.constant 0 : i32
        %dma_start3A_392 = arith.constant 0 : i32
        %dma_start3A_393 = arith.constant 0 : i32
        %dma_start3A_394 = arith.constant 0 : i32
        %dma_start3A_395 = tpu.memref_slice %arg6[%dma_start3A_391, %dma_start3A_393, %dma_start3A_394] : memref<4x128x64xf32, #tpu.memory_space<vmem>> -> memref<1x128x64xf32, #tpu.memory_space<vmem>>
        %dma_start3A_396 = tpu.memref_squeeze %dma_start3A_395 : memref<1x128x64xf32, #tpu.memory_space<vmem>> -> memref<128x64xf32, #tpu.memory_space<vmem>>
        %dma_start3A_397 = arith.constant 0 : i32
        %dma_start3A_398 = tpu.memref_slice %arg5[%add3A_390, %dma_start3A_397] : memref<200x128xi32, #tpu.memory_space<vmem>> -> memref<1x128xi32, #tpu.memory_space<vmem>>
        %dma_start3A_399 = tpu.memref_squeeze %dma_start3A_398 : memref<1x128xi32, #tpu.memory_space<vmem>> -> memref<128xi32, #tpu.memory_space<vmem>>
        %dma_start3A_400 = arith.constant 0 : i32
        %dma_start3A_401 = arith.constant 0 : i32
        %dma_start3A_402 = tpu.memref_slice %arg2[%dma_start3A_400, %dma_start3A_401] : memref<2000000x64xf32, #tpu.memory_space<hbm>> -> memref<2000000x64xf32, #tpu.memory_space<hbm>>
        %dma_start3A_403 = tpu.memref_slice %arg8[%dma_start3A_392] : memref<4x!tpu.dma_semaphore, #tpu.memory_space<semaphore_mem>> -> memref<1x!tpu.dma_semaphore, #tpu.memory_space<semaphore_mem>>
        %dma_start3A_404 = tpu.memref_squeeze %dma_start3A_403 : memref<1x!tpu.dma_semaphore, #tpu.memory_space<semaphore_mem>> -> memref<!tpu.dma_semaphore, #tpu.memory_space<semaphore_mem>>
        tpu.enqueue_indirect_dma source(%dma_start3A_402 : memref<2000000x64xf32, #tpu.memory_space<hbm>>) target(%dma_start3A_396 : memref<128x64xf32, #tpu.memory_space<vmem>>) offsets(%dma_start3A_399 : memref<128xi32, #tpu.memory_space<vmem>>) semaphore(%dma_start3A_404 : memref<!tpu.dma_semaphore, #tpu.memory_space<semaphore_mem>>)
      } else {
      }
      %parallel_loop3A_297 = arith.constant 0 : i32
      %parallel_loop3A_298 = arith.constant 128 : i32
      %parallel_loop3A_299 = arith.constant 1 : i32
      scf.for %parallel_loop3A_389 = %parallel_loop3A_297 to %parallel_loop3A_298 step %parallel_loop3A_299  : i32 {
        %parallel_loop3A_390 = vector.broadcast %parallel_loop3A_389 : i32 to vector<16xi32>
        %parallel_loop3A_391 = arith.addi %parallel_loop3A_390, %mul3A_3 : vector<16xi32>
        %parallel_loop3A_392 = arith.constant 2 : i32
        %parallel_loop3A_393 = arith.index_cast %parallel_loop3A_392 : i32 to index
        %parallel_loop3A_394 = arith.index_cast %parallel_loop3A_389 : i32 to index
        %parallel_loop3A_395 = arith.constant 0 : index
        %parallel_loop3A_396 = tpu.vector_load %arg6[%parallel_loop3A_393, %parallel_loop3A_394, %parallel_loop3A_395] {strides = array<i32>} : memref<4x128x64xf32, #tpu.memory_space<vmem>>, vector<16xf32>,
        %parallel_loop3A_397 = arith.constant 8.000000e+00 : f32
        %parallel_loop3A_398 = vector.broadcast %parallel_loop3A_397 : f32 to vector<16xf32>
        %parallel_loop3A_399 = arith.mulf %parallel_loop3A_396, %parallel_loop3A_398 : vector<16xf32>
        %parallel_loop3A_400 = arith.constant 2 : i32
        %parallel_loop3A_401 = arith.constant 0 : i32
        %parallel_loop3A_402 = arith.constant 0 : i32
        %parallel_loop3A_403 = arith.constant 0 : i32
        %parallel_loop3A_404 = arith.constant 0 : i32
        %parallel_loop3A_405 = tpu.memref_slice %arg7[%parallel_loop3A_400, %parallel_loop3A_401, %parallel_loop3A_402, %parallel_loop3A_403, %parallel_loop3A_404] : memref<4x8x1x8x136xf32, #tpu.memory_space<vmem>> -> memref<1x8x1x8x136xf32, #tpu.memory_space<vmem>>
        %parallel_loop3A_406 = tpu.memref_squeeze %parallel_loop3A_405 : memref<1x8x1x8x136xf32, #tpu.memory_space<vmem>> -> memref<8x1x8x136xf32, #tpu.memory_space<vmem>>
        tpu.vector_store_idx %parallel_loop3A_406[%shift_right_arithmetic3A_8, %mul3A_3, %and3A_31, %parallel_loop3A_391], %parallel_loop3A_399 : memref<8x1x8x136xf32, #tpu.memory_space<vmem>>[vector<16xi32>, vector<16xi32>, vector<16xi32>, vector<16xi32>], vector<16xf32>,
        %parallel_loop3A_407 = arith.constant 2 : i32
        %parallel_loop3A_408 = arith.index_cast %parallel_loop3A_407 : i32 to index
        %parallel_loop3A_409 = arith.index_cast %parallel_loop3A_389 : i32 to index
        %parallel_loop3A_410 = arith.constant 16 : index
        %parallel_loop3A_411 = tpu.vector_load %arg6[%parallel_loop3A_408, %parallel_loop3A_409, %parallel_loop3A_410] {strides = array<i32>} : memref<4x128x64xf32, #tpu.memory_space<vmem>>, vector<16xf32>,
        %parallel_loop3A_412 = arith.constant 8.000000e+00 : f32
        %parallel_loop3A_413 = vector.broadcast %parallel_loop3A_412 : f32 to vector<16xf32>
        %parallel_loop3A_414 = arith.mulf %parallel_loop3A_411, %parallel_loop3A_413 : vector<16xf32>
        %parallel_loop3A_415 = arith.constant 2 : i32
        %parallel_loop3A_416 = arith.constant 0 : i32
        %parallel_loop3A_417 = arith.constant 0 : i32
        %parallel_loop3A_418 = arith.constant 0 : i32
        %parallel_loop3A_419 = arith.constant 0 : i32
        %parallel_loop3A_420 = tpu.memref_slice %arg7[%parallel_loop3A_415, %parallel_loop3A_416, %parallel_loop3A_417, %parallel_loop3A_418, %parallel_loop3A_419] : memref<4x8x1x8x136xf32, #tpu.memory_space<vmem>> -> memref<1x8x1x8x136xf32, #tpu.memory_space<vmem>>
        %parallel_loop3A_421 = tpu.memref_squeeze %parallel_loop3A_420 : memref<1x8x1x8x136xf32, #tpu.memory_space<vmem>> -> memref<8x1x8x136xf32, #tpu.memory_space<vmem>>
        tpu.vector_store_idx %parallel_loop3A_421[%shift_right_arithmetic3A_14, %mul3A_3, %and3A_37, %parallel_loop3A_391], %parallel_loop3A_414 : memref<8x1x8x136xf32, #tpu.memory_space<vmem>>[vector<16xi32>, vector<16xi32>, vector<16xi32>, vector<16xi32>], vector<16xf32>,
        %parallel_loop3A_422 = arith.constant 2 : i32
        %parallel_loop3A_423 = arith.index_cast %parallel_loop3A_422 : i32 to index
        %parallel_loop3A_424 = arith.index_cast %parallel_loop3A_389 : i32 to index
        %parallel_loop3A_425 = arith.constant 32 : index
        %parallel_loop3A_426 = tpu.vector_load %arg6[%parallel_loop3A_423, %parallel_loop3A_424, %parallel_loop3A_425] {strides = array<i32>} : memref<4x128x64xf32, #tpu.memory_space<vmem>>, vector<16xf32>,
        %parallel_loop3A_427 = arith.constant 8.000000e+00 : f32
        %parallel_loop3A_428 = vector.broadcast %parallel_loop3A_427 : f32 to vector<16xf32>
        %parallel_loop3A_429 = arith.mulf %parallel_loop3A_426, %parallel_loop3A_428 : vector<16xf32>
        %parallel_loop3A_430 = arith.constant 2 : i32
        %parallel_loop3A_431 = arith.constant 0 : i32
        %parallel_loop3A_432 = arith.constant 0 : i32
        %parallel_loop3A_433 = arith.constant 0 : i32
        %parallel_loop3A_434 = arith.constant 0 : i32
        %parallel_loop3A_435 = tpu.memref_slice %arg7[%parallel_loop3A_430, %parallel_loop3A_431, %parallel_loop3A_432, %parallel_loop3A_433, %parallel_loop3A_434] : memref<4x8x1x8x136xf32, #tpu.memory_space<vmem>> -> memref<1x8x1x8x136xf32, #tpu.memory_space<vmem>>
        %parallel_loop3A_436 = tpu.memref_squeeze %parallel_loop3A_435 : memref<1x8x1x8x136xf32, #tpu.memory_space<vmem>> -> memref<8x1x8x136xf32, #tpu.memory_space<vmem>>
        tpu.vector_store_idx %parallel_loop3A_436[%shift_right_arithmetic3A_20, %mul3A_3, %and3A_43, %parallel_loop3A_391], %parallel_loop3A_429 : memref<8x1x8x136xf32, #tpu.memory_space<vmem>>[vector<16xi32>, vector<16xi32>, vector<16xi32>, vector<16xi32>], vector<16xf32>,
        %parallel_loop3A_437 = arith.constant 2 : i32
        %parallel_loop3A_438 = arith.index_cast %parallel_loop3A_437 : i32 to index
        %parallel_loop3A_439 = arith.index_cast %parallel_loop3A_389 : i32 to index
        %parallel_loop3A_440 = arith.constant 48 : index
        %parallel_loop3A_441 = tpu.vector_load %arg6[%parallel_loop3A_438, %parallel_loop3A_439, %parallel_loop3A_440] {strides = array<i32>} : memref<4x128x64xf32, #tpu.memory_space<vmem>>, vector<16xf32>,
        %parallel_loop3A_442 = arith.constant 8.000000e+00 : f32
        %parallel_loop3A_443 = vector.broadcast %parallel_loop3A_442 : f32 to vector<16xf32>
        %parallel_loop3A_444 = arith.mulf %parallel_loop3A_441, %parallel_loop3A_443 : vector<16xf32>
        %parallel_loop3A_445 = arith.constant 2 : i32
        %parallel_loop3A_446 = arith.constant 0 : i32
        %parallel_loop3A_447 = arith.constant 0 : i32
        %parallel_loop3A_448 = arith.constant 0 : i32
        %parallel_loop3A_449 = arith.constant 0 : i32
        %parallel_loop3A_450 = tpu.memref_slice %arg7[%parallel_loop3A_445, %parallel_loop3A_446, %parallel_loop3A_447, %parallel_loop3A_448, %parallel_loop3A_449] : memref<4x8x1x8x136xf32, #tpu.memory_space<vmem>> -> memref<1x8x1x8x136xf32, #tpu.memory_space<vmem>>
        %parallel_loop3A_451 = tpu.memref_squeeze %parallel_loop3A_450 : memref<1x8x1x8x136xf32, #tpu.memory_space<vmem>> -> memref<8x1x8x136xf32, #tpu.memory_space<vmem>>
        tpu.vector_store_idx %parallel_loop3A_451[%shift_right_arithmetic3A_26, %mul3A_3, %and3A_49, %parallel_loop3A_391], %parallel_loop3A_444 : memref<8x1x8x136xf32, #tpu.memory_space<vmem>>[vector<16xi32>, vector<16xi32>, vector<16xi32>, vector<16xi32>], vector<16xf32>,
      } {sc.loop_unroll_factor = 8 : i64, sc.parallel_access}
      %dma_start3A_300 = arith.constant 2 : i32
      %dma_start3A_301 = arith.constant 2 : i32
      %dma_start3A_302 = arith.constant 0 : i32
      %dma_start3A_303 = arith.constant 0 : i32
      %dma_start3A_304 = arith.constant 0 : i32
      %dma_start3A_305 = arith.constant 0 : i32
      %dma_start3A_306 = tpu.memref_slice %arg7[%dma_start3A_300, %dma_start3A_302, %dma_start3A_303, %dma_start3A_304, %dma_start3A_305] : memref<4x8x1x8x136xf32, #tpu.memory_space<vmem>> -> memref<1x8x1x8x128xf32, #tpu.memory_space<vmem>>
      %dma_start3A_307 = tpu.memref_squeeze %dma_start3A_306 : memref<1x8x1x8x128xf32, #tpu.memory_space<vmem>> -> memref<8x1x8x128xf32, #tpu.memory_space<vmem>>
      %dma_start3A_308 = arith.constant 0 : i32
      %dma_start3A_309 = arith.constant 0 : i32
      %dma_start3A_310 = arith.constant 0 : i32
      %dma_start3A_311 = tpu.memref_slice %arg4[%add3A_266, %dma_start3A_308, %add3A, %dma_start3A_309, %dma_start3A_310] : memref<200x8x32x8x128xf32, #tpu.memory_space<hbm>> -> memref<1x8x1x8x128xf32, #tpu.memory_space<hbm>>
      %dma_start3A_312 = tpu.memref_squeeze %dma_start3A_311 : memref<1x8x1x8x128xf32, #tpu.memory_space<hbm>> -> memref<8x1x8x128xf32, #tpu.memory_space<hbm>>
      %dma_start3A_313 = tpu.memref_slice %arg9[%dma_start3A_301] : memref<4x!tpu.dma_semaphore, #tpu.memory_space<semaphore_mem>> -> memref<1x!tpu.dma_semaphore, #tpu.memory_space<semaphore_mem>>
      %dma_start3A_314 = tpu.memref_squeeze %dma_start3A_313 : memref<1x!tpu.dma_semaphore, #tpu.memory_space<semaphore_mem>> -> memref<!tpu.dma_semaphore, #tpu.memory_space<semaphore_mem>>
      %dma_start3A_315 = arith.constant 0 : i32
      %dma_start3A_316 = arith.constant 0 : i32
      %dma_start3A_317 = arith.constant 0 : i32
      %dma_start3A_318 = tpu.memref_slice %arg4[%add3A_266, %dma_start3A_315, %add3A, %dma_start3A_316, %dma_start3A_317] : memref<200x8x32x8x128xf32, #tpu.memory_space<hbm>> -> memref<1x8x1x8x128xf32, #tpu.memory_space<hbm>>
      %dma_start3A_319 = tpu.memref_squeeze %dma_start3A_318 : memref<1x8x1x8x128xf32, #tpu.memory_space<hbm>> -> memref<8x1x8x128xf32, #tpu.memory_space<hbm>>
      %dma_start3A_320 = arith.constant 0 : i32
      %dma_start3A_321 = arith.constant 0 : i32
      %dma_start3A_322 = arith.constant 0 : i32
      %dma_start3A_323 = arith.constant 0 : i32
      %dma_start3A_324 = tpu.memref_slice %arg7[%dma_start3A_300, %dma_start3A_320, %dma_start3A_321, %dma_start3A_322, %dma_start3A_323] : memref<4x8x1x8x136xf32, #tpu.memory_space<vmem>> -> memref<1x8x1x8x128xf32, #tpu.memory_space<vmem>>
      %dma_start3A_325 = tpu.memref_squeeze %dma_start3A_324 : memref<1x8x1x8x128xf32, #tpu.memory_space<vmem>> -> memref<8x1x8x128xf32, #tpu.memory_space<vmem>>
      tpu.enqueue_dma source(%dma_start3A_325 : memref<8x1x8x128xf32, #tpu.memory_space<vmem>>) target(%dma_start3A_319 : memref<8x1x8x128xf32, #tpu.memory_space<hbm>>) target_semaphore(%dma_start3A_314 : memref<!tpu.dma_semaphore, #tpu.memory_space<semaphore_mem>>)
      %mul3A_326 = arith.constant 4 : i32
      %mul3A_327 = arith.muli %scan3A_141, %mul3A_326 : i32
      %add3A_328 = arith.constant 3 : i32
      %add3A_329 = arith.addi %mul3A_327, %add3A_328 : i32
      %dma_wait3A_330 = arith.constant 3 : i32
      %dma_wait3A_331 = arith.constant 3 : i32
      %dma_wait3A_332 = arith.constant 0 : i32
      %dma_wait3A_333 = arith.constant 0 : i32
      %dma_wait3A_334 = tpu.memref_slice %arg6[%dma_wait3A_330, %dma_wait3A_332, %dma_wait3A_333] : memref<4x128x64xf32, #tpu.memory_space<vmem>> -> memref<1x128x64xf32, #tpu.memory_space<vmem>>
      %dma_wait3A_335 = tpu.memref_squeeze %dma_wait3A_334 : memref<1x128x64xf32, #tpu.memory_space<vmem>> -> memref<128x64xf32, #tpu.memory_space<vmem>>
      %dma_wait3A_336 = arith.constant 0 : i32
      %dma_wait3A_337 = arith.constant 0 : i32
      %dma_wait3A_338 = tpu.memref_slice %arg2[%dma_wait3A_336, %dma_wait3A_337] : memref<2000000x64xf32, #tpu.memory_space<hbm>> -> memref<128x64xf32, #tpu.memory_space<hbm>>
      %dma_wait3A_339 = tpu.memref_slice %arg8[%dma_wait3A_331] : memref<4x!tpu.dma_semaphore, #tpu.memory_space<semaphore_mem>> -> memref<1x!tpu.dma_semaphore, #tpu.memory_space<semaphore_mem>>
      %dma_wait3A_340 = tpu.memref_squeeze %dma_wait3A_339 : memref<1x!tpu.dma_semaphore, #tpu.memory_space<semaphore_mem>> -> memref<!tpu.dma_semaphore, #tpu.memory_space<semaphore_mem>>
      %dma_wait3A_341 = arith.constant 0 : i32
      %dma_wait3A_342 = arith.constant 0 : i32
      %dma_wait3A_343 = tpu.memref_slice %arg6[%dma_wait3A_330, %dma_wait3A_341, %dma_wait3A_342] : memref<4x128x64xf32, #tpu.memory_space<vmem>> -> memref<1x128x64xf32, #tpu.memory_space<vmem>>
      %dma_wait3A_344 = tpu.memref_squeeze %dma_wait3A_343 : memref<1x128x64xf32, #tpu.memory_space<vmem>> -> memref<128x64xf32, #tpu.memory_space<vmem>>
      %dma_wait3A_345 = arith.constant 0 : i32
      %dma_wait3A_346 = arith.constant 0 : i32
      %dma_wait3A_347 = tpu.memref_slice %arg2[%dma_wait3A_345, %dma_wait3A_346] : memref<2000000x64xf32, #tpu.memory_space<hbm>> -> memref<128x64xf32, #tpu.memory_space<hbm>>
      tpu.wait_dma2 semaphore(%dma_wait3A_340 : memref<!tpu.dma_semaphore, #tpu.memory_space<semaphore_mem>>) src(%dma_wait3A_347 : memref<128x64xf32, #tpu.memory_space<hbm>>) dst(%dma_wait3A_344 : memref<128x64xf32, #tpu.memory_space<vmem>>)
      %ge3A_348 = arith.constant 2 : i32
      %ge3A_349 = arith.cmpi sge, %add3A_329, %ge3A_348 : i32
      %convert_element_type3A_350 = arith.extui %ge3A_349 : i1 to i32
      %cond3A_351 = arith.constant 0 : i32
      %cond3A_352 = arith.cmpi ne, %convert_element_type3A_350, %cond3A_351 : i32
      scf.if %cond3A_352 {
        %dma_wait3A_389 = arith.constant 1 : i32
        %dma_wait3A_390 = arith.constant 0 : i32
        %dma_wait3A_391 = arith.constant 1 : i32
        %dma_wait3A_392 = arith.constant 0 : i32
        %dma_wait3A_393 = arith.constant 0 : i32
        %dma_wait3A_394 = arith.constant 0 : i32
        %dma_wait3A_395 = arith.constant 0 : i32
        %dma_wait3A_396 = tpu.memref_slice %arg7[%dma_wait3A_389, %dma_wait3A_392, %dma_wait3A_393, %dma_wait3A_394, %dma_wait3A_395] : memref<4x8x1x8x136xf32, #tpu.memory_space<vmem>> -> memref<1x8x1x8x128xf32, #tpu.memory_space<vmem>>
        %dma_wait3A_397 = tpu.memref_squeeze %dma_wait3A_396 : memref<1x8x1x8x128xf32, #tpu.memory_space<vmem>> -> memref<8x1x8x128xf32, #tpu.memory_space<vmem>>
        %dma_wait3A_398 = arith.constant 0 : i32
        %dma_wait3A_399 = arith.constant 0 : i32
        %dma_wait3A_400 = arith.constant 0 : i32
        %dma_wait3A_401 = arith.constant 0 : i32
        %dma_wait3A_402 = tpu.memref_slice %arg4[%dma_wait3A_390, %dma_wait3A_398, %dma_wait3A_399, %dma_wait3A_400, %dma_wait3A_401] : memref<200x8x32x8x128xf32, #tpu.memory_space<hbm>> -> memref<1x8x1x8x128xf32, #tpu.memory_space<hbm>>
        %dma_wait3A_403 = tpu.memref_squeeze %dma_wait3A_402 : memref<1x8x1x8x128xf32, #tpu.memory_space<hbm>> -> memref<8x1x8x128xf32, #tpu.memory_space<hbm>>
        %dma_wait3A_404 = tpu.memref_slice %arg9[%dma_wait3A_391] : memref<4x!tpu.dma_semaphore, #tpu.memory_space<semaphore_mem>> -> memref<1x!tpu.dma_semaphore, #tpu.memory_space<semaphore_mem>>
        %dma_wait3A_405 = tpu.memref_squeeze %dma_wait3A_404 : memref<1x!tpu.dma_semaphore, #tpu.memory_space<semaphore_mem>> -> memref<!tpu.dma_semaphore, #tpu.memory_space<semaphore_mem>>
        %dma_wait3A_406 = arith.constant 0 : i32
        %dma_wait3A_407 = arith.constant 0 : i32
        %dma_wait3A_408 = arith.constant 0 : i32
        %dma_wait3A_409 = arith.constant 0 : i32
        %dma_wait3A_410 = tpu.memref_slice %arg4[%dma_wait3A_390, %dma_wait3A_406, %dma_wait3A_407, %dma_wait3A_408, %dma_wait3A_409] : memref<200x8x32x8x128xf32, #tpu.memory_space<hbm>> -> memref<1x8x1x8x128xf32, #tpu.memory_space<hbm>>
        %dma_wait3A_411 = tpu.memref_squeeze %dma_wait3A_410 : memref<1x8x1x8x128xf32, #tpu.memory_space<hbm>> -> memref<8x1x8x128xf32, #tpu.memory_space<hbm>>
        %dma_wait3A_412 = arith.constant 0 : i32
        %dma_wait3A_413 = arith.constant 0 : i32
        %dma_wait3A_414 = arith.constant 0 : i32
        %dma_wait3A_415 = arith.constant 0 : i32
        %dma_wait3A_416 = tpu.memref_slice %arg7[%dma_wait3A_389, %dma_wait3A_412, %dma_wait3A_413, %dma_wait3A_414, %dma_wait3A_415] : memref<4x8x1x8x136xf32, #tpu.memory_space<vmem>> -> memref<1x8x1x8x128xf32, #tpu.memory_space<vmem>>
        %dma_wait3A_417 = tpu.memref_squeeze %dma_wait3A_416 : memref<1x8x1x8x128xf32, #tpu.memory_space<vmem>> -> memref<8x1x8x128xf32, #tpu.memory_space<vmem>>
        tpu.wait_dma2 semaphore(%dma_wait3A_405 : memref<!tpu.dma_semaphore, #tpu.memory_space<semaphore_mem>>) src(%dma_wait3A_417 : memref<8x1x8x128xf32, #tpu.memory_space<vmem>>) dst(%dma_wait3A_411 : memref<8x1x8x128xf32, #tpu.memory_space<hbm>>)
      } else {
      }
      %add3A_353 = arith.constant 2 : i32
      %add3A_354 = arith.addi %add3A_329, %add3A_353 : i32
      %lt3A_355 = arith.constant 200 : i32
      %lt3A_356 = arith.cmpi slt, %add3A_354, %lt3A_355 : i32
      %convert_element_type3A_357 = arith.extui %lt3A_356 : i1 to i32
      %cond3A_358 = arith.constant 0 : i32
      %cond3A_359 = arith.cmpi ne, %convert_element_type3A_357, %cond3A_358 : i32
      scf.if %cond3A_359 {
        %add3A_389 = arith.constant 2 : i32
        %add3A_390 = arith.addi %add3A_329, %add3A_389 : i32
        %dma_start3A_391 = arith.constant 1 : i32
        %dma_start3A_392 = arith.constant 1 : i32
        %dma_start3A_393 = arith.constant 0 : i32
        %dma_start3A_394 = arith.constant 0 : i32
        %dma_start3A_395 = tpu.memref_slice %arg6[%dma_start3A_391, %dma_start3A_393, %dma_start3A_394] : memref<4x128x64xf32, #tpu.memory_space<vmem>> -> memref<1x128x64xf32, #tpu.memory_space<vmem>>
        %dma_start3A_396 = tpu.memref_squeeze %dma_start3A_395 : memref<1x128x64xf32, #tpu.memory_space<vmem>> -> memref<128x64xf32, #tpu.memory_space<vmem>>
        %dma_start3A_397 = arith.constant 0 : i32
        %dma_start3A_398 = tpu.memref_slice %arg5[%add3A_390, %dma_start3A_397] : memref<200x128xi32, #tpu.memory_space<vmem>> -> memref<1x128xi32, #tpu.memory_space<vmem>>
        %dma_start3A_399 = tpu.memref_squeeze %dma_start3A_398 : memref<1x128xi32, #tpu.memory_space<vmem>> -> memref<128xi32, #tpu.memory_space<vmem>>
        %dma_start3A_400 = arith.constant 0 : i32
        %dma_start3A_401 = arith.constant 0 : i32
        %dma_start3A_402 = tpu.memref_slice %arg2[%dma_start3A_400, %dma_start3A_401] : memref<2000000x64xf32, #tpu.memory_space<hbm>> -> memref<2000000x64xf32, #tpu.memory_space<hbm>>
        %dma_start3A_403 = tpu.memref_slice %arg8[%dma_start3A_392] : memref<4x!tpu.dma_semaphore, #tpu.memory_space<semaphore_mem>> -> memref<1x!tpu.dma_semaphore, #tpu.memory_space<semaphore_mem>>
        %dma_start3A_404 = tpu.memref_squeeze %dma_start3A_403 : memref<1x!tpu.dma_semaphore, #tpu.memory_space<semaphore_mem>> -> memref<!tpu.dma_semaphore, #tpu.memory_space<semaphore_mem>>
        tpu.enqueue_indirect_dma source(%dma_start3A_402 : memref<2000000x64xf32, #tpu.memory_space<hbm>>) target(%dma_start3A_396 : memref<128x64xf32, #tpu.memory_space<vmem>>) offsets(%dma_start3A_399 : memref<128xi32, #tpu.memory_space<vmem>>) semaphore(%dma_start3A_404 : memref<!tpu.dma_semaphore, #tpu.memory_space<semaphore_mem>>)
      } else {
      }
      %parallel_loop3A_360 = arith.constant 0 : i32
      %parallel_loop3A_361 = arith.constant 128 : i32
      %parallel_loop3A_362 = arith.constant 1 : i32
      scf.for %parallel_loop3A_389 = %parallel_loop3A_360 to %parallel_loop3A_361 step %parallel_loop3A_362  : i32 {
        %parallel_loop3A_390 = vector.broadcast %parallel_loop3A_389 : i32 to vector<16xi32>
        %parallel_loop3A_391 = arith.addi %parallel_loop3A_390, %mul3A_3 : vector<16xi32>
        %parallel_loop3A_392 = arith.constant 3 : i32
        %parallel_loop3A_393 = arith.index_cast %parallel_loop3A_392 : i32 to index
        %parallel_loop3A_394 = arith.index_cast %parallel_loop3A_389 : i32 to index
        %parallel_loop3A_395 = arith.constant 0 : index
        %parallel_loop3A_396 = tpu.vector_load %arg6[%parallel_loop3A_393, %parallel_loop3A_394, %parallel_loop3A_395] {strides = array<i32>} : memref<4x128x64xf32, #tpu.memory_space<vmem>>, vector<16xf32>,
        %parallel_loop3A_397 = arith.constant 8.000000e+00 : f32
        %parallel_loop3A_398 = vector.broadcast %parallel_loop3A_397 : f32 to vector<16xf32>
        %parallel_loop3A_399 = arith.mulf %parallel_loop3A_396, %parallel_loop3A_398 : vector<16xf32>
        %parallel_loop3A_400 = arith.constant 3 : i32
        %parallel_loop3A_401 = arith.constant 0 : i32
        %parallel_loop3A_402 = arith.constant 0 : i32
        %parallel_loop3A_403 = arith.constant 0 : i32
        %parallel_loop3A_404 = arith.constant 0 : i32
        %parallel_loop3A_405 = tpu.memref_slice %arg7[%parallel_loop3A_400, %parallel_loop3A_401, %parallel_loop3A_402, %parallel_loop3A_403, %parallel_loop3A_404] : memref<4x8x1x8x136xf32, #tpu.memory_space<vmem>> -> memref<1x8x1x8x136xf32, #tpu.memory_space<vmem>>
        %parallel_loop3A_406 = tpu.memref_squeeze %parallel_loop3A_405 : memref<1x8x1x8x136xf32, #tpu.memory_space<vmem>> -> memref<8x1x8x136xf32, #tpu.memory_space<vmem>>
        tpu.vector_store_idx %parallel_loop3A_406[%shift_right_arithmetic3A_8, %mul3A_3, %and3A_31, %parallel_loop3A_391], %parallel_loop3A_399 : memref<8x1x8x136xf32, #tpu.memory_space<vmem>>[vector<16xi32>, vector<16xi32>, vector<16xi32>, vector<16xi32>], vector<16xf32>,
        %parallel_loop3A_407 = arith.constant 3 : i32
        %parallel_loop3A_408 = arith.index_cast %parallel_loop3A_407 : i32 to index
        %parallel_loop3A_409 = arith.index_cast %parallel_loop3A_389 : i32 to index
        %parallel_loop3A_410 = arith.constant 16 : index
        %parallel_loop3A_411 = tpu.vector_load %arg6[%parallel_loop3A_408, %parallel_loop3A_409, %parallel_loop3A_410] {strides = array<i32>} : memref<4x128x64xf32, #tpu.memory_space<vmem>>, vector<16xf32>,
        %parallel_loop3A_412 = arith.constant 8.000000e+00 : f32
        %parallel_loop3A_413 = vector.broadcast %parallel_loop3A_412 : f32 to vector<16xf32>
        %parallel_loop3A_414 = arith.mulf %parallel_loop3A_411, %parallel_loop3A_413 : vector<16xf32>
        %parallel_loop3A_415 = arith.constant 3 : i32
        %parallel_loop3A_416 = arith.constant 0 : i32
        %parallel_loop3A_417 = arith.constant 0 : i32
        %parallel_loop3A_418 = arith.constant 0 : i32
        %parallel_loop3A_419 = arith.constant 0 : i32
        %parallel_loop3A_420 = tpu.memref_slice %arg7[%parallel_loop3A_415, %parallel_loop3A_416, %parallel_loop3A_417, %parallel_loop3A_418, %parallel_loop3A_419] : memref<4x8x1x8x136xf32, #tpu.memory_space<vmem>> -> memref<1x8x1x8x136xf32, #tpu.memory_space<vmem>>
        %parallel_loop3A_421 = tpu.memref_squeeze %parallel_loop3A_420 : memref<1x8x1x8x136xf32, #tpu.memory_space<vmem>> -> memref<8x1x8x136xf32, #tpu.memory_space<vmem>>
        tpu.vector_store_idx %parallel_loop3A_421[%shift_right_arithmetic3A_14, %mul3A_3, %and3A_37, %parallel_loop3A_391], %parallel_loop3A_414 : memref<8x1x8x136xf32, #tpu.memory_space<vmem>>[vector<16xi32>, vector<16xi32>, vector<16xi32>, vector<16xi32>], vector<16xf32>,
        %parallel_loop3A_422 = arith.constant 3 : i32
        %parallel_loop3A_423 = arith.index_cast %parallel_loop3A_422 : i32 to index
        %parallel_loop3A_424 = arith.index_cast %parallel_loop3A_389 : i32 to index
        %parallel_loop3A_425 = arith.constant 32 : index
        %parallel_loop3A_426 = tpu.vector_load %arg6[%parallel_loop3A_423, %parallel_loop3A_424, %parallel_loop3A_425] {strides = array<i32>} : memref<4x128x64xf32, #tpu.memory_space<vmem>>, vector<16xf32>,
        %parallel_loop3A_427 = arith.constant 8.000000e+00 : f32
        %parallel_loop3A_428 = vector.broadcast %parallel_loop3A_427 : f32 to vector<16xf32>
        %parallel_loop3A_429 = arith.mulf %parallel_loop3A_426, %parallel_loop3A_428 : vector<16xf32>
        %parallel_loop3A_430 = arith.constant 3 : i32
        %parallel_loop3A_431 = arith.constant 0 : i32
        %parallel_loop3A_432 = arith.constant 0 : i32
        %parallel_loop3A_433 = arith.constant 0 : i32
        %parallel_loop3A_434 = arith.constant 0 : i32
        %parallel_loop3A_435 = tpu.memref_slice %arg7[%parallel_loop3A_430, %parallel_loop3A_431, %parallel_loop3A_432, %parallel_loop3A_433, %parallel_loop3A_434] : memref<4x8x1x8x136xf32, #tpu.memory_space<vmem>> -> memref<1x8x1x8x136xf32, #tpu.memory_space<vmem>>
        %parallel_loop3A_436 = tpu.memref_squeeze %parallel_loop3A_435 : memref<1x8x1x8x136xf32, #tpu.memory_space<vmem>> -> memref<8x1x8x136xf32, #tpu.memory_space<vmem>>
        tpu.vector_store_idx %parallel_loop3A_436[%shift_right_arithmetic3A_20, %mul3A_3, %and3A_43, %parallel_loop3A_391], %parallel_loop3A_429 : memref<8x1x8x136xf32, #tpu.memory_space<vmem>>[vector<16xi32>, vector<16xi32>, vector<16xi32>, vector<16xi32>], vector<16xf32>,
        %parallel_loop3A_437 = arith.constant 3 : i32
        %parallel_loop3A_438 = arith.index_cast %parallel_loop3A_437 : i32 to index
        %parallel_loop3A_439 = arith.index_cast %parallel_loop3A_389 : i32 to index
        %parallel_loop3A_440 = arith.constant 48 : index
        %parallel_loop3A_441 = tpu.vector_load %arg6[%parallel_loop3A_438, %parallel_loop3A_439, %parallel_loop3A_440] {strides = array<i32>} : memref<4x128x64xf32, #tpu.memory_space<vmem>>, vector<16xf32>,
        %parallel_loop3A_442 = arith.constant 8.000000e+00 : f32
        %parallel_loop3A_443 = vector.broadcast %parallel_loop3A_442 : f32 to vector<16xf32>
        %parallel_loop3A_444 = arith.mulf %parallel_loop3A_441, %parallel_loop3A_443 : vector<16xf32>
        %parallel_loop3A_445 = arith.constant 3 : i32
        %parallel_loop3A_446 = arith.constant 0 : i32
        %parallel_loop3A_447 = arith.constant 0 : i32
        %parallel_loop3A_448 = arith.constant 0 : i32
        %parallel_loop3A_449 = arith.constant 0 : i32
        %parallel_loop3A_450 = tpu.memref_slice %arg7[%parallel_loop3A_445, %parallel_loop3A_446, %parallel_loop3A_447, %parallel_loop3A_448, %parallel_loop3A_449] : memref<4x8x1x8x136xf32, #tpu.memory_space<vmem>> -> memref<1x8x1x8x136xf32, #tpu.memory_space<vmem>>
        %parallel_loop3A_451 = tpu.memref_squeeze %parallel_loop3A_450 : memref<1x8x1x8x136xf32, #tpu.memory_space<vmem>> -> memref<8x1x8x136xf32, #tpu.memory_space<vmem>>
        tpu.vector_store_idx %parallel_loop3A_451[%shift_right_arithmetic3A_26, %mul3A_3, %and3A_49, %parallel_loop3A_391], %parallel_loop3A_444 : memref<8x1x8x136xf32, #tpu.memory_space<vmem>>[vector<16xi32>, vector<16xi32>, vector<16xi32>, vector<16xi32>], vector<16xf32>,
      } {sc.loop_unroll_factor = 8 : i64, sc.parallel_access}
      %dma_start3A_363 = arith.constant 3 : i32
      %dma_start3A_364 = arith.constant 3 : i32
      %dma_start3A_365 = arith.constant 0 : i32
      %dma_start3A_366 = arith.constant 0 : i32
      %dma_start3A_367 = arith.constant 0 : i32
      %dma_start3A_368 = arith.constant 0 : i32
      %dma_start3A_369 = tpu.memref_slice %arg7[%dma_start3A_363, %dma_start3A_365, %dma_start3A_366, %dma_start3A_367, %dma_start3A_368] : memref<4x8x1x8x136xf32, #tpu.memory_space<vmem>> -> memref<1x8x1x8x128xf32, #tpu.memory_space<vmem>>
      %dma_start3A_370 = tpu.memref_squeeze %dma_start3A_369 : memref<1x8x1x8x128xf32, #tpu.memory_space<vmem>> -> memref<8x1x8x128xf32, #tpu.memory_space<vmem>>
      %dma_start3A_371 = arith.constant 0 : i32
      %dma_start3A_372 = arith.constant 0 : i32
      %dma_start3A_373 = arith.constant 0 : i32
      %dma_start3A_374 = tpu.memref_slice %arg4[%add3A_329, %dma_start3A_371, %add3A, %dma_start3A_372, %dma_start3A_373] : memref<200x8x32x8x128xf32, #tpu.memory_space<hbm>> -> memref<1x8x1x8x128xf32, #tpu.memory_space<hbm>>
      %dma_start3A_375 = tpu.memref_squeeze %dma_start3A_374 : memref<1x8x1x8x128xf32, #tpu.memory_space<hbm>> -> memref<8x1x8x128xf32, #tpu.memory_space<hbm>>
      %dma_start3A_376 = tpu.memref_slice %arg9[%dma_start3A_364] : memref<4x!tpu.dma_semaphore, #tpu.memory_space<semaphore_mem>> -> memref<1x!tpu.dma_semaphore, #tpu.memory_space<semaphore_mem>>
      %dma_start3A_377 = tpu.memref_squeeze %dma_start3A_376 : memref<1x!tpu.dma_semaphore, #tpu.memory_space<semaphore_mem>> -> memref<!tpu.dma_semaphore, #tpu.memory_space<semaphore_mem>>
      %dma_start3A_378 = arith.constant 0 : i32
      %dma_start3A_379 = arith.constant 0 : i32
      %dma_start3A_380 = arith.constant 0 : i32
      %dma_start3A_381 = tpu.memref_slice %arg4[%add3A_329, %dma_start3A_378, %add3A, %dma_start3A_379, %dma_start3A_380] : memref<200x8x32x8x128xf32, #tpu.memory_space<hbm>> -> memref<1x8x1x8x128xf32, #tpu.memory_space<hbm>>
      %dma_start3A_382 = tpu.memref_squeeze %dma_start3A_381 : memref<1x8x1x8x128xf32, #tpu.memory_space<hbm>> -> memref<8x1x8x128xf32, #tpu.memory_space<hbm>>
      %dma_start3A_383 = arith.constant 0 : i32
      %dma_start3A_384 = arith.constant 0 : i32
      %dma_start3A_385 = arith.constant 0 : i32
      %dma_start3A_386 = arith.constant 0 : i32
      %dma_start3A_387 = tpu.memref_slice %arg7[%dma_start3A_363, %dma_start3A_383, %dma_start3A_384, %dma_start3A_385, %dma_start3A_386] : memref<4x8x1x8x136xf32, #tpu.memory_space<vmem>> -> memref<1x8x1x8x128xf32, #tpu.memory_space<vmem>>
      %dma_start3A_388 = tpu.memref_squeeze %dma_start3A_387 : memref<1x8x1x8x128xf32, #tpu.memory_space<vmem>> -> memref<8x1x8x128xf32, #tpu.memory_space<vmem>>
      tpu.enqueue_dma source(%dma_start3A_388 : memref<8x1x8x128xf32, #tpu.memory_space<vmem>>) target(%dma_start3A_382 : memref<8x1x8x128xf32, #tpu.memory_space<hbm>>) target_semaphore(%dma_start3A_377 : memref<!tpu.dma_semaphore, #tpu.memory_space<semaphore_mem>>)
    }
    %scan3A_83 = arith.constant 50 : i32
    %dma_wait3A = arith.constant 2 : i32
    %dma_wait3A_84 = arith.constant 0 : i32
    %dma_wait3A_85 = arith.constant 2 : i32
    %dma_wait3A_86 = arith.constant 0 : i32
    %dma_wait3A_87 = arith.constant 0 : i32
    %dma_wait3A_88 = arith.constant 0 : i32
    %dma_wait3A_89 = arith.constant 0 : i32
    %dma_wait3A_90 = tpu.memref_slice %arg7[%dma_wait3A, %dma_wait3A_86, %dma_wait3A_87, %dma_wait3A_88, %dma_wait3A_89] : memref<4x8x1x8x136xf32, #tpu.memory_space<vmem>> -> memref<1x8x1x8x128xf32, #tpu.memory_space<vmem>>
    %dma_wait3A_91 = tpu.memref_squeeze %dma_wait3A_90 : memref<1x8x1x8x128xf32, #tpu.memory_space<vmem>> -> memref<8x1x8x128xf32, #tpu.memory_space<vmem>>
    %dma_wait3A_92 = arith.constant 0 : i32
    %dma_wait3A_93 = arith.constant 0 : i32
    %dma_wait3A_94 = arith.constant 0 : i32
    %dma_wait3A_95 = arith.constant 0 : i32
    %dma_wait3A_96 = tpu.memref_slice %arg4[%dma_wait3A_84, %dma_wait3A_92, %dma_wait3A_93, %dma_wait3A_94, %dma_wait3A_95] : memref<200x8x32x8x128xf32, #tpu.memory_space<hbm>> -> memref<1x8x1x8x128xf32, #tpu.memory_space<hbm>>
    %dma_wait3A_97 = tpu.memref_squeeze %dma_wait3A_96 : memref<1x8x1x8x128xf32, #tpu.memory_space<hbm>> -> memref<8x1x8x128xf32, #tpu.memory_space<hbm>>
    %dma_wait3A_98 = tpu.memref_slice %arg9[%dma_wait3A_85] : memref<4x!tpu.dma_semaphore, #tpu.memory_space<semaphore_mem>> -> memref<1x!tpu.dma_semaphore, #tpu.memory_space<semaphore_mem>>
    %dma_wait3A_99 = tpu.memref_squeeze %dma_wait3A_98 : memref<1x!tpu.dma_semaphore, #tpu.memory_space<semaphore_mem>> -> memref<!tpu.dma_semaphore, #tpu.memory_space<semaphore_mem>>
    %dma_wait3A_100 = arith.constant 0 : i32
    %dma_wait3A_101 = arith.constant 0 : i32
    %dma_wait3A_102 = arith.constant 0 : i32
    %dma_wait3A_103 = arith.constant 0 : i32
    %dma_wait3A_104 = tpu.memref_slice %arg4[%dma_wait3A_84, %dma_wait3A_100, %dma_wait3A_101, %dma_wait3A_102, %dma_wait3A_103] : memref<200x8x32x8x128xf32, #tpu.memory_space<hbm>> -> memref<1x8x1x8x128xf32, #tpu.memory_space<hbm>>
    %dma_wait3A_105 = tpu.memref_squeeze %dma_wait3A_104 : memref<1x8x1x8x128xf32, #tpu.memory_space<hbm>> -> memref<8x1x8x128xf32, #tpu.memory_space<hbm>>
    %dma_wait3A_106 = arith.constant 0 : i32
    %dma_wait3A_107 = arith.constant 0 : i32
    %dma_wait3A_108 = arith.constant 0 : i32
    %dma_wait3A_109 = arith.constant 0 : i32
    %dma_wait3A_110 = tpu.memref_slice %arg7[%dma_wait3A, %dma_wait3A_106, %dma_wait3A_107, %dma_wait3A_108, %dma_wait3A_109] : memref<4x8x1x8x136xf32, #tpu.memory_space<vmem>> -> memref<1x8x1x8x128xf32, #tpu.memory_space<vmem>>
    %dma_wait3A_111 = tpu.memref_squeeze %dma_wait3A_110 : memref<1x8x1x8x128xf32, #tpu.memory_space<vmem>> -> memref<8x1x8x128xf32, #tpu.memory_space<vmem>>
    tpu.wait_dma2 semaphore(%dma_wait3A_99 : memref<!tpu.dma_semaphore, #tpu.memory_space<semaphore_mem>>) src(%dma_wait3A_111 : memref<8x1x8x128xf32, #tpu.memory_space<vmem>>) dst(%dma_wait3A_105 : memref<8x1x8x128xf32, #tpu.memory_space<hbm>>)
    %dma_wait3A_112 = arith.constant 3 : i32
    %dma_wait3A_113 = arith.constant 0 : i32
    %dma_wait3A_114 = arith.constant 3 : i32
    %dma_wait3A_115 = arith.constant 0 : i32
    %dma_wait3A_116 = arith.constant 0 : i32
    %dma_wait3A_117 = arith.constant 0 : i32
    %dma_wait3A_118 = arith.constant 0 : i32
    %dma_wait3A_119 = tpu.memref_slice %arg7[%dma_wait3A_112, %dma_wait3A_115, %dma_wait3A_116, %dma_wait3A_117, %dma_wait3A_118] : memref<4x8x1x8x136xf32, #tpu.memory_space<vmem>> -> memref<1x8x1x8x128xf32, #tpu.memory_space<vmem>>
    %dma_wait3A_120 = tpu.memref_squeeze %dma_wait3A_119 : memref<1x8x1x8x128xf32, #tpu.memory_space<vmem>> -> memref<8x1x8x128xf32, #tpu.memory_space<vmem>>
    %dma_wait3A_121 = arith.constant 0 : i32
    %dma_wait3A_122 = arith.constant 0 : i32
    %dma_wait3A_123 = arith.constant 0 : i32
    %dma_wait3A_124 = arith.constant 0 : i32
    %dma_wait3A_125 = tpu.memref_slice %arg4[%dma_wait3A_113, %dma_wait3A_121, %dma_wait3A_122, %dma_wait3A_123, %dma_wait3A_124] : memref<200x8x32x8x128xf32, #tpu.memory_space<hbm>> -> memref<1x8x1x8x128xf32, #tpu.memory_space<hbm>>
    %dma_wait3A_126 = tpu.memref_squeeze %dma_wait3A_125 : memref<1x8x1x8x128xf32, #tpu.memory_space<hbm>> -> memref<8x1x8x128xf32, #tpu.memory_space<hbm>>
    %dma_wait3A_127 = tpu.memref_slice %arg9[%dma_wait3A_114] : memref<4x!tpu.dma_semaphore, #tpu.memory_space<semaphore_mem>> -> memref<1x!tpu.dma_semaphore, #tpu.memory_space<semaphore_mem>>
    %dma_wait3A_128 = tpu.memref_squeeze %dma_wait3A_127 : memref<1x!tpu.dma_semaphore, #tpu.memory_space<semaphore_mem>> -> memref<!tpu.dma_semaphore, #tpu.memory_space<semaphore_mem>>
    %dma_wait3A_129 = arith.constant 0 : i32
    %dma_wait3A_130 = arith.constant 0 : i32
    %dma_wait3A_131 = arith.constant 0 : i32
    %dma_wait3A_132 = arith.constant 0 : i32
    %dma_wait3A_133 = tpu.memref_slice %arg4[%dma_wait3A_113, %dma_wait3A_129, %dma_wait3A_130, %dma_wait3A_131, %dma_wait3A_132] : memref<200x8x32x8x128xf32, #tpu.memory_space<hbm>> -> memref<1x8x1x8x128xf32, #tpu.memory_space<hbm>>
    %dma_wait3A_134 = tpu.memref_squeeze %dma_wait3A_133 : memref<1x8x1x8x128xf32, #tpu.memory_space<hbm>> -> memref<8x1x8x128xf32, #tpu.memory_space<hbm>>
    %dma_wait3A_135 = arith.constant 0 : i32
    %dma_wait3A_136 = arith.constant 0 : i32
    %dma_wait3A_137 = arith.constant 0 : i32
    %dma_wait3A_138 = arith.constant 0 : i32
    %dma_wait3A_139 = tpu.memref_slice %arg7[%dma_wait3A_112, %dma_wait3A_135, %dma_wait3A_136, %dma_wait3A_137, %dma_wait3A_138] : memref<4x8x1x8x136xf32, #tpu.memory_space<vmem>> -> memref<1x8x1x8x128xf32, #tpu.memory_space<vmem>>
    %dma_wait3A_140 = tpu.memref_squeeze %dma_wait3A_139 : memref<1x8x1x8x128xf32, #tpu.memory_space<vmem>> -> memref<8x1x8x128xf32, #tpu.memory_space<vmem>>
    tpu.wait_dma2 semaphore(%dma_wait3A_128 : memref<!tpu.dma_semaphore, #tpu.memory_space<semaphore_mem>>) src(%dma_wait3A_140 : memref<8x1x8x128xf32, #tpu.memory_space<vmem>>) dst(%dma_wait3A_134 : memref<8x1x8x128xf32, #tpu.memory_space<hbm>>)
    return
  }
}

</mosaic_0001>

<sc_bundles>
// kernel: kernel.3.cloned.1.call-start
scs
__scs_entry_jumppad:
0x0: {  	(pc) =	sbr.rel $0x88, $3  }
0x1: {  	(tag) =	ssettag $0x0;
	lr =	simm.s32 $0x1  }
0x2: {  	[smem:$0x3F9F] =	sst lr;
	_ =	strace $0xD0000000  }
0x3: {  	_ = 	snop  }
0x4: {  	_ = 	snop  }
0x5: {  	_ = 	snop  }
0x6: {  	_ = 	snop  }
0x7: {  	_ = 	snop  }
__scs_overlays_trampoline_lowered:
0x8: {  	[smem:$0x3FAE] =	sst s0  }
0x9: {  	[smem:$0x3FAF] =	sst s1  }
0xa: {  	[smem:$0x3FB0] =	sst s2  }
0xb: {  	[smem:$0x3FB1] =	sst s3  }
0xc: {  	[smem:$0x3FB2] =	sst s4  }
0xd: {  	[smem:$0x3FB3] =	sst s5  }
0xe: {  	[smem:$0x3FB4] =	sst s6  }
0xf: {  	[smem:$0x3FB5] =	sst s7  }
0x10: {  	[smem:$0x3FB6] =	sst s8  }
0x11: {  	[smem:$0x3FB7] =	sst s9;
	s0 =	simm.s32 @!p0 $0x0  }
0x12: {  	s1 =	sld [smem:$0x3F9D];
	s0 =	simm.s32 @p0 $0x1  }
0x13: {  	[smem:$0x3FB8] =	sst s0;
	s0 =	simm.s32 @!p1 $0x0  }
0x14: {  	s2 =	sld [smem:$0x3F9C];
	s0 =	simm.s32 @p1 $0x1  }
0x15: {  	[smem:$0x3FB9] =	sst s0;
	s0 =	simm.s32 @!p2 $0x0  }
0x16: {  	s3 =	sld [smem:$0x3FDB];
	s0 =	simm.s32 @p2 $0x1  }
0x17: {  	s4 =	simm.s32 $0x1BF5;
	[smem:$0x3FBB] =	sst s0  }
0x18: {  	s0 =	sld [smem:$0x3F9E];
	_ =	swait.ge [sflag:s4], $0x0  }
0x19: {  	s7 =	sld [smem:$0x3F9F]  }
0x1a: {  	s8 =	sadd.s32 $0xFFFFE003, lr  }
0x1b: {  	s9 =	sadd.s32 $0xFFFFFEF7, lr;
	s5 =	simm.s32 $0xFFFFFFFF;
	p2 =	slt.u32 s8, $0xFFFFF086  }
0x1c: {  	p1 =	slt.u32 s9, $0xF7A;
	s5 =	simm.s32 @!p2 $0x0  }
0x1d: {  	s5 =	simm.s32 @p1 $0x1;
	p0 =	seq.s32 s7, s2  }
0x1e: {  	s7 =	smul.u32 @!p0 $0xF7A, s2;
	p2 =	seq.s32 @!p0 s5, $0x0  }
0x1f: {  	s9 =	smul.u32 $0xF7A, s1;
	s8 =	simm.s32 @!p0 $0x1BF5;
	p2 =	por !p2, p0  }
0x20: {  	[sflag:s8] =	ssyncset.s32 @!p0 $0xFFFFF086;
	s6 =	sadd.s32 @!p0 s3, s7;
	s7 =	simm.s32 @!p0 $0x108  }
0x21: {  	s3 =	sadd.s32 s3, s9;
	s6 =	sadd.s32 @!p0 $0x88, s6;
	s7 =	simm.s32 @p2 $0x1082  }
0x22: {  	[simem:s7], [sflag:s8] =	dma.local @!p0 [hbm:s6], $0xF7A  }
0x23: {  	s9 =	sor.u32 $0xD0000000, s2;
	s6 =	simm.s32 $0x108;
	_ =	swait.ge @!p0 [sflag:s8], $0x0  }
0x24: {  	s3 =	sadd.s32 $0x88, s3;
	s6 =	simm.s32 @!p1 $0x1082;
	[sflag:s4] =	ssyncset.s32 $0xFFFFF086  }
0x25: {  	[simem:s6], [sflag:s4] =	dma.local [hbm:s3], $0xF7A  }
0x26: {  	[smem:$0x3F9F] =	sst s1;
	(tag) =	ssettag s2;
	_ =	strace s9  }
0x27: {  	s1 =	sld [smem:$0x3FAF]  }
0x28: {  	s2 =	sld [smem:$0x3FB0]  }
0x29: {  	s4 =	sld [smem:$0x3FB2]  }
0x2a: {  	p0 =	seq.s32 s5, $0x0;
	s5 =	sld [smem:$0x3FB3]  }
0x2b: {  	s6 =	sld [smem:$0x3FB4]  }
0x2c: {  	s7 =	sld [smem:$0x3FB5]  }
0x2d: {  	s3 =	simm.s32 $0x108;
	s8 =	sld [smem:$0x3FB6]  }
0x2e: {  	s3 =	simm.s32 @!p0 $0x1082;
	s9 =	sld [smem:$0x3FB7]  }
0x2f: {  	lr =	sadd.s32 s0, s3;
	s0 =	sld [smem:$0x3FAE]  }
0x30: {  	s3 =	sld [smem:$0x3FB1]  }
0x31: {  	[smem:$0x3FBA] =	sst s10  }
0x32: {  	s10 =	sld [smem:$0x3FB8];
	_ =	sdelay $0x3  }
0x33: {  	p0 =	seq.s32 s10, $0x1;
	s10 =	sld [smem:$0x3FBA];
	_ =	sdelay $0x3  }
0x34: {  	[smem:$0x3FBA] =	sst s10  }
0x35: {  	s10 =	sld [smem:$0x3FB9];
	_ =	sdelay $0x3  }
0x36: {  	p1 =	seq.s32 s10, $0x1;
	s10 =	sld [smem:$0x3FBA];
	_ =	sdelay $0x3  }
0x37: {  	[smem:$0x3FBA] =	sst s10  }
0x38: {  	s10 =	sld [smem:$0x3FBB]  }
0x39: {  	_ = 	snop;
	(pc) =	sbr.ind lr, $3  }
0x3a: {  	_ = 	snop  }
0x3b: {  	_ = 	snop  }
0x3c: {  	p2 =	seq.s32 s10, $0x1;
	s10 =	sld [smem:$0x3FBA]  }
0x3d: {  	_ =	shalt  }
0x3e: {  	_ =	shalt  }
0x3f: {  	_ =	shalt  }
0x40: {  	_ =	shalt  }
0x41: {  	_ =	shalt  }
0x42: {  	_ =	shalt  }
0x43: {  	_ =	shalt  }
0x44: {  	_ =	shalt  }
0x45: {  	_ =	shalt  }
0x46: {  	_ =	shalt  }
0x47: {  	_ =	shalt  }
0x48: {  	_ =	shalt  }
0x49: {  	_ =	shalt  }
0x4a: {  	_ =	shalt  }
0x4b: {  	_ =	shalt  }
0x4c: {  	_ =	shalt  }
0x4d: {  	_ =	shalt  }
0x4e: {  	_ =	shalt  }
0x4f: {  	_ =	shalt  }
0x50: {  	_ =	shalt  }
0x51: {  	_ =	shalt  }
0x52: {  	_ =	shalt  }
0x53: {  	_ =	shalt  }
0x54: {  	_ =	shalt  }
0x55: {  	_ =	shalt  }
0x56: {  	_ =	shalt  }
0x57: {  	_ =	shalt  }
0x58: {  	_ =	shalt  }
0x59: {  	_ =	shalt  }
0x5a: {  	_ =	shalt  }
0x5b: {  	_ =	shalt  }
0x5c: {  	_ =	shalt  }
0x5d: {  	_ =	shalt  }
0x5e: {  	_ =	shalt  }
0x5f: {  	_ =	shalt  }
0x60: {  	_ =	shalt  }
0x61: {  	_ =	shalt  }
0x62: {  	_ =	shalt  }
0x63: {  	_ =	shalt  }
0x64: {  	_ =	shalt  }
0x65: {  	_ =	shalt  }
0x66: {  	_ =	shalt  }
0x67: {  	_ =	shalt  }
0x68: {  	_ =	shalt  }
0x69: {  	_ =	shalt  }
0x6a: {  	_ =	shalt  }
0x6b: {  	_ =	shalt  }
0x6c: {  	_ =	shalt  }
0x6d: {  	_ =	shalt  }
0x6e: {  	_ =	shalt  }
0x6f: {  	_ =	shalt  }
0x70: {  	_ =	shalt  }
0x71: {  	_ =	shalt  }
0x72: {  	_ =	shalt  }
0x73: {  	_ =	shalt  }
0x74: {  	_ =	shalt  }
0x75: {  	_ =	shalt  }
0x76: {  	_ =	shalt  }
0x77: {  	_ =	shalt  }
0x78: {  	_ =	shalt  }
0x79: {  	_ =	shalt  }
0x7a: {  	_ =	shalt  }
0x7b: {  	_ =	shalt  }
0x7c: {  	_ =	shalt  }
0x7d: {  	_ =	shalt  }
0x7e: {  	_ =	shalt  }
0x7f: {  	_ =	shalt  }
0x80: {  	_ =	shalt  }
0x81: {  	_ =	shalt  }
0x82: {  	_ =	shalt  }
0x83: {  	_ =	shalt  }
0x84: {  	_ =	shalt  }
0x85: {  	_ =	shalt  }
0x86: {  	_ =	shalt  }
0x87: {  	_ =	shalt  }
.Lfunc_end0:
.L_simem_size_0:
called_computation.1_lowered:
.L_overlay_start_0:
0x88: {  	s2 =	sld [smem:$0x3FD9]  }
0x89: {  	s3 =	sld [smem:$0x3FFE];
	_ =	sdelay $0x1  }
0x8a: {  	s1 =	srdreg.scid  }
0x8b: {  	s0 =	sand.u32 $0x1, s1  }
0x8c: {  	s17 =	sshll.u32 s0, $0xA;
	s2 =	sadd.s32 s3, s2  }
0x8d: {  	s2 =	sadd.s32 s2, s17  }
0x8e: {  	[smem:$0x3FC6] =	sst s2  }
0x8f: {  	_ = 	snop  }
0x90: {  	s2 =	sld [smem:$0x3FD0];
	(tm) =	ssettm $0x1  }
0x91: {  	s18 =	sld [smem:$0x3FFB];
	_ =	sdelay $0x3  }
0x92: {  	_ =	strace s18  }
0x93: {  	s3 =	sld [smem:$0x3FFC];
	_ =	sdelay $0x3  }
0x94: {  	_ =	strace s3  }
0x95: {  	s3 =	sld [smem:$0x3FFD];
	_ =	sdelay $0x3  }
0x96: {  	_ =	strace s3  }
0x97: {  	_ =	strace $0x8FFFFFFF  }
0x98: {  	s19 =	sld [smem:$0x3FDB];
	_ =	sdelay $0x1  }
0x99: {  	s4 =	simm.s32 $_scs_section_size  }
0x9a: {  	s5 =	simm.s32 $_size__tile_overlayer_lowered;
	s6 =	simm.s32 $_tile_overlayer_lowered  }
0x9b: {  	s22 =	simm.s32 $0x1BFF;
	s21 =	sshll.u32 s6, $0x1;
	s3 =	sadd.s32 s4, s19  }
0x9c: {  	s7 =	simm.s32 $0x0;
	s20 =	sshll.u32 s5, $0x1;
	s5 =	sadd.s32 s21, s3  }
0x9d: {  	[timem:s7], [sflag:s22] =	dma.local [hbm:s5], s20  }
0x9e: {  	_ =	swait.ge [sflag:s22], s20  }
0x9f: {  	s4 =	ssub.s32 $0x0, s20;
	[sflag:s22] =	ssyncset.done $0x0  }
0xa0: {  	[sflag:s22] =	ssyncadd.s32 s4;
	_ =	sdelay $0x1  }
0xa1: {  	s23 =	simm.s32 $0x1B8B  }
0xa2: {  	_ =	swait.ge [sflag:s23], $0x1  }
0xa3: {  	[sflag:s23] =	ssyncset.done $0x0  }
0xa4: {  	s25 =	simm.s32 $0x1B8E;
	s24 =	sld [smem:$0x3FFE];
	[sflag:s23] =	ssyncadd.s32 $0xFFFFFFFF  }
0xa5: {  	s26 =	simm.s32 $execute0_lowered;
	[smem:$0x3FD2] =	sst s25  }
0xa6: {  	s5 =	sshll.u32 s26, $0x1;
	_ =	strace $0x80000049;
	[dreg:$0x1] =	wrdreg $0xFFFFFFFF  }
0xa7: {  	s28 =	simm.s32 $_size_execute0_lowered;
	s3 =	sadd.s32 s3, s5;
	[dreg:$0x0] =	wrdreg $0x0  }
0xa8: {  	s5 =	sshll.u32 s28, $0x1;
	[dreg:$0x2] =	wrdreg s3  }
0xa9: {  	[dreg:$0x3] =	wrdreg s5  }
0xaa: {  	[dreg:$0x4] =	wrdreg $0xC0  }
0xab: {  	_ =	task [dreg:s7], $0x5FFFF  }
0xac: {  	[dreg:$0x1] =	wrdreg $0xFFFFFFFF  }
0xad: {  	[dreg:$0x0] =	wrdreg $0x60  }
0xae: {  	[dreg:$0x2] =	wrdreg s24  }
0xaf: {  	[dreg:$0x3] =	wrdreg s2  }
0xb0: {  	[dreg:$0x4] =	wrdreg $0x9  }
0xb1: {  	_ =	task.clear_ibuf [dreg:s7], $0x5FFFF;
	_ =	strace $0x90000049  }
0xb2: {  	s29 =	simm.s32 $0x9;
	_ =	strace $0x8000004B  }
0xb3: {  	_ =	swait.ge [sflag:s29], $0x1  }
0xb4: {  	[sflag:s29] =	ssyncadd.s32 $0xFFFFFFFF  }
0xb5: {  	_ =	strace $0x9000004B  }
0xb6: {  	_ =	sfence  }
0xb7: {  	s30 =	sld [smem:$0x0];
	_ =	sdelay $0x2  }
0xb8: {  	s31 =	sshll.u32 s1, $0xD;
	s1 =	sshrl.u32 s1, $0x2  }
0xb9: {  	s3 =	sand.u32 $0x4000, s31;
	s1 =	sadd.s32 s1, s30  }
0xba: {  	s0 =	sor.u32 s3, s0;
	s1 =	sshll.u32 s1, $0x11  }
0xbb: {  	s0 =	sor.u32 s1, s0  }
0xbc: {  	s0 =	sadd.s32 $0x8F2B, s0  }
0xbd: {  	[sflag:s0] =	ssyncadd.remote.s32 $0x1  }
0xbe: {  	_ =	sfence.sel $0xFFFF  }
0xbf: {  	[dreg:$0x0] =	wrdreg $0xFFFFFFFF;
	(pc) =	sbr.abs _section_cstart, $3  }
0xc0: {  	[dreg:$0x1] =	wrdreg $0xFFFFFFFF  }
0xc1: {  	_ =	task.clear_ibuf [dreg:s7], $0x2FFFF;
	_ =	strace $0x9FFFFFFF  }
0xc2: {  	(tm) =	ssettm $0x7FFFFFFF  }
0xc3: {  	_ =	shalt  }
tec
execute0_lowered:
.L_overlay_start_1:
0x0: {  	(tag) =	ssettag $0x1  }
0x1: {  	s3 =	stileid.u32;
	v0 =	vlaneseq.u32  }
0x2: {  	s0 =	rddreg [dreg:$0x0];
	s4 =	sshll.u32 s3, $0x1;
	v9 =	vmul.u32 $0x88, v0;
	s3 =	simm.s32 $0x0  }
0x3: {  	[smem:$0x7FF] =	sst s3  }
0x4: {  	s2 =	rddreg [dreg:$0x1];
	_ =	strace $0x8000004A;
	v3 =	vadd.s32 $0x1981, v9;
	[tilespmem:$0x1FE50] =	vst v9  }
0x5: {  	v0 =	vadd.s32 $0x880, v9;
	[tilespmem:$0x1FE10] =	vst v3  }
0x6: {  	v2 =	vadd.s32 $0x1100, v9;
	[tilespmem:$0x1FE60] =	vst v0  }
0x7: {  	v12 =	vadd.s32 $0x1980, v9;
	[tilespmem:$0x1FE70] =	vst v2  }
0x8: {  	v13 =	vor.u32 $0x1, v9;
	[tilespmem:$0x1FE80] =	vst v12  }
0x9: {  	v10 =	vadd.s32 $0x881, v9;
	[tilespmem:$0x1FE90] =	vst v13  }
0xa: {  	v16 =	vadd.s32 $0x1101, v9;
	[tilespmem:$0x1FEA0] =	vst v10  }
0xb: {  	v6 =	vor.u32 $0x2, v9;
	[tilespmem:$0x1FEB0] =	vst v16  }
0xc: {  	v29 =	vadd.s32 $0x882, v9;
	[tilespmem:$0x1FEC0] =	vst v6  }
0xd: {  	v24 =	vadd.s32 $0x1102, v9;
	[tilespmem:$0x1FED0] =	vst v29  }
0xe: {  	v17 =	vadd.s32 $0x1982, v9;
	[tilespmem:$0x1FEE0] =	vst v24  }
0xf: {  	v28 =	vor.u32 $0x3, v9;
	[tilespmem:$0x1FEF0] =	vst v17  }
0x10: {  	v25 =	vadd.s32 $0x883, v9;
	[tilespmem:$0x1FF00] =	vst v28  }
0x11: {  	v11 =	vadd.s32 $0x1983, v9;
	[tilespmem:$0x1FF10] =	vst v25  }
0x12: {  	v4 =	vor.u32 $0x4, v9;
	[tilespmem:$0x1FF20] =	vst v11  }
0x13: {  	v61 =	vadd.s32 $0x884, v9;
	[tilespmem:$0x1FF30] =	vst v4  }
0x14: {  	v7 =	vadd.s32 $0x1984, v9;
	[tilespmem:$0x1FF40] =	vst v61  }
0x15: {  	v32 =	vor.u32 $0x5, v9;
	[tilespmem:$0x1FF50] =	vst v7  }
0x16: {  	v5 =	vadd.s32 $0x885, v9;
	[tilespmem:$0x1FF60] =	vst v32  }
0x17: {  	v31 =	vadd.s32 $0x1985, v9;
	[tilespmem:$0x1FF70] =	vst v5  }
0x18: {  	s1 =	srdreg.scid;
	v27 =	vor.u32 $0x6, v9;
	[tilespmem:$0x1FF80] =	vst v31  }
0x19: {  	s10 =	simm.s32 $0x80;
	s13 =	simm.s32 $0x1;
	s14 =	simm.s32 $0xA400;
	v14 =	vadd.s32 $0x886, v9;
	[tilespmem:$0x1FF90] =	vst v27  }
0x1a: {  	s15 =	simm.s32 $0xE400;
	s16 =	simm.s32 $0x2;
	s17 =	simm.s32 $0xC400;
	v30 =	vadd.s32 $0x1106, v9;
	[tilespmem:$0x1FFA0] =	vst v14  }
0x1b: {  	s18 =	simm.s32 $0x10600;
	s19 =	simm.s32 $0x3;
	s20 =	simm.s32 $0x5;
	v8 =	vadd.s32 $0x1986, v9;
	[tilespmem:$0x1FFB0] =	vst v30  }
0x1c: {  	s21 =	simm.s32 $0x12800;
	s22 =	simm.s32 $0x4;
	s1 =	sand.u32 $0x1, s1;
	v23 =	vor.u32 $0x7, v9;
	[tilespmem:$0x1FFC0] =	vst v8  }
0x1d: {  	s23 =	simm.s32 $0x6;
	s5 =	sor.u32 s1, s4;
	s1 =	ssub.s32 $0x2, s1;
	v19 =	vadd.s32 $0x1987, v9;
	[tilespmem:$0x1FFD0] =	vst v23  }
0x1e: {  	s24 =	simm.s32 $0x14A00;
	s6 =	smul.u32 $0xC80, s5;
	s30 =	sshrl.u32 s1, $0x1;
	v62 =	vadd.s32 $0x1107, v9;
	[tilespmem:$0x1FFE0] =	vst v19  }
0x1f: {  	s25 =	simm.s32 $0x7;
	s26 =	simm.s32 $0x8;
	s1 =	ssub.s32 s1, s30;
	v3 =	vadd.s32 $0x1103, v9;
	[tilespmem:$0x1FFF0] =	vst v62  }
0x20: {  	s4 =	sadd.s32 $0xF5BE00, s0;
	s0 =	sadd.s32 s6, s0;
	s31 =	smax.u32 s1, $0x1;
	[tilespmem:$0x1FE20] =	vst v3;
	v3 =	vadd.s32 $0x1104, v9  }
0x21: {  	v1 =	vimm.s32 $0x0;
	vm0 =	vcmask $0x300;
	s28 =	simm.s32 $0x0;
	s0 =	sadd.s32 $0xF42E00, s0;
	[dreg:$0x4] =	wrdreg s31;
	[tilespmem:$0x1FE30] =	vst v3;
	v3 =	vadd.s32 $0x1105, v9  }
0x22: {  	v1 =	vsel vm0, $0x3, v1;
	s7 =	sadd.s32 $0x8000, s2;
	v63 =	vadd.s32 $0x887, v9;
	s6 =	sshll.u32 s5, $0xA;
	[dreg:$0x3] =	wrdreg s0;
	[tilespmem:$0x1FE40] =	vst v3  }
.LBB2_1:
0x23: {  	s0 =	rddreg [dreg:$0x3];
	s12 =	simm.s32 $0x9  }
0x24: {  	[tilespmem:s3], [sflag:$0x9] =	stream.linear.gather [hbm4b:s0+s3], $0x6400, $0x38;
	[tilespmem:$0x16C00] =	vst v63  }
0x25: {  	_ =	swait.ge [sflag:s12], $0x6400  }
0x26: {  	[sflag:s12] =	ssyncset.done $0x0  }
0x27: {  	s30 =	simm.s32 $0x6400;
	[sflag:s12] =	ssyncadd.s32 $0xFFFF9C00  }
0x28: {  	[tilespmem:s30], [sflag:$0x1] =	stream.indirect.gather [hbm4b:s4+s10], $0x40, s3, s10, $0xb8;
	[tilespmem:$0x16C00] =	vst v63  }
0x29: {  	s31 =	simm.s32 $0x8400;
	s29 =	simm.s32 $0x0  }
0x2a: {  	[tilespmem:s31], [sflag:$0x2] =	stream.indirect.gather [hbm4b:s4+s10], $0x40, s10, s10, $0xb8;
	[tilespmem:$0x16C00] =	vst v63  }
.LBB2_2:
0x2b: {  	_ =	swait.ge [sflag:s13], $0x2000  }
0x2c: {  	p0 =	seq.s32 s29, $0x0;
	s31 =	sshll.u32 s29, $0x2;
	s1 =	simm.s32 $0x0  }
0x2d: {  	s5 =	simm.s32 $0x1;
	s11 =	simm.s32 $0x2;
	s12 =	simm.s32 $0x3  }
0x2e: {  	s8 =	simm.s32 $0x4;
	s9 =	simm.s32 $0x5;
	[sflag:s13] =	ssyncset.done $0x0;
	v33 =	vmov s1;
	v34 =	vmov s5  }
0x2f: {  	s0 =	simm.s32 @!p0 $0x7;
	v35 =	vmov s11;
	v36 =	vmov s12;
	v37 =	vmov s8;
	s11 =	simm.s32 $0x6;
	[sflag:s13] =	ssyncadd.s32 $0xFFFFE000  }
0x30: {  	s30 =	sor.u32 $0x2, s31;
	v38 =	vmov s9;
	s8 =	simm.s32 $0x7;
	v33 =	vshrl.u32 v33, $0x3;
	v39 =	vmov s11;
	_ =	swait.ge @!p0 [sflag:s0], $0x2000  }
0x31: {  	s12 =	sshll.u32 s30, $0x7;
	v34 =	vshrl.u32 v34, $0x3;
	v40 =	vmov s8;
	v35 =	vshrl.u32 v35, $0x3;
	[sflag:s0] =	ssyncset.done @!p0 $0x0  }
0x32: {  	s1 =	simm.s32 $0x6500;
	v36 =	vshrl.u32 v36, $0x3;
	v37 =	vshrl.u32 v37, $0x3;
	s9 =	sand.u32 $0x3FFFFF80, s12;
	v40 =	vshrl.u32 v40, $0x3;
	[sflag:s0] =	ssyncadd.s32 @!p0 $0xFFFFE000  }
0x33: {  	v38 =	vshrl.u32 v38, $0x3;
	v33 =	vshll.u32 v33, v1;
	v40 =	vshll.u32 v40, v1;
	[tilespmem:s14], [sflag:$0x3] =	stream.indirect.gather [hbm4b:s4+s10], $0x40, s9, s10, $0xb8;
	[tilespmem:$0x16C00] =	vst v63  }
0x34: {  	v42 =	vshrl.u32 v39, $0x3;
	v34 =	vshll.u32 v34, v1;
	v26 =	vbroadcast v40, $0x0;
	v55 =	vld [tilespmem:s1+$0xC0]  }
0x35: {  	v35 =	vshll.u32 v35, v1;
	v36 =	vshll.u32 v36, v1;
	v18 =	vbroadcast v33, $0x0;
	v43 =	vld [tilespmem:s1+$0xFFFFFF00]  }
0x36: {  	v44 =	vshll.u32 v37, v1;
	v22 =	vbroadcast v34, $0x0;
	v45 =	vld [tilespmem:s1+$0xFFFFFF40];
	v46 =	vadd.s32 v23, v26  }
0x37: {  	v56 =	vshll.u32 v38, v1;
	v37 =	vbroadcast v35, $0x0;
	v57 =	vadd.s32 v9, v18;
	v47 =	vld [tilespmem:s1+$0xFFFFFF80]  }
0x38: {  	v42 =	vshll.u32 v42, v1;
	v36 =	vbroadcast v36, $0x0;
	v48 =	vadd.s32 v13, v22;
	v49 =	vld [tilespmem:s1+$0xFFFFFFC0]  }
0x39: {  	v35 =	vbroadcast v44, $0x0;
	v50 =	vadd.s32 v6, v37;
	v51 =	vld [tilespmem:s1+$0x0];
	v58 =	vmul.f32 $8.000000000e+00, v55  }
0x3a: {  	v33 =	vbroadcast v56, $0x0;
	v52 =	vadd.s32 v28, v36;
	v53 =	vld [tilespmem:s1+$0x40];
	v43 =	vmul.f32 $8.000000000e+00, v43  }
0x3b: {  	v34 =	vbroadcast v42, $0x0;
	v54 =	vadd.s32 v4, v35;
	v45 =	vmul.f32 $8.000000000e+00, v45;
	v55 =	vld [tilespmem:s1+$0x80];
	[tilespmem:v46+s15+$0x0] =	vst.idx.msk $0xffff, v58  }
0x3c: {  	v60 =	vmul.f32 $8.000000000e+00, v47;
	[tilespmem:v57+s15+$0x0] =	vst.idx.msk $0xffff, v43;
	v43 =	vadd.s32 v32, v33;
	v44 =	vld [tilespmem:s1+$0xD0]  }
0x3d: {  	v40 =	vmul.f32 $8.000000000e+00, v49;
	v47 =	vadd.s32 v27, v34;
	[tilespmem:v48+s15+$0x0] =	vst.idx.msk $0xffff, v45;
	v46 =	vld [tilespmem:s1+$0xFFFFFF10]  }
0x3e: {  	v41 =	vmul.f32 $8.000000000e+00, v51;
	[tilespmem:v50+s15+$0x0] =	vst.idx.msk $0xffff, v60;
	v50 =	vadd.s32 v63, v26;
	v49 =	vld [tilespmem:s1+$0xFFFFFF50]  }
0x3f: {  	s11 =	simm.s32 $0x8;
	v56 =	vadd.s32 v0, v18;
	[tilespmem:v52+s15+$0x0] =	vst.idx.msk $0xffff, v40;
	v60 =	vmul.f32 $8.000000000e+00, v53;
	v57 =	vld [tilespmem:s1+$0xFFFFFF90]  }
0x40: {  	v59 =	vmov s11;
	v53 =	vadd.s32 v10, v22;
	[tilespmem:v54+s15+$0x0] =	vst.idx.msk $0xffff, v41;
	v58 =	vld [tilespmem:s1+$0xFFFFFFD0];
	v38 =	vmul.f32 $8.000000000e+00, v55  }
0x41: {  	v42 =	vshrl.u32 v59, $0x3;
	v59 =	vld [tilespmem:s1+$0x10];
	v55 =	vadd.s32 v29, v37;
	[tilespmem:v43+s15+$0x0] =	vst.idx.msk $0xffff, v60;
	v43 =	vmul.f32 $8.000000000e+00, v44  }
0x42: {  	[tilespmem:v47+s15+$0x0] =	vst.idx.msk $0xffff, v38;
	v45 =	vmul.f32 $8.000000000e+00, v46;
	v46 =	vadd.s32 v25, v36;
	v60 =	vld [tilespmem:s1+$0x50]  }
0x43: {  	v47 =	vmul.f32 $8.000000000e+00, v49;
	v49 =	vadd.s32 v61, v35;
	[tilespmem:v50+s15+$0x0] =	vst.idx.msk $0xffff, v43  }
0x44: {  	v39 =	vmul.f32 $8.000000000e+00, v57;
	[tilespmem:v56+s15+$0x0] =	vst.idx.msk $0xffff, v45;
	v45 =	vadd.s32 v5, v33  }
0x45: {  	[tilespmem:v53+s15+$0x0] =	vst.idx.msk $0xffff, v47;
	v47 =	vmul.f32 $8.000000000e+00, v58  }
0x46: {  	[tilespmem:v55+s15+$0x0] =	vst.idx.msk $0xffff, v39;
	v39 =	vmul.f32 $8.000000000e+00, v59  }
0x47: {  	v6 =	vmov v61;
	v61 =	vld [tilespmem:s1+$0x90];
	[tilespmem:v46+s15+$0x0] =	vst.idx.msk $0xffff, v47;
	v46 =	vmul.f32 $8.000000000e+00, v60  }
0x48: {  	v50 =	vld [tilespmem:s1+$0xE0];
	[tilespmem:v49+s15+$0x0] =	vst.idx.msk $0xffff, v39  }
0x49: {  	v56 =	vld [tilespmem:s1+$0xFFFFFF20];
	[tilespmem:v45+s15+$0x0] =	vst.idx.msk $0xffff, v46  }
0x4a: {  	v15 =	vmov v2;
	s12 =	simm.s32 $0x9;
	v53 =	vadd.s32 v14, v34;
	v58 =	vadd.s32 v2, v18;
	v2 =	vld [tilespmem:$0x1FE20]  }
0x4b: {  	v48 =	vmov s12;
	s12 =	simm.s32 $0xE;
	v55 =	vadd.s32 v62, v26;
	v57 =	vld [tilespmem:s1+$0xFFFFFF60]  }
0x4c: {  	s11 =	simm.s32 $0xD;
	v38 =	vmov s12;
	v59 =	vld [tilespmem:s1+$0xFFFFFFA0]  }
0x4d: {  	v28 =	vmovc v62;
	v44 =	vmov s11;
	v60 =	vadd.s32 v16, v22;
	v47 =	vmul.f32 $8.000000000e+00, v61;
	v62 =	vld [tilespmem:s1+$0xFFFFFFE0]  }
0x4e: {  	v41 =	vshrl.u32 v44, $0x3;
	v49 =	vadd.s32 v24, v37;
	v44 =	vmul.f32 $8.000000000e+00, v50  }
0x4f: {  	v43 =	vshll.u32 v42, v1;
	v50 =	vmul.f32 $8.000000000e+00, v56;
	[tilespmem:v53+s15+$0x0] =	vst.idx.msk $0xffff, v47;
	v39 =	vadd.s32 v2, v36  }
0x50: {  	v42 =	vshrl.u32 v38, $0x3;
	v38 =	vbroadcast v43, $0x0;
	v43 =	vmul.f32 $8.000000000e+00, v57;
	v3 =	vld [tilespmem:$0x1FE30];
	[tilespmem:v55+s15+$0x0] =	vst.idx.msk $0xffff, v44  }
0x51: {  	v21 =	vmov v63;
	s5 =	simm.s32 $0xA;
	v63 =	vld [tilespmem:s1+$0x20];
	v46 =	vmul.f32 $8.000000000e+00, v59;
	[tilespmem:v58+s15+$0x0] =	vst.idx.msk $0xffff, v50  }
0x52: {  	v51 =	vmov s5;
	v20 =	vld [tilespmem:$0x1FE40];
	[tilespmem:v60+s15+$0x0] =	vst.idx.msk $0xffff, v43;
	v62 =	vmul.f32 $8.000000000e+00, v62  }
0x53: {  	s8 =	simm.s32 $0xB;
	s9 =	simm.s32 $0xC;
	v51 =	vshrl.u32 v51, $0x3;
	v40 =	vld [tilespmem:s1+$0x60];
	[tilespmem:v49+s15+$0x0] =	vst.idx.msk $0xffff, v46  }
0x54: {  	v52 =	vmov s8;
	v54 =	vmov s9;
	v48 =	vshrl.u32 v48, $0x3;
	v61 =	vld [tilespmem:s1+$0xA0];
	[tilespmem:v39+s15+$0x0] =	vst.idx.msk $0xffff, v62  }
0x55: {  	v4 =	vmovc v0;
	v52 =	vshrl.u32 v52, $0x3;
	v54 =	vshrl.u32 v54, $0x3;
	v57 =	vadd.s32 v3, v35;
	v0 =	vld [tilespmem:$0x1FE10]  }
0x56: {  	v45 =	vshll.u32 v52, v1;
	v47 =	vshll.u32 v48, v1;
	v53 =	vadd.s32 v19, v26;
	v56 =	vld [tilespmem:s1+$0xF0]  }
0x57: {  	v48 =	vadd.s32 v12, v18;
	v44 =	vshll.u32 v51, v1;
	v51 =	vadd.s32 v30, v34;
	v50 =	vld [tilespmem:s1+$0xFFFFFF30]  }
0x58: {  	v63 =	vmul.f32 $8.000000000e+00, v63;
	v46 =	vshll.u32 v54, v1;
	v52 =	vld [tilespmem:s1+$0xFFFFFF70];
	v55 =	vadd.s32 v20, v33  }
0x59: {  	v43 =	vshll.u32 v41, v1;
	v49 =	vld [tilespmem:s1+$0xFFFFFFB0];
	v18 =	vmovc v2;
	v26 =	vmovc v20;
	v20 =	vmov v8;
	v39 =	vmul.f32 $8.000000000e+00, v40  }
0x5a: {  	s0 =	simm.s32 $0x10;
	s11 =	simm.s32 $0xF;
	v40 =	vmul.f32 $8.000000000e+00, v61;
	v54 =	vld [tilespmem:s1+$0xFFFFFFF0];
	[tilespmem:v57+s15+$0x0] =	vst.idx.msk $0xffff, v63;
	v41 =	vadd.s32 v0, v22;
	v22 =	vmovc v3;
	v8 =	vmov v0  }
.LBB2_3:
0x5b: {  	_ = 	snop  }
0x5c: {  	v37 =	vadd.s32 v17, v37  }
0x5d: {  	v58 =	vld [tilespmem:s1+$0x30];
	[tilespmem:v55+s15+$0x0] =	vst.idx.msk $0xffff, v39;
	v60 =	vmul.f32 $8.000000000e+00, v56  }
0x5e: {  	v36 =	vadd.s32 v11, v36;
	v0 =	vld [tilespmem:$0x1FEC0];
	[tilespmem:v51+s15+$0x0] =	vst.idx.msk $0xffff, v40;
	v50 =	vmul.f32 $8.000000000e+00, v50  }
0x5f: {  	v62 =	vld [tilespmem:s1+$0x70];
	v55 =	vmul.f32 $8.000000000e+00, v49;
	[tilespmem:v53+s15+$0x0] =	vst.idx.msk $0xffff, v60  }
0x60: {  	v57 =	vmov s11;
	v63 =	vmul.f32 $8.000000000e+00, v52;
	v52 =	vld [tilespmem:s1+$0xB0];
	s1 =	sadd.s32 $0x200, s1;
	[tilespmem:v48+s15+$0x0] =	vst.idx.msk $0xffff, v50  }
0x61: {  	v61 =	vshrl.u32 v57, $0x3;
	v57 =	vmul.f32 $8.000000000e+00, v54;
	[tilespmem:v37+s15+$0x0] =	vst.idx.msk $0xffff, v55;
	v37 =	vbroadcast v44, $0x0;
	v53 =	vld [tilespmem:s1+$0xC0]  }
0x62: {  	v35 =	vadd.s32 v7, v35;
	v39 =	vmov v38;
	v38 =	vshll.u32 v61, v1;
	v48 =	vld [tilespmem:s1+$0xFFFFFF00]  }
0x63: {  	v40 =	vbroadcast v38, $0x0;
	[tilespmem:v36+s15+$0x0] =	vst.idx.msk $0xffff, v57;
	v36 =	vbroadcast v45, $0x0;
	v45 =	vadd.s32 v0, v37;
	v0 =	vld [tilespmem:$0x1FF00]  }
0x64: {  	v33 =	vadd.s32 v31, v33;
	[tilespmem:v41+s15+$0x0] =	vst.idx.msk $0xffff, v63  }
0x65: {  	v41 =	vbroadcast v47, $0x0;
	v47 =	vadd.s32 v23, v40;
	v59 =	vld [tilespmem:s1+$0xFFFFFF40]  }
0x66: {  	v51 =	vadd.s32 v9, v39;
	v60 =	vmul.f32 $8.000000000e+00, v58;
	v61 =	vld [tilespmem:s1+$0xFFFFFF80]  }
0x67: {  	v34 =	vadd.s32 v20, v34;
	v62 =	vmul.f32 $8.000000000e+00, v62;
	v63 =	vld [tilespmem:s1+$0xFFFFFFC0]  }
0x68: {  	[tilespmem:v35+s15+$0x0] =	vst.idx.msk $0xffff, v60;
	v57 =	vmul.f32 $8.000000000e+00, v53;
	v58 =	vmul.f32 $8.000000000e+00, v48;
	v48 =	vadd.s32 v0, v36;
	v0 =	vld [tilespmem:$0x1FF30]  }
0x69: {  	v56 =	vmul.f32 $8.000000000e+00, v52;
	v52 =	vld [tilespmem:s1+$0x0];
	[tilespmem:v33+s15+$0x0] =	vst.idx.msk $0xffff, v62  }
0x6a: {  	v49 =	vadd.s32 v13, v41;
	v33 =	vbroadcast v43, $0x0;
	v53 =	vld [tilespmem:s1+$0x40];
	[tilespmem:v47+s15+$0x0] =	vst.idx.msk $0xffff, v57  }
0x6b: {  	v35 =	vbroadcast v46, $0x0;
	v61 =	vmul.f32 $8.000000000e+00, v61;
	[tilespmem:v51+s15+$0x0] =	vst.idx.msk $0xffff, v58;
	v47 =	vld [tilespmem:s1+$0xD0]  }
0x6c: {  	v42 =	vshll.u32 v42, v1;
	[tilespmem:v34+s15+$0x0] =	vst.idx.msk $0xffff, v56;
	v62 =	vadd.s32 v32, v33;
	v63 =	vmul.f32 $8.000000000e+00, v63;
	v51 =	vld [tilespmem:s1+$0xFFFFFF10]  }
0x6d: {  	v34 =	vbroadcast v42, $0x0;
	v59 =	vmul.f32 $8.000000000e+00, v59;
	v50 =	vld [tilespmem:s1+$0x80];
	[tilespmem:v45+s15+$0x0] =	vst.idx.msk $0xffff, v61;
	v43 =	vadd.s32 v0, v35  }
0x6e: {  	v45 =	vadd.s32 v21, v40;
	[tilespmem:v48+s15+$0x0] =	vst.idx.msk $0xffff, v63  }
0x6f: {  	v60 =	vmov s0;
	[tilespmem:v49+s15+$0x0] =	vst.idx.msk $0xffff, v59;
	v49 =	vadd.s32 v27, v34;
	v61 =	vmul.f32 $8.000000000e+00, v53;
	v58 =	vld [tilespmem:s1+$0xFFFFFFD0]  }
0x70: {  	v42 =	vshrl.u32 v60, $0x3;
	v56 =	vadd.s32 v4, v39;
	v60 =	vmul.f32 $8.000000000e+00, v52;
	v55 =	vld [tilespmem:s1+$0xFFFFFF50]  }
0x71: {  	s5 =	sadd.s32 $0x1, s0;
	v57 =	vld [tilespmem:s1+$0xFFFFFF90];
	[tilespmem:v62+s15+$0x0] =	vst.idx.msk $0xffff, v61;
	v38 =	vmul.f32 $8.000000000e+00, v47;
	v47 =	vmul.f32 $8.000000000e+00, v51;
	v51 =	vadd.s32 v25, v36  }
0x72: {  	v54 =	vmov s5;
	v53 =	vadd.s32 v10, v41;
	[tilespmem:v43+s15+$0x0] =	vst.idx.msk $0xffff, v60;
	v43 =	vmul.f32 $8.000000000e+00, v50  }
0x73: {  	s9 =	sadd.s32 $0x4, s0;
	s11 =	sadd.s32 $0x5, s0;
	v54 =	vshrl.u32 v54, $0x3;
	[tilespmem:v45+s15+$0x0] =	vst.idx.msk $0xffff, v38;
	v50 =	vadd.s32 v29, v37;
	v59 =	vld [tilespmem:s1+$0x10]  }
0x74: {  	s12 =	sadd.s32 $0x2, s0;
	v44 =	vmov s9;
	v46 =	vmov s11;
	v60 =	vld [tilespmem:s1+$0x50];
	v63 =	vmul.f32 $8.000000000e+00, v58;
	[tilespmem:v49+s15+$0x0] =	vst.idx.msk $0xffff, v43  }
0x75: {  	v52 =	vmov s12;
	[tilespmem:v56+s15+$0x0] =	vst.idx.msk $0xffff, v47;
	v49 =	vmul.f32 $8.000000000e+00, v55;
	v55 =	vadd.s32 v6, v35;
	v61 =	vld [tilespmem:s1+$0x90]  }
0x76: {  	s8 =	sadd.s32 $0x3, s0;
	v52 =	vshrl.u32 v52, $0x3;
	v62 =	vmul.f32 $8.000000000e+00, v57;
	v45 =	vadd.s32 v5, v33;
	v47 =	vld [tilespmem:s1+$0xE0];
	[tilespmem:v51+s15+$0x0] =	vst.idx.msk $0xffff, v63  }
0x77: {  	v48 =	vmov s8;
	v0 =	vadd.s32 v18, v36;
	v56 =	vld [tilespmem:s1+$0xFFFFFF20];
	[tilespmem:v53+s15+$0x0] =	vst.idx.msk $0xffff, v49;
	v53 =	vadd.s32 v14, v34  }
0x78: {  	v38 =	vshll.u32 v42, v1;
	v57 =	vld [tilespmem:s1+$0xFFFFFF60];
	[tilespmem:v50+s15+$0x0] =	vst.idx.msk $0xffff, v62;
	v50 =	vadd.s32 v28, v40;
	v42 =	vmul.f32 $8.000000000e+00, v59  }
0x79: {  	v48 =	vshrl.u32 v48, $0x3;
	v58 =	vadd.s32 v15, v39;
	v49 =	vmul.f32 $8.000000000e+00, v60;
	v62 =	vld [tilespmem:s1+$0xFFFFFFE0]  }
0x7a: {  	s12 =	sadd.s32 $0x6, s0;
	v51 =	vadd.s32 v16, v41;
	v60 =	vshrl.u32 v44, $0x3;
	v59 =	vld [tilespmem:s1+$0xFFFFFFA0];
	[tilespmem:v55+s15+$0x0] =	vst.idx.msk $0xffff, v42;
	v44 =	vmul.f32 $8.000000000e+00, v61  }
0x7b: {  	v43 =	vmov s12;
	v41 =	vadd.s32 v8, v41;
	[tilespmem:v45+s15+$0x0] =	vst.idx.msk $0xffff, v49;
	v45 =	vmul.f32 $8.000000000e+00, v47;
	v63 =	vld [tilespmem:s1+$0x20]  }
0x7c: {  	v61 =	vshrl.u32 v46, $0x3;
	v46 =	vadd.s32 v24, v37;
	v55 =	vmul.f32 $8.000000000e+00, v56;
	v2 =	vld [tilespmem:s1+$0x60];
	[tilespmem:v53+s15+$0x0] =	vst.idx.msk $0xffff, v44  }
0x7d: {  	p1 =	slt.u32 s0, $0x78;
	v47 =	vshll.u32 v54, v1;
	v49 =	vmul.f32 $8.000000000e+00, v57;
	v57 =	vadd.s32 v22, v35;
	[tilespmem:v50+s15+$0x0] =	vst.idx.msk $0xffff, v45;
	v3 =	vld [tilespmem:s1+$0xA0]  }
.Ltmp0:
0x7e: {  	v42 =	vshrl.u32 v43, $0x3;
	[tilespmem:v58+s15+$0x0] =	vst.idx.msk $0xffff, v55;
	v55 =	vadd.s32 v26, v33;
	v62 =	vmul.f32 $8.000000000e+00, v62;
	v56 =	vld [tilespmem:s1+$0xF0];
	(pc) =	sbr.rel @p1 .LBB2_3-.Ltmp0, $4  }
0x7f: {  	v44 =	vshll.u32 v52, v1;
	v45 =	vshll.u32 v48, v1;
	v43 =	vmul.f32 $8.000000000e+00, v59;
	v50 =	vld [tilespmem:s1+$0xFFFFFF30];
	[tilespmem:v51+s15+$0x0] =	vst.idx.msk $0xffff, v49  }
0x80: {  	v53 =	vadd.s32 v19, v40;
	v48 =	vadd.s32 v12, v39;
	[tilespmem:v0+s15+$0x0] =	vst.idx.msk $0xffff, v62;
	v52 =	vld [tilespmem:s1+$0xFFFFFF70];
	v63 =	vmul.f32 $8.000000000e+00, v63  }
0x81: {  	v38 =	vbroadcast v38, $0x0;
	v51 =	vadd.s32 v30, v34;
	[tilespmem:v46+s15+$0x0] =	vst.idx.msk $0xffff, v43;
	v46 =	vshll.u32 v60, v1;
	v54 =	vld [tilespmem:s1+$0xFFFFFFF0]  }
0x82: {  	s11 =	sadd.s32 $0x7, s0;
	s0 =	sadd.s32 $0x8, s0;
	v39 =	vmul.f32 $8.000000000e+00, v2;
	v43 =	vshll.u32 v61, v1;
	v49 =	vld [tilespmem:s1+$0xFFFFFFB0];
	[tilespmem:v57+s15+$0x0] =	vst.idx.msk $0xffff, v63;
	v40 =	vmul.f32 $8.000000000e+00, v3  }
0x83: {  	_ =	sdelay $0x3  }
0x84: {  	v2 =	vadd.s32 v17, v37;
	v3 =	vld [tilespmem:s1+$0x30];
	v58 =	vmul.f32 $8.000000000e+00, v56;
	[tilespmem:v55+s15+$0x0] =	vst.idx.msk $0xffff, v39  }
0x85: {  	v36 =	vadd.s32 v11, v36;
	v59 =	vmul.f32 $8.000000000e+00, v50;
	[tilespmem:v51+s15+$0x0] =	vst.idx.msk $0xffff, v40;
	v60 =	vld [tilespmem:s1+$0x70]  }
0x86: {  	v35 =	vadd.s32 v7, v35;
	v61 =	vmul.f32 $8.000000000e+00, v52;
	v51 =	vld [tilespmem:s1+$0xB0];
	[tilespmem:v53+s15+$0x0] =	vst.idx.msk $0xffff, v58  }
0x87: {  	v33 =	vadd.s32 v31, v33;
	[tilespmem:v48+s15+$0x0] =	vst.idx.msk $0xffff, v59;
	v62 =	vmul.f32 $8.000000000e+00, v49  }
0x88: {  	s0 =	sadd.s32 $0x200, s1;
	v34 =	vadd.s32 v20, v34;
	v54 =	vmul.f32 $8.000000000e+00, v54;
	[tilespmem:v41+s15+$0x0] =	vst.idx.msk $0xffff, v61  }
0x89: {  	v0 =	vmov s11;
	v37 =	vld [tilespmem:s0+$0xC0];
	[tilespmem:v2+s15+$0x0] =	vst.idx.msk $0xffff, v62;
	v2 =	vmul.f32 $8.000000000e+00, v3  }
0x8a: {  	v0 =	vshrl.u32 v0, $0x3;
	v63 =	vld [tilespmem:s0+$0xFFFFFF00];
	[tilespmem:v36+s15+$0x0] =	vst.idx.msk $0xffff, v54;
	v56 =	vmul.f32 $8.000000000e+00, v60  }
0x8b: {  	v0 =	vshll.u32 v0, v1;
	v41 =	vld [tilespmem:s0+$0xFFFFFF40];
	[tilespmem:v35+s15+$0x0] =	vst.idx.msk $0xffff, v2;
	v2 =	vmul.f32 $8.000000000e+00, v51  }
0x8c: {  	v57 =	vmov v17;
	v0 =	vbroadcast v0, $0x0;
	v17 =	vld [tilespmem:$0x1FEC0];
	[tilespmem:v33+s15+$0x0] =	vst.idx.msk $0xffff, v56  }
0x8d: {  	v52 =	vld [tilespmem:$0x1FF00];
	[tilespmem:v34+s15+$0x0] =	vst.idx.msk $0xffff, v2  }
0x8e: {  	v47 =	vbroadcast v47, $0x0;
	v49 =	vadd.s32 v23, v0;
	v53 =	vld [tilespmem:$0x1FF30]  }
0x8f: {  	v44 =	vbroadcast v44, $0x0;
	v39 =	vld [tilespmem:s0+$0xFFFFFF80];
	v3 =	vadd.s32 v9, v38  }
0x90: {  	v42 =	vshll.u32 v42, v1;
	v45 =	vbroadcast v45, $0x0;
	v58 =	vadd.s32 v13, v47;
	v59 =	vld [tilespmem:s0+$0xFFFFFFC0]  }
0x91: {  	v46 =	vbroadcast v46, $0x0;
	v61 =	vld [tilespmem:s0+$0x0];
	v37 =	vmul.f32 $8.000000000e+00, v37;
	v60 =	vadd.s32 v17, v44  }
0x92: {  	v43 =	vbroadcast v43, $0x0;
	v62 =	vmul.f32 $8.000000000e+00, v63;
	v63 =	vld [tilespmem:s0+$0x40];
	v36 =	vadd.s32 v52, v45  }
0x93: {  	v42 =	vbroadcast v42, $0x0;
	v2 =	vmul.f32 $8.000000000e+00, v41;
	v41 =	vld [tilespmem:s0+$0x80];
	[tilespmem:v49+s15+$0x0] =	vst.idx.msk $0xffff, v37;
	v34 =	vadd.s32 v53, v46  }
0x94: {  	v33 =	vadd.s32 v32, v43;
	[tilespmem:v3+s15+$0x0] =	vst.idx.msk $0xffff, v62;
	v3 =	vmul.f32 $8.000000000e+00, v39;
	v37 =	vld [tilespmem:s0+$0xD0]  }
0x95: {  	v56 =	vld [tilespmem:s0+$0xFFFFFF10];
	[tilespmem:v58+s15+$0x0] =	vst.idx.msk $0xffff, v2;
	v2 =	vmul.f32 $8.000000000e+00, v59;
	v58 =	vadd.s32 v27, v42  }
0x96: {  	v59 =	vld [tilespmem:s0+$0xFFFFFF50];
	[tilespmem:v60+s15+$0x0] =	vst.idx.msk $0xffff, v3;
	v3 =	vmul.f32 $8.000000000e+00, v61;
	v60 =	vadd.s32 v21, v0  }
0x97: {  	v61 =	vadd.s32 v4, v38;
	v62 =	vld [tilespmem:s0+$0xFFFFFF90];
	[tilespmem:v36+s15+$0x0] =	vst.idx.msk $0xffff, v2;
	v2 =	vmul.f32 $8.000000000e+00, v63  }
0x98: {  	v63 =	vadd.s32 v10, v47;
	v54 =	vld [tilespmem:s0+$0xFFFFFFD0];
	[tilespmem:v34+s15+$0x0] =	vst.idx.msk $0xffff, v3;
	v3 =	vmul.f32 $8.000000000e+00, v41  }
0x99: {  	v34 =	vadd.s32 v29, v44;
	v41 =	vld [tilespmem:s0+$0x10];
	[tilespmem:v33+s15+$0x0] =	vst.idx.msk $0xffff, v2;
	v2 =	vmul.f32 $8.000000000e+00, v37  }
0x9a: {  	v56 =	vmul.f32 $8.000000000e+00, v56;
	v37 =	vadd.s32 v25, v45;
	v39 =	vld [tilespmem:s0+$0x50];
	[tilespmem:v58+s15+$0x0] =	vst.idx.msk $0xffff, v3  }
0x9b: {  	v40 =	vadd.s32 v6, v46;
	v3 =	vmul.f32 $8.000000000e+00, v59;
	v49 =	vld [tilespmem:s0+$0x90];
	[tilespmem:v60+s15+$0x0] =	vst.idx.msk $0xffff, v2  }
0x9c: {  	v58 =	vadd.s32 v5, v43;
	[tilespmem:v61+s15+$0x0] =	vst.idx.msk $0xffff, v56;
	v2 =	vmul.f32 $8.000000000e+00, v62;
	v35 =	vld [tilespmem:s0+$0xE0]  }
0x9d: {  	v36 =	vadd.s32 v14, v42;
	v50 =	vld [tilespmem:s0+$0xFFFFFF20];
	[tilespmem:v63+s15+$0x0] =	vst.idx.msk $0xffff, v3;
	v3 =	vmul.f32 $8.000000000e+00, v54  }
0x9e: {  	v54 =	vld [tilespmem:s0+$0xFFFFFF60];
	[tilespmem:v34+s15+$0x0] =	vst.idx.msk $0xffff, v2;
	v2 =	vmul.f32 $8.000000000e+00, v41;
	v34 =	vadd.s32 v28, v0  }
0x9f: {  	v41 =	vadd.s32 v15, v38;
	v56 =	vld [tilespmem:s0+$0xFFFFFFA0];
	[tilespmem:v37+s15+$0x0] =	vst.idx.msk $0xffff, v3;
	v3 =	vmul.f32 $8.000000000e+00, v39  }
0xa0: {  	v37 =	vadd.s32 v16, v47;
	v39 =	vld [tilespmem:s0+$0xFFFFFFE0];
	[tilespmem:v40+s15+$0x0] =	vst.idx.msk $0xffff, v2;
	v2 =	vmul.f32 $8.000000000e+00, v49  }
0xa1: {  	v40 =	vadd.s32 v24, v44;
	v49 =	vld [tilespmem:s0+$0x20];
	[tilespmem:v58+s15+$0x0] =	vst.idx.msk $0xffff, v3;
	v3 =	vmul.f32 $8.000000000e+00, v35  }
0xa2: {  	v58 =	vmul.f32 $8.000000000e+00, v50;
	v35 =	vadd.s32 v18, v45;
	v63 =	vld [tilespmem:s0+$0x60];
	[tilespmem:v36+s15+$0x0] =	vst.idx.msk $0xffff, v2  }
0xa3: {  	v2 =	vmul.f32 $8.000000000e+00, v54;
	v36 =	vadd.s32 v22, v46;
	v54 =	vld [tilespmem:s0+$0xA0];
	[tilespmem:v34+s15+$0x0] =	vst.idx.msk $0xffff, v3  }
0xa4: {  	[tilespmem:v41+s15+$0x0] =	vst.idx.msk $0xffff, v58;
	v3 =	vmul.f32 $8.000000000e+00, v56;
	v56 =	vadd.s32 v26, v43;
	v34 =	vld [tilespmem:s0+$0xF0]  }
0xa5: {  	v41 =	vld [tilespmem:s0+$0xFFFFFF30];
	[tilespmem:v37+s15+$0x0] =	vst.idx.msk $0xffff, v2;
	v37 =	vadd.s32 v30, v42;
	v2 =	vmul.f32 $8.000000000e+00, v39  }
0xa6: {  	v0 =	vadd.s32 v19, v0;
	v58 =	vld [tilespmem:s0+$0xFFFFFF70];
	[tilespmem:v40+s15+$0x0] =	vst.idx.msk $0xffff, v3;
	v3 =	vmul.f32 $8.000000000e+00, v49  }
0xa7: {  	v38 =	vadd.s32 v12, v38;
	v40 =	vld [tilespmem:s0+$0xFFFFFFB0];
	[tilespmem:v35+s15+$0x0] =	vst.idx.msk $0xffff, v2;
	v2 =	vmul.f32 $8.000000000e+00, v63  }
0xa8: {  	v63 =	vadd.s32 v8, v47;
	v49 =	vld [tilespmem:s0+$0xFFFFFFF0];
	[tilespmem:v36+s15+$0x0] =	vst.idx.msk $0xffff, v3;
	v3 =	vmul.f32 $8.000000000e+00, v54  }
0xa9: {  	v55 =	vmov v11;
	v50 =	vadd.s32 v57, v44;
	v51 =	vld [tilespmem:s0+$0x30];
	[tilespmem:v56+s15+$0x0] =	vst.idx.msk $0xffff, v2;
	v2 =	vmul.f32 $8.000000000e+00, v34  }
0xaa: {  	v55 =	vadd.s32 v55, v45;
	v54 =	vmul.f32 $8.000000000e+00, v41;
	v56 =	vld [tilespmem:s0+$0x70];
	[tilespmem:v37+s15+$0x0] =	vst.idx.msk $0xffff, v3  }
0xab: {  	v57 =	vadd.s32 v7, v46;
	v3 =	vmul.f32 $8.000000000e+00, v58;
	v58 =	vld [tilespmem:s0+$0xB0];
	[tilespmem:v0+s15+$0x0] =	vst.idx.msk $0xffff, v2  }
0xac: {  	[tilespmem:v38+s15+$0x0] =	vst.idx.msk $0xffff, v54;
	v2 =	vadd.s32 v31, v43;
	v0 =	vmul.f32 $8.000000000e+00, v40  }
0xad: {  	[tilespmem:v63+s15+$0x0] =	vst.idx.msk $0xffff, v3;
	v63 =	vadd.s32 v20, v42;
	v3 =	vmul.f32 $8.000000000e+00, v49  }
0xae: {  	[tilespmem:v50+s15+$0x0] =	vst.idx.msk $0xffff, v0;
	v0 =	vmul.f32 $8.000000000e+00, v51  }
0xaf: {  	s1 =	sshll.u32 s29, $0x14;
	[tilespmem:v55+s15+$0x0] =	vst.idx.msk $0xffff, v3;
	v3 =	vmul.f32 $8.000000000e+00, v56  }
0xb0: {  	s0 =	sor.u32 s6, s1;
	[tilespmem:v57+s15+$0x0] =	vst.idx.msk $0xffff, v0;
	v0 =	vmul.f32 $8.000000000e+00, v58  }
0xb1: {  	s1 =	sshrl.u32 s0, $0x3;
	[tilespmem:v2+s15+$0x0] =	vst.idx.msk $0xffff, v3  }
0xb2: {  	s5 =	simm.s32 $0xE400;
	s11 =	sadd.s32 s2, s1;
	[tilespmem:v63+s15+$0x0] =	vst.idx.msk $0xffff, v0  }
0xb3: {  	[hbm4b:s11+s3] =	stream.linear.scatter [tilespmem:s5], [sflag:$0x5], $0x80, $0x38;
	[tilespmem:$0x16C00] =	vst v63  }
0xb4: {  	s8 =	simm.s32 $0xE488;
	s5 =	sadd.s32 $0x10, s11  }
0xb5: {  	[hbm4b:s5+s3] =	stream.linear.scatter [tilespmem:s8], [sflag:$0x5], $0x80, $0x38;
	[tilespmem:$0x16C00] =	vst v63  }
0xb6: {  	s9 =	simm.s32 $0xE510;
	s12 =	sadd.s32 $0x20, s11  }
0xb7: {  	[hbm4b:s12+s3] =	stream.linear.scatter [tilespmem:s9], [sflag:$0x5], $0x80, $0x38;
	[tilespmem:$0x16C00] =	vst v63  }
0xb8: {  	s5 =	simm.s32 $0xE598;
	s8 =	sadd.s32 $0x30, s11  }
0xb9: {  	[hbm4b:s8+s3] =	stream.linear.scatter [tilespmem:s5], [sflag:$0x5], $0x80, $0x38;
	[tilespmem:$0x16C00] =	vst v63  }
0xba: {  	s9 =	simm.s32 $0xE620;
	s12 =	sadd.s32 $0x40, s11  }
0xbb: {  	[hbm4b:s12+s3] =	stream.linear.scatter [tilespmem:s9], [sflag:$0x5], $0x80, $0x38;
	[tilespmem:$0x16C00] =	vst v63  }
0xbc: {  	s0 =	simm.s32 $0x440;
	s5 =	simm.s32 $0xE6A8;
	s8 =	sadd.s32 $0x50, s11  }
0xbd: {  	v11 =	vmovc v21;
	v21 =	vmovc v29;
	v29 =	vmov v6;
	v6 =	vmov v28;
	v59 =	vmov v5;
	[hbm4b:s8+s3] =	stream.linear.scatter [tilespmem:s5], [sflag:$0x5], $0x80, $0x38;
	[tilespmem:$0x16C00] =	vst v63  }
0xbe: {  	v5 =	vmovc v4;
	v60 =	vmovc v14;
	v14 =	vmov v15;
	v61 =	vmov v16;
	v62 =	vmov v18;
	s9 =	simm.s32 $0xE730;
	s12 =	sadd.s32 $0x60, s11;
	s5 =	simm.s32 $0xE7B8  }
0xbf: {  	v15 =	vmovc v11;
	v16 =	vmovc v24;
	v18 =	vmov v22;
	v22 =	vmov v32;
	v26 =	vmov v30;
	[hbm4b:s12+s3] =	stream.linear.scatter [tilespmem:s9], [sflag:$0x5], $0x80, $0x38;
	[tilespmem:$0x16C00] =	vst v63  }
0xc0: {  	v30 =	vmovc v19;
	v40 =	vmovc v29;
	v20 =	vmov v17;
	v29 =	vmov v52;
	v17 =	vmov v53;
	s8 =	sadd.s32 $0x70, s11;
	s11 =	sadd.s32 $0x1000, s11;
	s12 =	simm.s32 $0x2200  }
.LBB2_5:
0xc1: {  	[hbm4b:s8+s3] =	stream.linear.scatter [tilespmem:s5], [sflag:$0x5], $0x80, $0x38;
	[tilespmem:$0x16C00] =	vst v63  }
0xc2: {  	s5 =	smov.u32 s0;
	s0 =	smov.u32 s12  }
0xc3: {  	s9 =	sadd.s32 $0x1100, s12;
	s0 =	sshra.s32 s0, $0x2;
	s8 =	sadd.s32 $0xE400, s5  }
0xc4: {  	[hbm4b:s11+s3] =	stream.linear.scatter [tilespmem:s8], [sflag:$0x5], $0x80, $0x38;
	[tilespmem:$0x16C00] =	vst v63  }
0xc5: {  	p1 =	sne.s32 s12, $0x7700;
	s12 =	sadd.s32 $0x10, s11;
	s8 =	sadd.s32 $0xE488, s5  }
0xc6: {  	[hbm4b:s12+s3] =	stream.linear.scatter [tilespmem:s8], [sflag:$0x5], $0x80, $0x38;
	[tilespmem:$0x16C00] =	vst v63  }
0xc7: {  	s8 =	sadd.s32 $0xE510, s5;
	s12 =	sadd.s32 $0x20, s11  }
0xc8: {  	[hbm4b:s12+s3] =	stream.linear.scatter [tilespmem:s8], [sflag:$0x5], $0x80, $0x38;
	[tilespmem:$0x16C00] =	vst v63  }
0xc9: {  	s8 =	sadd.s32 $0xE598, s5;
	s12 =	sadd.s32 $0x30, s11  }
0xca: {  	[hbm4b:s12+s3] =	stream.linear.scatter [tilespmem:s8], [sflag:$0x5], $0x80, $0x38;
	[tilespmem:$0x16C00] =	vst v63  }
0xcb: {  	s8 =	sadd.s32 $0xE620, s5;
	s12 =	sadd.s32 $0x40, s11  }
0xcc: {  	[hbm4b:s12+s3] =	stream.linear.scatter [tilespmem:s8], [sflag:$0x5], $0x80, $0x38;
	[tilespmem:$0x16C00] =	vst v63  }
.Ltmp1:
0xcd: {  	s8 =	sadd.s32 $0xE6A8, s5;
	s12 =	sadd.s32 $0x50, s11;
	(pc) =	sbr.rel @p1 .LBB2_5-.Ltmp1, $4  }
0xce: {  	[hbm4b:s12+s3] =	stream.linear.scatter [tilespmem:s8], [sflag:$0x5], $0x80, $0x38;
	[tilespmem:$0x16C00] =	vst v63  }
0xcf: {  	s8 =	sadd.s32 $0xE730, s5;
	s12 =	sadd.s32 $0x60, s11;
	s5 =	sadd.s32 $0xE7B8, s5  }
0xd0: {  	[hbm4b:s12+s3] =	stream.linear.scatter [tilespmem:s8], [sflag:$0x5], $0x80, $0x38;
	[tilespmem:$0x16C00] =	vst v63  }
0xd1: {  	s8 =	sadd.s32 $0x70, s11;
	s11 =	sadd.s32 $0x1000, s11;
	s12 =	smov.u32 s9  }
0xd2: {  	[hbm4b:s8+s3] =	stream.linear.scatter [tilespmem:s5], [sflag:$0x5], $0x80, $0x38;
	[tilespmem:$0x16C00] =	vst v63  }
0xd3: {  	s8 =	sadd.s32 $0xE400, s0  }
0xd4: {  	[hbm4b:s11+s3] =	stream.linear.scatter [tilespmem:s8], [sflag:$0x5], $0x80, $0x38;
	[tilespmem:$0x16C00] =	vst v63  }
0xd5: {  	s9 =	sadd.s32 $0xE488, s0;
	s12 =	sadd.s32 $0x10, s11  }
0xd6: {  	[hbm4b:s12+s3] =	stream.linear.scatter [tilespmem:s9], [sflag:$0x5], $0x80, $0x38;
	[tilespmem:$0x16C00] =	vst v63  }
0xd7: {  	s9 =	sadd.s32 $0xE510, s0;
	s12 =	sadd.s32 $0x20, s11  }
0xd8: {  	[hbm4b:s12+s3] =	stream.linear.scatter [tilespmem:s9], [sflag:$0x5], $0x80, $0x38;
	[tilespmem:$0x16C00] =	vst v63  }
0xd9: {  	s9 =	sadd.s32 $0xE598, s0;
	s12 =	sadd.s32 $0x30, s11  }
0xda: {  	[hbm4b:s12+s3] =	stream.linear.scatter [tilespmem:s9], [sflag:$0x5], $0x80, $0x38;
	[tilespmem:$0x16C00] =	vst v63  }
0xdb: {  	s9 =	sadd.s32 $0xE620, s0;
	s12 =	sadd.s32 $0x40, s11  }
0xdc: {  	[hbm4b:s12+s3] =	stream.linear.scatter [tilespmem:s9], [sflag:$0x5], $0x80, $0x38;
	[tilespmem:$0x16C00] =	vst v63  }
0xdd: {  	s9 =	sadd.s32 $0xE6A8, s0;
	s12 =	sadd.s32 $0x50, s11  }
0xde: {  	[hbm4b:s12+s3] =	stream.linear.scatter [tilespmem:s9], [sflag:$0x5], $0x80, $0x38;
	[tilespmem:$0x16C00] =	vst v63  }
0xdf: {  	s9 =	sadd.s32 $0xE730, s0;
	s12 =	sadd.s32 $0x60, s11  }
0xe0: {  	[hbm4b:s12+s3] =	stream.linear.scatter [tilespmem:s9], [sflag:$0x5], $0x80, $0x38;
	[tilespmem:$0x16C00] =	vst v63  }
0xe1: {  	s9 =	sadd.s32 $0xE7B8, s0;
	s12 =	sadd.s32 $0x70, s11  }
0xe2: {  	[hbm4b:s12+s3] =	stream.linear.scatter [tilespmem:s9], [sflag:$0x5], $0x80, $0x38;
	[tilespmem:$0x16C00] =	vst v63  }
0xe3: {  	s31 =	sor.u32 $0x3, s31;
	s8 =	simm.s32 $0x0;
	_ =	swait.ge [sflag:s16], $0x2000  }
0xe4: {  	v0 =	vmov s8;
	s8 =	simm.s32 $0x5;
	s11 =	simm.s32 $0x2;
	[sflag:s16] =	ssyncset.done $0x0  }
0xe5: {  	v0 =	vshrl.u32 v0, $0x3;
	v35 =	vmov s8;
	s0 =	simm.s32 @!p0 $0x8;
	v3 =	vmov s11;
	s11 =	sshll.u32 s31, $0x7;
	[sflag:s16] =	ssyncadd.s32 $0xFFFFE000  }
0xe6: {  	v0 =	vshll.u32 v0, v1;
	v35 =	vshrl.u32 v35, $0x3;
	s9 =	simm.s32 $0x1;
	s12 =	simm.s32 $0x3;
	_ =	swait.ge @!p0 [sflag:s0], $0x2000  }
0xe7: {  	v39 =	vbroadcast v0, $0x0;
	v43 =	vshll.u32 v35, v1;
	s8 =	sand.u32 $0x3FFFFF80, s11;
	v33 =	vmov s12;
	s12 =	simm.s32 $0x7;
	[sflag:s0] =	ssyncset.done @!p0 $0x0  }
0xe8: {  	v3 =	vshrl.u32 v3, $0x3;
	v2 =	vmov s9;
	s9 =	simm.s32 $0x4;
	v37 =	vmov s12;
	[sflag:s0] =	ssyncadd.s32 @!p0 $0xFFFFE000;
	s0 =	simm.s32 $0x85F0  }
0xe9: {  	v44 =	vadd.s32 v9, v39;
	v3 =	vshll.u32 v3, v1;
	v37 =	vshrl.u32 v37, $0x3;
	[tilespmem:s17], [sflag:$0x4] =	stream.indirect.gather [hbm4b:s4+s10], $0x40, s8, s10, $0xb8;
	[tilespmem:$0x16C00] =	vst v63  }
0xea: {  	v34 =	vmov s9;
	s9 =	simm.s32 $0x6;
	v2 =	vshrl.u32 v2, $0x3;
	v37 =	vshll.u32 v37, v1;
	v0 =	vld [tilespmem:s0+$0xFFFFFFD0]  }
0xeb: {  	v33 =	vshrl.u32 v33, $0x3;
	v36 =	vmov s9;
	v41 =	vbroadcast v37, $0x0;
	v38 =	vld [tilespmem:s0+$0xFFFFFE10]  }
0xec: {  	v34 =	vshrl.u32 v34, $0x3;
	v2 =	vshll.u32 v2, v1;
	v33 =	vshll.u32 v33, v1;
	v42 =	vld [tilespmem:s0+$0xFFFFFE50]  }
0xed: {  	v36 =	vshrl.u32 v36, $0x3;
	v4 =	vbroadcast v2, $0x0;
	v2 =	vadd.s32 v23, v41;
	v45 =	vld [tilespmem:s0+$0xFFFFFE90]  }
0xee: {  	v34 =	vshll.u32 v34, v1;
	v37 =	vbroadcast v3, $0x0;
	v3 =	vshll.u32 v36, v1;
	v47 =	vld [tilespmem:s0+$0xFFFFFED0]  }
0xef: {  	v36 =	vbroadcast v33, $0x0;
	v33 =	vbroadcast v43, $0x0;
	v46 =	vadd.s32 v13, v4;
	v51 =	vld [tilespmem:s0+$0xFFFFFF50]  }
0xf0: {  	v35 =	vbroadcast v34, $0x0;
	v48 =	vadd.s32 v20, v37;
	v49 =	vld [tilespmem:s0+$0xFFFFFF10];
	v0 =	vmul.f32 $8.000000000e+00, v0  }
0xf1: {  	v34 =	vbroadcast v3, $0x0;
	v3 =	vadd.s32 v22, v33;
	v38 =	vmul.f32 $8.000000000e+00, v38  }
0xf2: {  	v58 =	vadd.s32 v17, v35;
	v52 =	vld [tilespmem:s0+$0xFFFFFF90];
	v42 =	vmul.f32 $8.000000000e+00, v42;
	[tilespmem:v2+s18+$0x0] =	vst.idx.msk $0xffff, v0  }
0xf3: {  	v50 =	vadd.s32 v29, v36;
	[tilespmem:v44+s18+$0x0] =	vst.idx.msk $0xffff, v38;
	v2 =	vmul.f32 $8.000000000e+00, v45;
	v38 =	vld [tilespmem:s0+$0xFFFFFFE0]  }
0xf4: {  	v32 =	vmul.f32 $8.000000000e+00, v51;
	[tilespmem:v46+s18+$0x0] =	vst.idx.msk $0xffff, v42;
	v45 =	vadd.s32 v27, v34;
	v44 =	vld [tilespmem:s0+$0xFFFFFE20]  }
0xf5: {  	v63 =	vmul.f32 $8.000000000e+00, v47;
	v47 =	vld [tilespmem:s0+$0xFFFFFE60];
	[tilespmem:v48+s18+$0x0] =	vst.idx.msk $0xffff, v2;
	v2 =	vmul.f32 $8.000000000e+00, v49;
	v48 =	vadd.s32 v15, v41  }
0xf6: {  	v53 =	vadd.s32 v5, v39;
	[tilespmem:v3+s18+$0x0] =	vst.idx.msk $0xffff, v32;
	v54 =	vld [tilespmem:s0+$0xFFFFFEA0]  }
0xf7: {  	v51 =	vadd.s32 v10, v4;
	v57 =	vld [tilespmem:s0+$0xFFFFFF60];
	[tilespmem:v58+s18+$0x0] =	vst.idx.msk $0xffff, v2;
	v2 =	vmul.f32 $8.000000000e+00, v52  }
0xf8: {  	[tilespmem:v50+s18+$0x0] =	vst.idx.msk $0xffff, v63;
	v52 =	vadd.s32 v21, v37;
	v56 =	vld [tilespmem:s0+$0xFFFFFF20];
	v3 =	vmul.f32 $8.000000000e+00, v38  }
0xf9: {  	v42 =	vadd.s32 v59, v33;
	v55 =	vld [tilespmem:s0+$0xFFFFFEE0];
	v63 =	vmul.f32 $8.000000000e+00, v44;
	[tilespmem:v45+s18+$0x0] =	vst.idx.msk $0xffff, v2  }
0xfa: {  	v32 =	vmul.f32 $8.000000000e+00, v47;
	v47 =	vadd.s32 v40, v35;
	v58 =	vld [tilespmem:s0+$0xFFFFFFA0];
	[tilespmem:v48+s18+$0x0] =	vst.idx.msk $0xffff, v3  }
0xfb: {  	v44 =	vadd.s32 v25, v36;
	[tilespmem:v53+s18+$0x0] =	vst.idx.msk $0xffff, v63;
	v3 =	vmul.f32 $8.000000000e+00, v54;
	v48 =	vld [tilespmem:s0+$0xFFFFFFF0]  }
0xfc: {  	s8 =	simm.s32 $0xB;
	[tilespmem:v51+s18+$0x0] =	vst.idx.msk $0xffff, v32;
	v51 =	vadd.s32 v60, v34;
	v32 =	vmul.f32 $8.000000000e+00, v57;
	v53 =	vld [tilespmem:s0+$0xFFFFFE30]  }
0xfd: {  	v24 =	vmovc v27;
	v50 =	vmov s8;
	[tilespmem:v52+s18+$0x0] =	vst.idx.msk $0xffff, v3;
	v3 =	vmul.f32 $8.000000000e+00, v56;
	v52 =	vadd.s32 v6, v41  }
0xfe: {  	s12 =	simm.s32 $0xA;
	s9 =	simm.s32 $0x8;
	v27 =	vmovc v59;
	v59 =	vshrl.u32 v50, $0x3;
	v50 =	vadd.s32 v14, v39;
	v63 =	vmul.f32 $8.000000000e+00, v55;
	v54 =	vld [tilespmem:s0+$0xFFFFFE70];
	[tilespmem:v42+s18+$0x0] =	vst.idx.msk $0xffff, v32  }
0xff: {  	v0 =	vmov s9;
	v49 =	vmov s12;
	s12 =	simm.s32 $0xE;
	v55 =	vld [tilespmem:s0+$0xFFFFFEB0];
	[tilespmem:v47+s18+$0x0] =	vst.idx.msk $0xffff, v3;
	v3 =	vmul.f32 $8.000000000e+00, v58  }
0x100: {  	v0 =	vshrl.u32 v0, $0x3;
	v2 =	vmov s12;
	[tilespmem:v44+s18+$0x0] =	vst.idx.msk $0xffff, v63;
	v63 =	vld [tilespmem:s0+$0xFFFFFF70];
	v56 =	vmul.f32 $8.000000000e+00, v48  }
0x101: {  	v31 =	vmovc v60;
	s11 =	simm.s32 $0x9;
	v45 =	vadd.s32 v61, v4;
	v42 =	vshrl.u32 v2, $0x3;
	v57 =	vld [tilespmem:s0+$0xFFFFFEF0];
	v2 =	vmul.f32 $8.000000000e+00, v53;
	[tilespmem:v51+s18+$0x0] =	vst.idx.msk $0xffff, v3  }
0x102: {  	v12 =	vmovc v61;
	v46 =	vmov s11;
	s11 =	simm.s32 $0xD;
	v0 =	vshll.u32 v0, v1;
	v60 =	vadd.s32 v16, v37;
	v61 =	vld [tilespmem:s0+$0xFFFFFF30];
	[tilespmem:v52+s18+$0x0] =	vst.idx.msk $0xffff, v56  }
0x103: {  	v38 =	vmov s11;
	v6 =	vmovc v14;
	v14 =	vmov v62;
	v62 =	vadd.s32 v62, v36;
	v32 =	vld [tilespmem:s0+$0xFFFFFFB0];
	[tilespmem:v50+s18+$0x0] =	vst.idx.msk $0xffff, v2  }
0x104: {  	v7 =	vmovc v20;
	v20 =	vmovc v17;
	v58 =	vshrl.u32 v38, $0x3;
	v38 =	vbroadcast v0, $0x0;
	v0 =	vmul.f32 $8.000000000e+00, v54;
	v17 =	vld [tilespmem:$0x1FE40]  }
0x105: {  	v2 =	vmul.f32 $8.000000000e+00, v55;
	v56 =	vld [tilespmem:s0+$0x0]  }
0x106: {  	v3 =	vadd.s32 v18, v35;
	v50 =	vld [tilespmem:s0+$0xFFFFFE40];
	[tilespmem:v45+s18+$0x0] =	vst.idx.msk $0xffff, v0  }
0x107: {  	v0 =	vmul.f32 $8.000000000e+00, v57;
	v52 =	vld [tilespmem:s0+$0xFFFFFE80];
	[tilespmem:v60+s18+$0x0] =	vst.idx.msk $0xffff, v2  }
0x108: {  	v49 =	vshrl.u32 v49, $0x3;
	v9 =	vld [tilespmem:$0x1FE80]  }
0x109: {  	v8 =	vmov v13;
	v44 =	vshll.u32 v49, v1;
	v2 =	vmul.f32 $8.000000000e+00, v61;
	v49 =	vld [tilespmem:s0+$0xFFFFFEC0];
	[tilespmem:v62+s18+$0x0] =	vst.idx.msk $0xffff, v0  }
0x10a: {  	v0 =	vld [tilespmem:$0x1FE10]  }
0x10b: {  	v28 =	vmov v23;
	v11 =	vmov v10;
	s9 =	simm.s32 $0xC;
	v54 =	vld [tilespmem:s0+$0xFFFFFF00];
	[tilespmem:v3+s18+$0x0] =	vst.idx.msk $0xffff, v2  }
0x10c: {  	v19 =	vmovc v25;
	v13 =	vmovc v15;
	v10 =	vmov v8;
	v43 =	vmov s9;
	v8 =	vmov v6;
	v6 =	vld [tilespmem:$0x1FE50]  }
0x10d: {  	v23 =	vmovc v40;
	v46 =	vshrl.u32 v46, $0x3;
	v43 =	vshrl.u32 v43, $0x3;
	v40 =	vmul.f32 $8.000000000e+00, v32;
	v32 =	vmovc v28;
	v28 =	vld [tilespmem:$0x1FEF0]  }
0x10e: {  	v47 =	vshll.u32 v46, v1;
	v53 =	vadd.s32 v30, v41;
	v30 =	vmovc v24;
	v24 =	vmovc v18;
	v18 =	vmov v29;
	v29 =	vld [tilespmem:$0x1FF20]  }
0x10f: {  	v15 =	vmovc v21;
	v46 =	vshll.u32 v43, v1;
	v43 =	vshll.u32 v58, v1;
	v21 =	vld [tilespmem:$0x1FF80];
	v55 =	vadd.s32 v17, v33  }
0x110: {  	v51 =	vadd.s32 v26, v34;
	v26 =	vmovc v22;
	v22 =	vmovc v20;
	v20 =	vmov v14;
	v48 =	vadd.s32 v9, v39;
	v9 =	vld [tilespmem:$0x1FF50]  }
0x111: {  	s12 =	simm.s32 $0xF;
	s11 =	simm.s32 $0x10;
	v14 =	vmovc v7;
	v7 =	vmovc v5;
	v45 =	vshll.u32 v59, v1;
	v25 =	vld [tilespmem:$0x1FFC0];
	v39 =	vmul.f32 $8.000000000e+00, v63;
	v41 =	vadd.s32 v0, v4  }
.LBB2_7:
0x112: {  	_ = 	snop  }
0x113: {  	v0 =	vmov s12  }
0x114: {  	v2 =	vadd.s32 v28, v37;
	v3 =	vld [tilespmem:s0+$0xFFFFFF40];
	v36 =	vadd.s32 v29, v36;
	[tilespmem:v55+s18+$0x0] =	vst.idx.msk $0xffff, v39;
	v63 =	vmul.f32 $8.000000000e+00, v56  }
0x115: {  	v35 =	vadd.s32 v9, v35;
	v0 =	vshrl.u32 v0, $0x3;
	[tilespmem:v51+s18+$0x0] =	vst.idx.msk $0xffff, v40;
	v57 =	vld [tilespmem:s0+$0xFFFFFF80];
	v56 =	vmul.f32 $8.000000000e+00, v50  }
0x116: {  	v33 =	vadd.s32 v21, v33;
	v0 =	vshll.u32 v0, v1;
	v59 =	vld [tilespmem:s0+$0xFFFFFFC0];
	s0 =	sadd.s32 $0x200, s0;
	v58 =	vmul.f32 $8.000000000e+00, v52;
	[tilespmem:v53+s18+$0x0] =	vst.idx.msk $0xffff, v63  }
0x117: {  	v42 =	vshll.u32 v42, v1;
	v40 =	vbroadcast v0, $0x0;
	v0 =	vmul.f32 $8.000000000e+00, v49;
	[tilespmem:v48+s18+$0x0] =	vst.idx.msk $0xffff, v56;
	v53 =	vld [tilespmem:s0+$0xFFFFFFD0]  }
0x118: {  	v34 =	vadd.s32 v25, v34;
	v39 =	vmov v38;
	v61 =	vmul.f32 $8.000000000e+00, v54;
	[tilespmem:v41+s18+$0x0] =	vst.idx.msk $0xffff, v58;
	v38 =	vld [tilespmem:s0+$0xFFFFFE10]  }
0x119: {  	v41 =	vbroadcast v47, $0x0;
	v63 =	vadd.s32 v32, v40;
	[tilespmem:v2+s18+$0x0] =	vst.idx.msk $0xffff, v0;
	v0 =	vmul.f32 $8.000000000e+00, v3;
	v62 =	vld [tilespmem:s0+$0xFFFFFE50]  }
0x11a: {  	v37 =	vbroadcast v44, $0x0;
	v2 =	vadd.s32 v6, v39;
	[tilespmem:v36+s18+$0x0] =	vst.idx.msk $0xffff, v61;
	v3 =	vld [tilespmem:s0+$0xFFFFFE90];
	v60 =	vmul.f32 $8.000000000e+00, v57  }
0x11b: {  	v36 =	vbroadcast v45, $0x0;
	v61 =	vld [tilespmem:s0+$0xFFFFFED0];
	v48 =	vadd.s32 v10, v41;
	[tilespmem:v35+s18+$0x0] =	vst.idx.msk $0xffff, v0;
	v0 =	vmul.f32 $8.000000000e+00, v59  }
0x11c: {  	v45 =	vadd.s32 v14, v37;
	v35 =	vbroadcast v46, $0x0;
	v51 =	vld [tilespmem:s0+$0xFFFFFF10];
	[tilespmem:v33+s18+$0x0] =	vst.idx.msk $0xffff, v60;
	v56 =	vmul.f32 $8.000000000e+00, v53  }
0x11d: {  	v44 =	vadd.s32 v18, v36;
	v33 =	vbroadcast v43, $0x0;
	v57 =	vld [tilespmem:s0+$0xFFFFFF50];
	[tilespmem:v34+s18+$0x0] =	vst.idx.msk $0xffff, v0;
	v38 =	vmul.f32 $8.000000000e+00, v38  }
0x11e: {  	v58 =	vadd.s32 v22, v35;
	v34 =	vbroadcast v42, $0x0;
	v59 =	vld [tilespmem:s0+$0xFFFFFF90];
	v0 =	vmul.f32 $8.000000000e+00, v62;
	[tilespmem:v63+s18+$0x0] =	vst.idx.msk $0xffff, v56  }
0x11f: {  	[tilespmem:v2+s18+$0x0] =	vst.idx.msk $0xffff, v38;
	v2 =	vmul.f32 $8.000000000e+00, v3;
	v3 =	vadd.s32 v26, v33;
	v63 =	vld [tilespmem:s0+$0xFFFFFFE0]  }
0x120: {  	v47 =	vadd.s32 v30, v34;
	[tilespmem:v48+s18+$0x0] =	vst.idx.msk $0xffff, v0;
	v0 =	vmul.f32 $8.000000000e+00, v61;
	v60 =	vld [tilespmem:s0+$0xFFFFFE20]  }
0x121: {  	v61 =	vld [tilespmem:s0+$0xFFFFFE60];
	[tilespmem:v45+s18+$0x0] =	vst.idx.msk $0xffff, v2;
	v2 =	vmul.f32 $8.000000000e+00, v51;
	v45 =	vadd.s32 v13, v40  }
0x122: {  	v4 =	vld [tilespmem:$0x1FFF0];
	v62 =	vmov s11;
	v53 =	vadd.s32 v7, v39;
	[tilespmem:v44+s18+$0x0] =	vst.idx.msk $0xffff, v0;
	v0 =	vmul.f32 $8.000000000e+00, v57  }
0x123: {  	v52 =	vadd.s32 v11, v41;
	v42 =	vshrl.u32 v62, $0x3;
	v62 =	vld [tilespmem:s0+$0xFFFFFEA0];
	[tilespmem:v58+s18+$0x0] =	vst.idx.msk $0xffff, v2;
	v2 =	vmul.f32 $8.000000000e+00, v59  }
0x124: {  	v55 =	vld [tilespmem:s0+$0xFFFFFEE0];
	[tilespmem:v3+s18+$0x0] =	vst.idx.msk $0xffff, v0;
	v0 =	vmul.f32 $8.000000000e+00, v63  }
0x125: {  	v49 =	vadd.s32 v15, v37;
	v56 =	vld [tilespmem:s0+$0xFFFFFF20];
	v63 =	vmul.f32 $8.000000000e+00, v60;
	[tilespmem:v47+s18+$0x0] =	vst.idx.msk $0xffff, v2  }
0x126: {  	v60 =	vadd.s32 v19, v36;
	v57 =	vld [tilespmem:s0+$0xFFFFFF60];
	v61 =	vmul.f32 $8.000000000e+00, v61;
	[tilespmem:v45+s18+$0x0] =	vst.idx.msk $0xffff, v0  }
0x127: {  	v50 =	vadd.s32 v23, v35;
	v58 =	vld [tilespmem:s0+$0xFFFFFFA0];
	[tilespmem:v53+s18+$0x0] =	vst.idx.msk $0xffff, v63  }
0x128: {  	s12 =	sadd.s32 $0x3, s11;
	v0 =	vshll.u32 v42, v1;
	v62 =	vmul.f32 $8.000000000e+00, v62;
	v42 =	vadd.s32 v27, v33;
	[tilespmem:v52+s18+$0x0] =	vst.idx.msk $0xffff, v61;
	v53 =	vld [tilespmem:s0+$0xFFFFFE30]  }
0x129: {  	v44 =	vmov s12;
	v63 =	vmul.f32 $8.000000000e+00, v55;
	v52 =	vadd.s32 v31, v34;
	v54 =	vld [tilespmem:s0+$0xFFFFFE70]  }
0x12a: {  	v59 =	vshrl.u32 v44, $0x3;
	v44 =	vadd.s32 v8, v39;
	v45 =	vld [tilespmem:s0+$0xFFFFFFF0];
	[tilespmem:v49+s18+$0x0] =	vst.idx.msk $0xffff, v62;
	v38 =	vmul.f32 $8.000000000e+00, v56  }
0x12b: {  	s12 =	sadd.s32 $0x6, s11;
	v55 =	vld [tilespmem:s0+$0xFFFFFEB0];
	[tilespmem:v60+s18+$0x0] =	vst.idx.msk $0xffff, v63;
	v46 =	vmul.f32 $8.000000000e+00, v57;
	v57 =	vadd.s32 v12, v41  }
0x12c: {  	v2 =	vmov s12;
	v49 =	vadd.s32 v4, v40;
	v60 =	vld [tilespmem:s0+$0xFFFFFEF0];
	[tilespmem:v50+s18+$0x0] =	vst.idx.msk $0xffff, v38;
	v50 =	vmul.f32 $8.000000000e+00, v58  }
0x12d: {  	v58 =	vadd.s32 v16, v37;
	v61 =	vld [tilespmem:s0+$0xFFFFFF30];
	[tilespmem:v42+s18+$0x0] =	vst.idx.msk $0xffff, v46;
	v42 =	vshrl.u32 v2, $0x3;
	v2 =	vmul.f32 $8.000000000e+00, v53  }
0x12e: {  	v62 =	vadd.s32 v20, v36;
	v38 =	vbroadcast v0, $0x0;
	v63 =	vld [tilespmem:s0+$0xFFFFFF70];
	[tilespmem:v52+s18+$0x0] =	vst.idx.msk $0xffff, v50;
	v0 =	vmul.f32 $8.000000000e+00, v54  }
0x12f: {  	v45 =	vmul.f32 $8.000000000e+00, v45;
	v5 =	vld [tilespmem:s0+$0xFFFFFFB0];
	[tilespmem:v44+s18+$0x0] =	vst.idx.msk $0xffff, v2  }
0x130: {  	s8 =	sadd.s32 $0x4, s11;
	v2 =	vmul.f32 $8.000000000e+00, v55;
	[tilespmem:v57+s18+$0x0] =	vst.idx.msk $0xffff, v0;
	v57 =	vld [tilespmem:$0x1FFB0]  }
0x131: {  	s9 =	sadd.s32 $0x2, s11;
	v43 =	vmov s8;
	[tilespmem:v49+s18+$0x0] =	vst.idx.msk $0xffff, v45;
	v0 =	vmul.f32 $8.000000000e+00, v60;
	v60 =	vld [tilespmem:$0x1FFE0]  }
0x132: {  	s5 =	sadd.s32 $0x1, s11;
	v43 =	vshrl.u32 v43, $0x3;
	v51 =	vmov s9;
	s9 =	sadd.s32 $0x5, s11;
	[tilespmem:v58+s18+$0x0] =	vst.idx.msk $0xffff, v2;
	v2 =	vmul.f32 $8.000000000e+00, v61;
	v61 =	vld [tilespmem:$0x1FE80]  }
0x133: {  	p0 =	slt.u32 s11, $0x78;
	v48 =	vmov s5;
	v3 =	vmov s9;
	v4 =	vadd.s32 v24, v35;
	[tilespmem:v62+s18+$0x0] =	vst.idx.msk $0xffff, v0;
	v0 =	vld [tilespmem:$0x1FE10]  }
.Ltmp2:
0x134: {  	v48 =	vshrl.u32 v48, $0x3;
	v51 =	vshrl.u32 v51, $0x3;
	v3 =	vshrl.u32 v3, $0x3;
	v56 =	vld [tilespmem:s0+$0x0];
	(pc) =	sbr.rel @p0 .LBB2_7-.Ltmp2, $4  }
0x135: {  	v47 =	vshll.u32 v48, v1;
	v46 =	vshll.u32 v43, v1;
	v43 =	vshll.u32 v3, v1;
	v50 =	vld [tilespmem:s0+$0xFFFFFE40]  }
0x136: {  	v55 =	vadd.s32 v17, v33;
	v44 =	vshll.u32 v51, v1;
	v45 =	vshll.u32 v59, v1;
	v52 =	vld [tilespmem:s0+$0xFFFFFE80]  }
0x137: {  	v49 =	vld [tilespmem:s0+$0xFFFFFEC0];
	v51 =	vadd.s32 v57, v34;
	v53 =	vadd.s32 v60, v40;
	v40 =	vmul.f32 $8.000000000e+00, v5  }
0x138: {  	s12 =	sadd.s32 $0x7, s11;
	s11 =	sadd.s32 $0x8, s11;
	v54 =	vld [tilespmem:s0+$0xFFFFFF00];
	[tilespmem:v4+s18+$0x0] =	vst.idx.msk $0xffff, v2;
	v48 =	vadd.s32 v61, v39;
	v39 =	vmul.f32 $8.000000000e+00, v63;
	v41 =	vadd.s32 v0, v41  }
0x139: {  	_ =	sdelay $0x3  }
0x13a: {  	v0 =	vmov s12;
	v2 =	vadd.s32 v28, v37;
	v3 =	vld [tilespmem:s0+$0xFFFFFF40];
	v4 =	vmul.f32 $8.000000000e+00, v56;
	[tilespmem:v55+s18+$0x0] =	vst.idx.msk $0xffff, v39  }
0x13b: {  	v36 =	vadd.s32 v29, v36;
	[tilespmem:v51+s18+$0x0] =	vst.idx.msk $0xffff, v40;
	v0 =	vshrl.u32 v0, $0x3;
	v5 =	vmul.f32 $8.000000000e+00, v50;
	v63 =	vld [tilespmem:s0+$0xFFFFFF80]  }
0x13c: {  	v35 =	vadd.s32 v9, v35;
	s5 =	sadd.s32 $0x200, s0;
	v40 =	vld [tilespmem:s0+$0xFFFFFFC0];
	v0 =	vshll.u32 v0, v1;
	v55 =	vmul.f32 $8.000000000e+00, v52;
	[tilespmem:v53+s18+$0x0] =	vst.idx.msk $0xffff, v4  }
0x13d: {  	v33 =	vadd.s32 v21, v33;
	v56 =	vld [tilespmem:s5+$0xFFFFFFD0];
	v0 =	vbroadcast v0, $0x0;
	[tilespmem:v48+s18+$0x0] =	vst.idx.msk $0xffff, v5;
	v57 =	vmul.f32 $8.000000000e+00, v49  }
0x13e: {  	v42 =	vshll.u32 v42, v1;
	v34 =	vadd.s32 v25, v34;
	v58 =	vld [tilespmem:s5+$0xFFFFFE10];
	[tilespmem:v41+s18+$0x0] =	vst.idx.msk $0xffff, v55;
	v59 =	vmul.f32 $8.000000000e+00, v54  }
0x13f: {  	v47 =	vbroadcast v47, $0x0;
	v60 =	vld [tilespmem:s5+$0xFFFFFE50];
	v61 =	vadd.s32 v32, v0;
	[tilespmem:v2+s18+$0x0] =	vst.idx.msk $0xffff, v57;
	v2 =	vmul.f32 $8.000000000e+00, v3  }
0x140: {  	v44 =	vbroadcast v44, $0x0;
	v62 =	vld [tilespmem:s5+$0xFFFFFE90];
	v3 =	vadd.s32 v6, v38;
	[tilespmem:v36+s18+$0x0] =	vst.idx.msk $0xffff, v59;
	v63 =	vmul.f32 $8.000000000e+00, v63  }
0x141: {  	v45 =	vbroadcast v45, $0x0;
	v50 =	vmovc v21;
	v21 =	vadd.s32 v10, v47;
	v52 =	vld [tilespmem:s5+$0xFFFFFED0];
	[tilespmem:v35+s18+$0x0] =	vst.idx.msk $0xffff, v2;
	v2 =	vmul.f32 $8.000000000e+00, v40  }
0x142: {  	v46 =	vbroadcast v46, $0x0;
	v53 =	vadd.s32 v14, v44;
	v54 =	vld [tilespmem:s5+$0xFFFFFF10];
	v4 =	vmul.f32 $8.000000000e+00, v56;
	[tilespmem:v33+s18+$0x0] =	vst.idx.msk $0xffff, v63  }
0x143: {  	v43 =	vbroadcast v43, $0x0;
	v57 =	vld [tilespmem:s5+$0xFFFFFF50];
	v55 =	vmul.f32 $8.000000000e+00, v58;
	v56 =	vadd.s32 v18, v45;
	[tilespmem:v34+s18+$0x0] =	vst.idx.msk $0xffff, v2  }
0x144: {  	v42 =	vbroadcast v42, $0x0;
	v58 =	vadd.s32 v22, v46;
	v59 =	vld [tilespmem:s5+$0xFFFFFF90];
	v2 =	vmul.f32 $8.000000000e+00, v60;
	[tilespmem:v61+s18+$0x0] =	vst.idx.msk $0xffff, v4  }
0x145: {  	v60 =	vadd.s32 v26, v43;
	[tilespmem:v3+s18+$0x0] =	vst.idx.msk $0xffff, v55;
	v3 =	vmul.f32 $8.000000000e+00, v62;
	v61 =	vld [tilespmem:s5+$0xFFFFFFE0]  }
0x146: {  	v62 =	vadd.s32 v30, v42;
	v33 =	vld [tilespmem:s5+$0xFFFFFE20];
	[tilespmem:v21+s18+$0x0] =	vst.idx.msk $0xffff, v2;
	v2 =	vmul.f32 $8.000000000e+00, v52  }
0x147: {  	v14 =	vadd.s32 v13, v0;
	v63 =	vld [tilespmem:s5+$0xFFFFFE60];
	[tilespmem:v53+s18+$0x0] =	vst.idx.msk $0xffff, v3;
	v3 =	vmul.f32 $8.000000000e+00, v54  }
0x148: {  	v18 =	vadd.s32 v7, v38;
	v21 =	vld [tilespmem:s5+$0xFFFFFEA0];
	[tilespmem:v56+s18+$0x0] =	vst.idx.msk $0xffff, v2;
	v2 =	vmul.f32 $8.000000000e+00, v57  }
0x149: {  	v22 =	vadd.s32 v11, v47;
	[tilespmem:v58+s18+$0x0] =	vst.idx.msk $0xffff, v3;
	v3 =	vmul.f32 $8.000000000e+00, v59  }
0x14a: {  	v30 =	vadd.s32 v15, v44;
	[tilespmem:v60+s18+$0x0] =	vst.idx.msk $0xffff, v2;
	v2 =	vmul.f32 $8.000000000e+00, v61  }
0x14b: {  	v53 =	vmul.f32 $8.000000000e+00, v33;
	[tilespmem:v62+s18+$0x0] =	vst.idx.msk $0xffff, v3  }
0x14c: {  	v3 =	vmul.f32 $8.000000000e+00, v63;
	[tilespmem:v14+s18+$0x0] =	vst.idx.msk $0xffff, v2  }
0x14d: {  	v26 =	vld [tilespmem:s5+$0xFFFFFEE0];
	[tilespmem:v18+s18+$0x0] =	vst.idx.msk $0xffff, v53;
	v2 =	vmul.f32 $8.000000000e+00, v21  }
0x14e: {  	v52 =	vld [tilespmem:s5+$0xFFFFFF20];
	[tilespmem:v22+s18+$0x0] =	vst.idx.msk $0xffff, v3  }
0x14f: {  	v55 =	vld [tilespmem:s5+$0xFFFFFF60];
	[tilespmem:v30+s18+$0x0] =	vst.idx.msk $0xffff, v2  }
0x150: {  	v54 =	vadd.s32 v19, v45;
	v21 =	vld [tilespmem:$0x1FFF0]  }
0x151: {  	v56 =	vadd.s32 v23, v46;
	v57 =	vld [tilespmem:s5+$0xFFFFFFA0]  }
0x152: {  	v58 =	vadd.s32 v27, v43;
	v40 =	vld [tilespmem:s5+$0xFFFFFE30]  }
0x153: {  	v59 =	vadd.s32 v31, v42;
	v35 =	vld [tilespmem:s5+$0xFFFFFFF0];
	v3 =	vmul.f32 $8.000000000e+00, v26  }
0x154: {  	v62 =	vadd.s32 v8, v38;
	v60 =	vld [tilespmem:s5+$0xFFFFFE70];
	v2 =	vmul.f32 $8.000000000e+00, v52  }
0x155: {  	v63 =	vld [tilespmem:s5+$0xFFFFFEB0];
	[tilespmem:v54+s18+$0x0] =	vst.idx.msk $0xffff, v3;
	v3 =	vmul.f32 $8.000000000e+00, v55;
	v61 =	vadd.s32 v21, v0  }
0x156: {  	v14 =	vadd.s32 v12, v47;
	[tilespmem:v56+s18+$0x0] =	vst.idx.msk $0xffff, v2;
	v2 =	vmul.f32 $8.000000000e+00, v57  }
0x157: {  	v16 =	vadd.s32 v16, v44;
	v15 =	vld [tilespmem:s5+$0xFFFFFEF0];
	[tilespmem:v58+s18+$0x0] =	vst.idx.msk $0xffff, v3;
	v19 =	vmul.f32 $8.000000000e+00, v40  }
0x158: {  	v3 =	vmul.f32 $8.000000000e+00, v35;
	[tilespmem:v59+s18+$0x0] =	vst.idx.msk $0xffff, v2  }
0x159: {  	v22 =	vadd.s32 v20, v45;
	v18 =	vld [tilespmem:s5+$0xFFFFFF30];
	v2 =	vmul.f32 $8.000000000e+00, v60;
	[tilespmem:v62+s18+$0x0] =	vst.idx.msk $0xffff, v19  }
0x15a: {  	v23 =	vld [tilespmem:s5+$0xFFFFFF70];
	[tilespmem:v61+s18+$0x0] =	vst.idx.msk $0xffff, v3;
	v3 =	vmul.f32 $8.000000000e+00, v63  }
0x15b: {  	v27 =	vld [tilespmem:s5+$0xFFFFFFB0];
	[tilespmem:v14+s18+$0x0] =	vst.idx.msk $0xffff, v2  }
0x15c: {  	v2 =	vmul.f32 $8.000000000e+00, v15;
	v5 =	vld [tilespmem:$0x1FFB0];
	[tilespmem:v16+s18+$0x0] =	vst.idx.msk $0xffff, v3  }
0x15d: {  	v39 =	vld [tilespmem:$0x1FFE0]  }
0x15e: {  	v49 =	vld [tilespmem:$0x1FE80];
	[tilespmem:v22+s18+$0x0] =	vst.idx.msk $0xffff, v2  }
0x15f: {  	v26 =	vadd.s32 v24, v46;
	v53 =	vld [tilespmem:$0x1FE10]  }
0x160: {  	v30 =	vadd.s32 v17, v43;
	v34 =	vld [tilespmem:s5+$0x0]  }
0x161: {  	v41 =	vld [tilespmem:s5+$0xFFFFFE40];
	v5 =	vadd.s32 v5, v42  }
0x162: {  	v31 =	vld [tilespmem:s5+$0xFFFFFE80];
	v3 =	vmul.f32 $8.000000000e+00, v18;
	v0 =	vadd.s32 v39, v0  }
0x163: {  	v52 =	vld [tilespmem:s5+$0xFFFFFEC0];
	v2 =	vmul.f32 $8.000000000e+00, v23;
	v51 =	vadd.s32 v49, v38  }
0x164: {  	v55 =	vld [tilespmem:s5+$0xFFFFFF00];
	[tilespmem:v26+s18+$0x0] =	vst.idx.msk $0xffff, v3;
	v3 =	vmul.f32 $8.000000000e+00, v27;
	v54 =	vadd.s32 v53, v47  }
0x165: {  	v56 =	vadd.s32 v28, v44;
	v57 =	vld [tilespmem:s5+$0xFFFFFF40];
	[tilespmem:v30+s18+$0x0] =	vst.idx.msk $0xffff, v2;
	v2 =	vmul.f32 $8.000000000e+00, v34  }
0x166: {  	v59 =	vadd.s32 v29, v45;
	v58 =	vmul.f32 $8.000000000e+00, v41;
	v60 =	vld [tilespmem:s5+$0xFFFFFF80];
	[tilespmem:v5+s18+$0x0] =	vst.idx.msk $0xffff, v3  }
0x167: {  	v61 =	vadd.s32 v9, v46;
	v3 =	vmul.f32 $8.000000000e+00, v31;
	v62 =	vld [tilespmem:s5+$0xFFFFFFC0];
	[tilespmem:v0+s18+$0x0] =	vst.idx.msk $0xffff, v2  }
0x168: {  	[tilespmem:v51+s18+$0x0] =	vst.idx.msk $0xffff, v58;
	v0 =	vmul.f32 $8.000000000e+00, v52;
	v2 =	vadd.s32 v50, v43  }
0x169: {  	v63 =	vadd.s32 v25, v42;
	[tilespmem:v54+s18+$0x0] =	vst.idx.msk $0xffff, v3;
	v3 =	vmul.f32 $8.000000000e+00, v55  }
0x16a: {  	[tilespmem:v56+s18+$0x0] =	vst.idx.msk $0xffff, v0;
	v0 =	vmul.f32 $8.000000000e+00, v57  }
0x16b: {  	[tilespmem:v59+s18+$0x0] =	vst.idx.msk $0xffff, v3;
	v3 =	vmul.f32 $8.000000000e+00, v60  }
0x16c: {  	[tilespmem:v61+s18+$0x0] =	vst.idx.msk $0xffff, v0;
	v0 =	vmul.f32 $8.000000000e+00, v62  }
0x16d: {  	[tilespmem:v2+s18+$0x0] =	vst.idx.msk $0xffff, v3  }
0x16e: {  	s1 =	sadd.s32 s1, s7;
	s8 =	simm.s32 $0x10600;
	[tilespmem:v63+s18+$0x0] =	vst.idx.msk $0xffff, v0  }
0x16f: {  	[hbm4b:s1+s3] =	stream.linear.scatter [tilespmem:s8], [sflag:$0x6], $0x80, $0x38;
	[tilespmem:$0x16C00] =	vst v63  }
0x170: {  	s9 =	simm.s32 $0x10688;
	s5 =	sadd.s32 $0x10, s1  }
0x171: {  	[hbm4b:s5+s3] =	stream.linear.scatter [tilespmem:s9], [sflag:$0x6], $0x80, $0x38;
	[tilespmem:$0x16C00] =	vst v63  }
0x172: {  	s11 =	simm.s32 $0x10710;
	s12 =	sadd.s32 $0x20, s1  }
0x173: {  	[hbm4b:s12+s3] =	stream.linear.scatter [tilespmem:s11], [sflag:$0x6], $0x80, $0x38;
	[tilespmem:$0x16C00] =	vst v63  }
0x174: {  	s8 =	simm.s32 $0x10798;
	s9 =	sadd.s32 $0x30, s1  }
0x175: {  	[hbm4b:s9+s3] =	stream.linear.scatter [tilespmem:s8], [sflag:$0x6], $0x80, $0x38;
	[tilespmem:$0x16C00] =	vst v63  }
0x176: {  	s11 =	simm.s32 $0x10820;
	s12 =	sadd.s32 $0x40, s1  }
0x177: {  	[hbm4b:s12+s3] =	stream.linear.scatter [tilespmem:s11], [sflag:$0x6], $0x80, $0x38;
	[tilespmem:$0x16C00] =	vst v63  }
0x178: {  	s0 =	simm.s32 $0x440;
	s8 =	simm.s32 $0x108A8;
	s9 =	sadd.s32 $0x50, s1  }
0x179: {  	[hbm4b:s9+s3] =	stream.linear.scatter [tilespmem:s8], [sflag:$0x6], $0x80, $0x38;
	[tilespmem:$0x16C00] =	vst v63  }
0x17a: {  	s5 =	simm.s32 $0x109B8;
	s11 =	simm.s32 $0x10930;
	s12 =	sadd.s32 $0x60, s1  }
0x17b: {  	[hbm4b:s12+s3] =	stream.linear.scatter [tilespmem:s11], [sflag:$0x6], $0x80, $0x38;
	[tilespmem:$0x16C00] =	vst v63  }
0x17c: {  	v9 =	vmov v21;
	v63 =	vmov v13;
	s8 =	sadd.s32 $0x70, s1;
	s1 =	sadd.s32 $0x1000, s1;
	s11 =	simm.s32 $0x2200  }
.LBB2_9:
0x17d: {  	[hbm4b:s8+s3] =	stream.linear.scatter [tilespmem:s5], [sflag:$0x6], $0x80, $0x38;
	[tilespmem:$0x16C00] =	vst v63  }
0x17e: {  	s5 =	smov.u32 s0;
	s0 =	smov.u32 s11  }
0x17f: {  	s9 =	sadd.s32 $0x1100, s11;
	s0 =	sshra.s32 s0, $0x2;
	s8 =	sadd.s32 $0x10600, s5  }
0x180: {  	[hbm4b:s1+s3] =	stream.linear.scatter [tilespmem:s8], [sflag:$0x6], $0x80, $0x38;
	[tilespmem:$0x16C00] =	vst v63  }
0x181: {  	p0 =	sne.s32 s11, $0x7700;
	s11 =	sadd.s32 $0x10, s1;
	s8 =	sadd.s32 $0x10688, s5  }
0x182: {  	[hbm4b:s11+s3] =	stream.linear.scatter [tilespmem:s8], [sflag:$0x6], $0x80, $0x38;
	[tilespmem:$0x16C00] =	vst v63  }
0x183: {  	s8 =	sadd.s32 $0x10710, s5;
	s11 =	sadd.s32 $0x20, s1  }
0x184: {  	[hbm4b:s11+s3] =	stream.linear.scatter [tilespmem:s8], [sflag:$0x6], $0x80, $0x38;
	[tilespmem:$0x16C00] =	vst v63  }
0x185: {  	s8 =	sadd.s32 $0x10798, s5;
	s11 =	sadd.s32 $0x30, s1  }
0x186: {  	[hbm4b:s11+s3] =	stream.linear.scatter [tilespmem:s8], [sflag:$0x6], $0x80, $0x38;
	[tilespmem:$0x16C00] =	vst v63  }
0x187: {  	s8 =	sadd.s32 $0x10820, s5;
	s11 =	sadd.s32 $0x40, s1  }
0x188: {  	[hbm4b:s11+s3] =	stream.linear.scatter [tilespmem:s8], [sflag:$0x6], $0x80, $0x38;
	[tilespmem:$0x16C00] =	vst v63  }
.Ltmp3:
0x189: {  	s8 =	sadd.s32 $0x108A8, s5;
	s11 =	sadd.s32 $0x50, s1;
	(pc) =	sbr.rel @p0 .LBB2_9-.Ltmp3, $4  }
0x18a: {  	[hbm4b:s11+s3] =	stream.linear.scatter [tilespmem:s8], [sflag:$0x6], $0x80, $0x38;
	[tilespmem:$0x16C00] =	vst v63  }
0x18b: {  	s8 =	sadd.s32 $0x10930, s5;
	s11 =	sadd.s32 $0x60, s1;
	s5 =	sadd.s32 $0x109B8, s5  }
0x18c: {  	[hbm4b:s11+s3] =	stream.linear.scatter [tilespmem:s8], [sflag:$0x6], $0x80, $0x38;
	[tilespmem:$0x16C00] =	vst v63  }
0x18d: {  	s8 =	sadd.s32 $0x70, s1;
	s1 =	sadd.s32 $0x1000, s1;
	s11 =	smov.u32 s9  }
0x18e: {  	[hbm4b:s8+s3] =	stream.linear.scatter [tilespmem:s5], [sflag:$0x6], $0x80, $0x38;
	[tilespmem:$0x16C00] =	vst v63  }
0x18f: {  	s9 =	sadd.s32 $0x10600, s0  }
0x190: {  	[hbm4b:s1+s3] =	stream.linear.scatter [tilespmem:s9], [sflag:$0x6], $0x80, $0x38;
	[tilespmem:$0x16C00] =	vst v63  }
0x191: {  	s11 =	sadd.s32 $0x10688, s0;
	s12 =	sadd.s32 $0x10, s1  }
0x192: {  	[hbm4b:s12+s3] =	stream.linear.scatter [tilespmem:s11], [sflag:$0x6], $0x80, $0x38;
	[tilespmem:$0x16C00] =	vst v63  }
0x193: {  	s8 =	sadd.s32 $0x10710, s0;
	s9 =	sadd.s32 $0x20, s1  }
0x194: {  	[hbm4b:s9+s3] =	stream.linear.scatter [tilespmem:s8], [sflag:$0x6], $0x80, $0x38;
	[tilespmem:$0x16C00] =	vst v63  }
0x195: {  	s11 =	sadd.s32 $0x10798, s0;
	s12 =	sadd.s32 $0x30, s1  }
0x196: {  	[hbm4b:s12+s3] =	stream.linear.scatter [tilespmem:s11], [sflag:$0x6], $0x80, $0x38;
	[tilespmem:$0x16C00] =	vst v63  }
0x197: {  	s8 =	sadd.s32 $0x10820, s0;
	s9 =	sadd.s32 $0x40, s1  }
0x198: {  	[hbm4b:s9+s3] =	stream.linear.scatter [tilespmem:s8], [sflag:$0x6], $0x80, $0x38;
	[tilespmem:$0x16C00] =	vst v63  }
0x199: {  	s11 =	sadd.s32 $0x108A8, s0;
	s12 =	sadd.s32 $0x50, s1  }
0x19a: {  	[hbm4b:s12+s3] =	stream.linear.scatter [tilespmem:s11], [sflag:$0x6], $0x80, $0x38;
	[tilespmem:$0x16C00] =	vst v63  }
0x19b: {  	s9 =	sadd.s32 $0x10930, s0;
	s11 =	sadd.s32 $0x60, s1  }
0x19c: {  	[hbm4b:s11+s3] =	stream.linear.scatter [tilespmem:s9], [sflag:$0x6], $0x80, $0x38;
	[tilespmem:$0x16C00] =	vst v63  }
0x19d: {  	s5 =	sadd.s32 $0x70, s1;
	s12 =	sadd.s32 $0x109B8, s0  }
0x19e: {  	[hbm4b:s5+s3] =	stream.linear.scatter [tilespmem:s12], [sflag:$0x6], $0x80, $0x38;
	[tilespmem:$0x16C00] =	vst v63  }
0x19f: {  	s8 =	simm.s32 $0x0;
	_ =	swait.ge [sflag:s19], $0x2000  }
0x1a0: {  	p0 =	seq.s32 s29, $0x31;
	v0 =	vmov s8;
	s8 =	simm.s32 $0x4;
	[sflag:s19] =	ssyncset.done $0x0  }
0x1a1: {  	s1 =	sshll.u32 @!p0 s29, $0x9;
	v5 =	vmov s8;
	s8 =	simm.s32 @!p0 $0x80;
	[sflag:s19] =	ssyncadd.s32 $0xFFFFE000  }
0x1a2: {  	s0 =	simm.s32 @!p0 $0x6400;
	s12 =	simm.s32 $0x3;
	_ =	swait.ge [sflag:s20], $0x2000  }
0x1a3: {  	v0 =	vshrl.u32 v0, $0x3;
	s1 =	sand.u32 @!p0 $0x3FFFFE00, s1;
	s9 =	simm.s32 $0x1;
	v4 =	vmov s12;
	[sflag:s20] =	ssyncset.done $0x0;
	v22 =	vld [tilespmem:$0x1FFD0]  }
0x1a4: {  	v0 =	vshll.u32 v0, v1;
	s5 =	sadd.s32 @!p0 $0x200, s1;
	s12 =	simm.s32 $0x7;
	v4 =	vshrl.u32 v4, $0x3;
	v6 =	vld [tilespmem:$0x1FE50];
	[sflag:s20] =	ssyncadd.s32 $0xFFFFE000  }
0x1a5: {  	v2 =	vmov s9;
	v35 =	vmov s12;
	v4 =	vshll.u32 v4, v1;
	v7 =	vld [tilespmem:$0x1FE90];
	[tilespmem:s0], [sflag:$0x1] =	stream.indirect.gather @!p0 [hbm4b:s4+s8], $0x40, s5, s8, $0xb8  }
0x1a6: {  	v2 =	vshrl.u32 v2, $0x3;
	v35 =	vshrl.u32 v35, $0x3;
	v36 =	vbroadcast v4, $0x0;
	v4 =	vld [tilespmem:$0x1FEC0];
	s0 =	simm.s32 $0xA5F0  }
0x1a7: {  	v39 =	vbroadcast v0, $0x0;
	v2 =	vshll.u32 v2, v1;
	v35 =	vshll.u32 v35, v1;
	v0 =	vld [tilespmem:s0+$0xFFFFFFD0]  }
0x1a8: {  	v40 =	vbroadcast v2, $0x0;
	v41 =	vbroadcast v35, $0x0;
	v38 =	vld [tilespmem:s0+$0xFFFFFE10]  }
0x1a9: {  	s11 =	simm.s32 $0x2;
	v42 =	vld [tilespmem:s0+$0xFFFFFE50]  }
0x1aa: {  	v3 =	vmov s11;
	v2 =	vadd.s32 v22, v41;
	v45 =	vadd.s32 v7, v40;
	v7 =	vld [tilespmem:$0x1FF00]  }
0x1ab: {  	v3 =	vshrl.u32 v3, $0x3;
	v44 =	vld [tilespmem:s0+$0xFFFFFE90];
	v43 =	vadd.s32 v6, v39  }
0x1ac: {  	v5 =	vshrl.u32 v5, $0x3;
	v3 =	vshll.u32 v3, v1;
	v46 =	vld [tilespmem:s0+$0xFFFFFED0]  }
0x1ad: {  	v5 =	vshll.u32 v5, v1;
	s11 =	simm.s32 $0x6;
	v37 =	vbroadcast v3, $0x0;
	v47 =	vld [tilespmem:s0+$0xFFFFFF10];
	v0 =	vmul.f32 $8.000000000e+00, v0  }
0x1ae: {  	v34 =	vmov s11;
	v35 =	vbroadcast v5, $0x0;
	v48 =	vld [tilespmem:s0+$0xFFFFFF50];
	v5 =	vmul.f32 $8.000000000e+00, v38  }
0x1af: {  	v34 =	vshrl.u32 v34, $0x3;
	v4 =	vadd.s32 v4, v37;
	v56 =	vadd.s32 v7, v36;
	v7 =	vld [tilespmem:$0x1FF30];
	[tilespmem:v2+s21+$0x0] =	vst.idx.msk $0xffff, v0  }
0x1b0: {  	s9 =	simm.s32 $0x5;
	v3 =	vshll.u32 v34, v1;
	v50 =	vld [tilespmem:s0+$0xFFFFFF90];
	v42 =	vmul.f32 $8.000000000e+00, v42;
	[tilespmem:v43+s21+$0x0] =	vst.idx.msk $0xffff, v5  }
0x1b1: {  	v33 =	vmov s9;
	v34 =	vbroadcast v3, $0x0;
	v3 =	vld [tilespmem:$0x1FF60]  }
0x1b2: {  	v33 =	vshrl.u32 v33, $0x3;
	v2 =	vmul.f32 $8.000000000e+00, v44;
	v5 =	vld [tilespmem:s0+$0xFFFFFFE0];
	[tilespmem:v45+s21+$0x0] =	vst.idx.msk $0xffff, v42  }
0x1b3: {  	v33 =	vshll.u32 v33, v1;
	v30 =	vld [tilespmem:$0x1FF90]  }
0x1b4: {  	v33 =	vbroadcast v33, $0x0;
	v57 =	vmul.f32 $8.000000000e+00, v46;
	v43 =	vld [tilespmem:s0+$0xFFFFFE20];
	[tilespmem:v4+s21+$0x0] =	vst.idx.msk $0xffff, v2;
	v49 =	vadd.s32 v7, v35  }
0x1b5: {  	v7 =	vld [tilespmem:$0x1FE60]  }
0x1b6: {  	v59 =	vld [tilespmem:s0+$0xFFFFFE60];
	[tilespmem:v56+s21+$0x0] =	vst.idx.msk $0xffff, v57;
	v3 =	vadd.s32 v3, v33  }
0x1b7: {  	v2 =	vmul.f32 $8.000000000e+00, v47;
	v11 =	vld [tilespmem:$0x1FEA0]  }
0x1b8: {  	v52 =	vld [tilespmem:s0+$0xFFFFFEA0];
	v58 =	vadd.s32 v30, v34  }
0x1b9: {  	v60 =	vmul.f32 $8.000000000e+00, v48;
	v4 =	vadd.s32 v63, v41;
	v53 =	vld [tilespmem:s0+$0xFFFFFEE0];
	[tilespmem:v49+s21+$0x0] =	vst.idx.msk $0xffff, v2  }
0x1ba: {  	v51 =	vadd.s32 v7, v39;
	v15 =	vld [tilespmem:$0x1FED0]  }
0x1bb: {  	v2 =	vmul.f32 $8.000000000e+00, v50;
	v54 =	vld [tilespmem:s0+$0xFFFFFF20];
	[tilespmem:v3+s21+$0x0] =	vst.idx.msk $0xffff, v60  }
0x1bc: {  	v48 =	vadd.s32 v11, v40;
	v3 =	vmul.f32 $8.000000000e+00, v5;
	v19 =	vld [tilespmem:$0x1FF10]  }
0x1bd: {  	v61 =	vmul.f32 $8.000000000e+00, v43;
	v55 =	vld [tilespmem:s0+$0xFFFFFF60];
	[tilespmem:v58+s21+$0x0] =	vst.idx.msk $0xffff, v2  }
0x1be: {  	v23 =	vld [tilespmem:$0x1FF40];
	[tilespmem:v4+s21+$0x0] =	vst.idx.msk $0xffff, v3  }
0x1bf: {  	v32 =	vmul.f32 $8.000000000e+00, v59;
	v56 =	vld [tilespmem:s0+$0xFFFFFFA0];
	[tilespmem:v51+s21+$0x0] =	vst.idx.msk $0xffff, v61;
	v50 =	vadd.s32 v15, v37  }
0x1c0: {  	v27 =	vld [tilespmem:$0x1FF70]  }
0x1c1: {  	v60 =	vld [tilespmem:s0+$0xFFFFFFF0];
	[tilespmem:v48+s21+$0x0] =	vst.idx.msk $0xffff, v32;
	v62 =	vadd.s32 v19, v36  }
0x1c2: {  	s12 =	simm.s32 $0xA;
	v3 =	vmul.f32 $8.000000000e+00, v52;
	v31 =	vld [tilespmem:$0x1FFA0]  }
0x1c3: {  	v47 =	vmov s12;
	v51 =	vld [tilespmem:s0+$0xFFFFFE30];
	v46 =	vadd.s32 v23, v35  }
0x1c4: {  	v52 =	vshrl.u32 v47, $0x3;
	v61 =	vmul.f32 $8.000000000e+00, v53;
	v47 =	vld [tilespmem:s0+$0xFFFFFE70];
	[tilespmem:v50+s21+$0x0] =	vst.idx.msk $0xffff, v3  }
0x1c5: {  	v4 =	vadd.s32 v27, v33;
	v8 =	vld [tilespmem:$0x1FE70]  }
0x1c6: {  	v3 =	vmul.f32 $8.000000000e+00, v54;
	v57 =	vld [tilespmem:s0+$0xFFFFFEB0];
	[tilespmem:v62+s21+$0x0] =	vst.idx.msk $0xffff, v61  }
0x1c7: {  	v48 =	vadd.s32 v31, v34;
	v12 =	vld [tilespmem:$0x1FEB0]  }
0x1c8: {  	v62 =	vmul.f32 $8.000000000e+00, v55;
	v58 =	vld [tilespmem:s0+$0xFFFFFEF0];
	[tilespmem:v46+s21+$0x0] =	vst.idx.msk $0xffff, v3  }
0x1c9: {  	s9 =	simm.s32 $0x8;
	v50 =	vadd.s32 v9, v41;
	v16 =	vld [tilespmem:$0x1FEE0]  }
0x1ca: {  	s8 =	simm.s32 $0xB;
	v0 =	vmov s9;
	v3 =	vmul.f32 $8.000000000e+00, v56;
	v59 =	vld [tilespmem:s0+$0xFFFFFF30];
	[tilespmem:v4+s21+$0x0] =	vst.idx.msk $0xffff, v62;
	v54 =	vadd.s32 v8, v39  }
0x1cb: {  	v0 =	vshrl.u32 v0, $0x3;
	v42 =	vmov s8;
	s12 =	simm.s32 $0xE;
	v20 =	vld [tilespmem:$0x1FE20]  }
0x1cc: {  	v2 =	vmov s12;
	v4 =	vmul.f32 $8.000000000e+00, v60;
	v61 =	vld [tilespmem:s0+$0xFFFFFF70];
	[tilespmem:v48+s21+$0x0] =	vst.idx.msk $0xffff, v3;
	v32 =	vadd.s32 v12, v40  }
0x1cd: {  	v53 =	vshrl.u32 v42, $0x3;
	v42 =	vshrl.u32 v2, $0x3;
	v2 =	vmul.f32 $8.000000000e+00, v51;
	v24 =	vld [tilespmem:$0x1FE30]  }
0x1ce: {  	v0 =	vshll.u32 v0, v1;
	v62 =	vld [tilespmem:s0+$0xFFFFFFB0];
	[tilespmem:v50+s21+$0x0] =	vst.idx.msk $0xffff, v4;
	v46 =	vadd.s32 v16, v37  }
0x1cf: {  	v38 =	vbroadcast v0, $0x0;
	v0 =	vmul.f32 $8.000000000e+00, v47;
	v56 =	vld [tilespmem:s0+$0x0];
	[tilespmem:v54+s21+$0x0] =	vst.idx.msk $0xffff, v2  }
0x1d0: {  	v28 =	vld [tilespmem:$0x1FE40]  }
0x1d1: {  	v60 =	vadd.s32 v20, v36;
	v2 =	vmul.f32 $8.000000000e+00, v57;
	v50 =	vld [tilespmem:s0+$0xFFFFFE40];
	[tilespmem:v32+s21+$0x0] =	vst.idx.msk $0xffff, v0  }
0x1d2: {  	v32 =	vld [tilespmem:$0x1FFB0]  }
0x1d3: {  	v44 =	vshll.u32 v52, v1;
	v3 =	vadd.s32 v24, v35;
	v52 =	vld [tilespmem:s0+$0xFFFFFE80];
	[tilespmem:v46+s21+$0x0] =	vst.idx.msk $0xffff, v2  }
0x1d4: {  	s9 =	simm.s32 $0xC;
	v0 =	vmul.f32 $8.000000000e+00, v58;
	v26 =	vld [tilespmem:$0x1FFE0]  }
0x1d5: {  	v49 =	vmov s9;
	v10 =	vld [tilespmem:$0x1FE80]  }
0x1d6: {  	v43 =	vshrl.u32 v49, $0x3;
	v2 =	vmul.f32 $8.000000000e+00, v59;
	v49 =	vld [tilespmem:s0+$0xFFFFFEC0];
	[tilespmem:v60+s21+$0x0] =	vst.idx.msk $0xffff, v0  }
0x1d7: {  	s11 =	simm.s32 $0x9;
	v13 =	vld [tilespmem:$0x1FE10]  }
0x1d8: {  	v45 =	vmov s11;
	s11 =	simm.s32 $0xD;
	v54 =	vld [tilespmem:s0+$0xFFFFFF00];
	[tilespmem:v3+s21+$0x0] =	vst.idx.msk $0xffff, v2  }
0x1d9: {  	v45 =	vshrl.u32 v45, $0x3;
	v5 =	vmov s11;
	v17 =	vld [tilespmem:$0x1FEF0]  }
0x1da: {  	v5 =	vshrl.u32 v5, $0x3;
	v47 =	vshll.u32 v45, v1;
	v45 =	vshll.u32 v53, v1;
	v21 =	vld [tilespmem:$0x1FF20]  }
0x1db: {  	v46 =	vshll.u32 v43, v1;
	v43 =	vshll.u32 v5, v1;
	v55 =	vadd.s32 v28, v33;
	v25 =	vld [tilespmem:$0x1FF50]  }
0x1dc: {  	v51 =	vadd.s32 v32, v34;
	v29 =	vld [tilespmem:$0x1FF80];
	v53 =	vadd.s32 v26, v41;
	v48 =	vadd.s32 v10, v39  }
0x1dd: {  	s11 =	simm.s32 $0x10;
	s12 =	simm.s32 $0xF;
	v18 =	vld [tilespmem:$0x1FFC0];
	v39 =	vmul.f32 $8.000000000e+00, v61;
	v41 =	vadd.s32 v13, v40;
	v40 =	vmul.f32 $8.000000000e+00, v62  }
.LBB2_11:
0x1de: {  	_ =	sdelay $0x1  }
0x1df: {  	v14 =	vld [tilespmem:$0x1FE90];
	[tilespmem:v55+s21+$0x0] =	vst.idx.msk $0xffff, v39;
	v5 =	vmul.f32 $8.000000000e+00, v50  }
0x1e0: {  	v0 =	vmov s12;
	v2 =	vadd.s32 v17, v37;
	v3 =	vld [tilespmem:s0+$0xFFFFFF40];
	[tilespmem:v51+s21+$0x0] =	vst.idx.msk $0xffff, v40;
	v57 =	vmul.f32 $8.000000000e+00, v52  }
0x1e1: {  	v0 =	vshrl.u32 v0, $0x3;
	v58 =	vld [tilespmem:s0+$0xFFFFFFC0];
	[tilespmem:v48+s21+$0x0] =	vst.idx.msk $0xffff, v5  }
0x1e2: {  	v0 =	vshll.u32 v0, v1;
	v4 =	vmul.f32 $8.000000000e+00, v56;
	v56 =	vld [tilespmem:s0+$0xFFFFFF80];
	s0 =	sadd.s32 $0x200, s0;
	[tilespmem:v41+s21+$0x0] =	vst.idx.msk $0xffff, v57;
	v41 =	vbroadcast v47, $0x0  }
0x1e3: {  	v36 =	vadd.s32 v21, v36;
	v40 =	vbroadcast v0, $0x0;
	v0 =	vmul.f32 $8.000000000e+00, v49;
	v59 =	vld [tilespmem:s0+$0xFFFFFE10]  }
0x1e4: {  	[tilespmem:v53+s21+$0x0] =	vst.idx.msk $0xffff, v4;
	v5 =	vadd.s32 v29, v33;
	v53 =	vadd.s32 v14, v41;
	v14 =	vld [tilespmem:$0x1FEC0]  }
0x1e5: {  	v35 =	vadd.s32 v25, v35;
	v39 =	vmov v38;
	[tilespmem:v2+s21+$0x0] =	vst.idx.msk $0xffff, v0  }
0x1e6: {  	v60 =	vmul.f32 $8.000000000e+00, v54;
	v0 =	vmul.f32 $8.000000000e+00, v3;
	v2 =	vadd.s32 v6, v39;
	v3 =	vld [tilespmem:s0+$0xFFFFFE90]  }
0x1e7: {  	v34 =	vadd.s32 v18, v34;
	v37 =	vbroadcast v44, $0x0;
	v61 =	vld [tilespmem:s0+$0xFFFFFE50];
	v38 =	vmul.f32 $8.000000000e+00, v56  }
0x1e8: {  	[tilespmem:v36+s21+$0x0] =	vst.idx.msk $0xffff, v60;
	v4 =	vld [tilespmem:s0+$0xFFFFFFD0]  }
0x1e9: {  	[tilespmem:v5+s21+$0x0] =	vst.idx.msk $0xffff, v38;
	v5 =	vmul.f32 $8.000000000e+00, v59;
	v54 =	vadd.s32 v14, v37;
	v14 =	vld [tilespmem:$0x1FF00]  }
0x1ea: {  	v52 =	vadd.s32 v22, v40;
	[tilespmem:v35+s21+$0x0] =	vst.idx.msk $0xffff, v0;
	v0 =	vmul.f32 $8.000000000e+00, v58  }
0x1eb: {  	[tilespmem:v2+s21+$0x0] =	vst.idx.msk $0xffff, v5;
	v2 =	vmul.f32 $8.000000000e+00, v3;
	v3 =	vld [tilespmem:$0x1FF60]  }
0x1ec: {  	v36 =	vbroadcast v45, $0x0;
	v48 =	vld [tilespmem:s0+$0xFFFFFED0];
	[tilespmem:v34+s21+$0x0] =	vst.idx.msk $0xffff, v0;
	v0 =	vmul.f32 $8.000000000e+00, v61  }
0x1ed: {  	v4 =	vmul.f32 $8.000000000e+00, v4;
	v56 =	vld [tilespmem:s0+$0xFFFFFF50]  }
0x1ee: {  	v33 =	vbroadcast v43, $0x0;
	[tilespmem:v53+s21+$0x0] =	vst.idx.msk $0xffff, v0;
	v62 =	vadd.s32 v14, v36;
	v14 =	vld [tilespmem:$0x1FF30]  }
0x1ef: {  	[tilespmem:v52+s21+$0x0] =	vst.idx.msk $0xffff, v4;
	v61 =	vld [tilespmem:s0+$0xFFFFFE60]  }
0x1f0: {  	v5 =	vld [tilespmem:s0+$0xFFFFFFE0];
	v3 =	vadd.s32 v3, v33  }
0x1f1: {  	v35 =	vbroadcast v46, $0x0;
	v46 =	vadd.s32 v11, v41;
	v55 =	vld [tilespmem:s0+$0xFFFFFF10];
	v0 =	vmul.f32 $8.000000000e+00, v48  }
0x1f2: {  	v42 =	vshll.u32 v42, v1;
	v45 =	vadd.s32 v63, v40;
	v59 =	vld [tilespmem:s0+$0xFFFFFE20]  }
0x1f3: {  	v34 =	vbroadcast v42, $0x0;
	v58 =	vld [tilespmem:s0+$0xFFFFFF90];
	v57 =	vadd.s32 v14, v35;
	[tilespmem:v62+s21+$0x0] =	vst.idx.msk $0xffff, v0;
	v0 =	vmul.f32 $8.000000000e+00, v56  }
0x1f4: {  	v51 =	vadd.s32 v7, v39;
	[tilespmem:v54+s21+$0x0] =	vst.idx.msk $0xffff, v2;
	v62 =	vmul.f32 $8.000000000e+00, v61  }
0x1f5: {  	v60 =	vadd.s32 v30, v34;
	v52 =	vld [tilespmem:s0+$0xFFFFFEA0];
	[tilespmem:v3+s21+$0x0] =	vst.idx.msk $0xffff, v0;
	v0 =	vmul.f32 $8.000000000e+00, v5  }
0x1f6: {  	s9 =	sadd.s32 $0x2, s11;
	v2 =	vmul.f32 $8.000000000e+00, v55;
	[tilespmem:v46+s21+$0x0] =	vst.idx.msk $0xffff, v62  }
0x1f7: {  	v50 =	vmov s9;
	v53 =	vld [tilespmem:s0+$0xFFFFFEE0];
	v5 =	vmul.f32 $8.000000000e+00, v59;
	[tilespmem:v45+s21+$0x0] =	vst.idx.msk $0xffff, v0  }
0x1f8: {  	v49 =	vadd.s32 v15, v37;
	v4 =	vmov s11;
	v55 =	vld [tilespmem:s0+$0xFFFFFF60];
	[tilespmem:v57+s21+$0x0] =	vst.idx.msk $0xffff, v2;
	v2 =	vmul.f32 $8.000000000e+00, v58  }
0x1f9: {  	v50 =	vshrl.u32 v50, $0x3;
	v42 =	vadd.s32 v19, v36;
	v4 =	vshrl.u32 v4, $0x3;
	[tilespmem:v51+s21+$0x0] =	vst.idx.msk $0xffff, v5;
	v54 =	vld [tilespmem:s0+$0xFFFFFF20]  }
0x1fa: {  	s5 =	sadd.s32 $0x1, s11;
	s8 =	sadd.s32 $0x4, s11;
	v0 =	vshll.u32 v4, v1;
	v4 =	vmul.f32 $8.000000000e+00, v52;
	v5 =	vadd.s32 v27, v33;
	v52 =	vld [tilespmem:s0+$0xFFFFFE70];
	[tilespmem:v60+s21+$0x0] =	vst.idx.msk $0xffff, v2  }
0x1fb: {  	v47 =	vmov s5;
	v43 =	vmov s8;
	v60 =	vadd.s32 v23, v35;
	v61 =	vld [tilespmem:s0+$0xFFFFFFA0]  }
0x1fc: {  	s12 =	sadd.s32 $0x3, s11;
	v44 =	vshll.u32 v50, v1;
	v45 =	vld [tilespmem:s0+$0xFFFFFFF0];
	v58 =	vadd.s32 v12, v41;
	v62 =	vmul.f32 $8.000000000e+00, v53  }
0x1fd: {  	v38 =	vmov s12;
	v46 =	vadd.s32 v31, v34;
	v51 =	vld [tilespmem:s0+$0xFFFFFE30];
	[tilespmem:v49+s21+$0x0] =	vst.idx.msk $0xffff, v4;
	v55 =	vmul.f32 $8.000000000e+00, v55  }
0x1fe: {  	v49 =	vadd.s32 v9, v40;
	v53 =	vshrl.u32 v38, $0x3;
	[tilespmem:v42+s21+$0x0] =	vst.idx.msk $0xffff, v62;
	v4 =	vmul.f32 $8.000000000e+00, v54  }
0x1ff: {  	v38 =	vbroadcast v0, $0x0;
	v57 =	vld [tilespmem:s0+$0xFFFFFEB0];
	v0 =	vmul.f32 $8.000000000e+00, v52;
	[tilespmem:v5+s21+$0x0] =	vst.idx.msk $0xffff, v55;
	v54 =	vadd.s32 v8, v39  }
0x200: {  	v47 =	vshrl.u32 v47, $0x3;
	v43 =	vshrl.u32 v43, $0x3;
	s12 =	sadd.s32 $0x6, s11;
	v59 =	vld [tilespmem:s0+$0xFFFFFEF0];
	[tilespmem:v60+s21+$0x0] =	vst.idx.msk $0xffff, v4;
	v4 =	vmul.f32 $8.000000000e+00, v61  }
0x201: {  	v48 =	vadd.s32 v16, v37;
	v2 =	vmov s12;
	v5 =	vmul.f32 $8.000000000e+00, v45;
	[tilespmem:v58+s21+$0x0] =	vst.idx.msk $0xffff, v0;
	v60 =	vld [tilespmem:s0+$0xFFFFFF30]  }
0x202: {  	s9 =	sadd.s32 $0x5, s11;
	v42 =	vshrl.u32 v2, $0x3;
	v2 =	vmul.f32 $8.000000000e+00, v51;
	v62 =	vld [tilespmem:s0+$0xFFFFFF70];
	v61 =	vadd.s32 v20, v36;
	[tilespmem:v46+s21+$0x0] =	vst.idx.msk $0xffff, v4  }
0x203: {  	p1 =	slt.u32 s11, $0x78;
	v47 =	vshll.u32 v47, v1;
	v14 =	vmovc v63;
	v3 =	vmov s9;
	[tilespmem:v49+s21+$0x0] =	vst.idx.msk $0xffff, v5;
	v4 =	vadd.s32 v24, v35;
	v63 =	vld [tilespmem:s0+$0xFFFFFFB0]  }
.Ltmp4:
0x204: {  	v3 =	vshrl.u32 v3, $0x3;
	v41 =	vadd.s32 v13, v41;
	v52 =	vld [tilespmem:s0+$0xFFFFFE80];
	[tilespmem:v54+s21+$0x0] =	vst.idx.msk $0xffff, v2;
	v2 =	vmul.f32 $8.000000000e+00, v57;
	(pc) =	sbr.rel @p1 .LBB2_11-.Ltmp4, $4  }
0x205: {  	v55 =	vadd.s32 v28, v33;
	v51 =	vadd.s32 v32, v34;
	v56 =	vld [tilespmem:s0+$0x0];
	v0 =	vmul.f32 $8.000000000e+00, v59  }
0x206: {  	v45 =	vshll.u32 v53, v1;
	v53 =	vadd.s32 v26, v40;
	v50 =	vld [tilespmem:s0+$0xFFFFFE40];
	[tilespmem:v48+s21+$0x0] =	vst.idx.msk $0xffff, v2;
	v2 =	vmul.f32 $8.000000000e+00, v60  }
0x207: {  	v46 =	vshll.u32 v43, v1;
	v43 =	vshll.u32 v3, v1;
	[tilespmem:v61+s21+$0x0] =	vst.idx.msk $0xffff, v0;
	v49 =	vld [tilespmem:s0+$0xFFFFFEC0]  }
0x208: {  	s12 =	sadd.s32 $0x7, s11;
	s11 =	sadd.s32 $0x8, s11;
	v48 =	vadd.s32 v10, v39;
	v39 =	vmul.f32 $8.000000000e+00, v62;
	v54 =	vld [tilespmem:s0+$0xFFFFFF00];
	[tilespmem:v4+s21+$0x0] =	vst.idx.msk $0xffff, v2;
	v40 =	vmul.f32 $8.000000000e+00, v63;
	v63 =	vmovc v14  }
0x209: {  	_ =	sdelay $0x3  }
0x20a: {  	v0 =	vmov s12;
	v2 =	vadd.s32 v17, v37;
	v3 =	vld [tilespmem:s0+$0xFFFFFF40];
	v57 =	vmul.f32 $8.000000000e+00, v52;
	[tilespmem:v55+s21+$0x0] =	vst.idx.msk $0xffff, v39  }
0x20b: {  	v36 =	vadd.s32 v21, v36;
	v4 =	vmul.f32 $8.000000000e+00, v56;
	v0 =	vshrl.u32 v0, $0x3;
	[tilespmem:v51+s21+$0x0] =	vst.idx.msk $0xffff, v40;
	v56 =	vld [tilespmem:s0+$0xFFFFFF80]  }
0x20c: {  	v35 =	vadd.s32 v25, v35;
	s12 =	sadd.s32 $0x200, s0;
	v5 =	vmul.f32 $8.000000000e+00, v50;
	v0 =	vshll.u32 v0, v1;
	v40 =	vld [tilespmem:s0+$0xFFFFFFC0];
	[tilespmem:v41+s21+$0x0] =	vst.idx.msk $0xffff, v57  }
0x20d: {  	v33 =	vadd.s32 v29, v33;
	v58 =	vld [tilespmem:s12+$0xFFFFFFD0];
	[tilespmem:v53+s21+$0x0] =	vst.idx.msk $0xffff, v4;
	v0 =	vbroadcast v0, $0x0;
	v59 =	vmul.f32 $8.000000000e+00, v49  }
0x20e: {  	v34 =	vadd.s32 v18, v34;
	v60 =	vld [tilespmem:s12+$0xFFFFFE10];
	[tilespmem:v48+s21+$0x0] =	vst.idx.msk $0xffff, v5;
	v61 =	vmul.f32 $8.000000000e+00, v54  }
0x20f: {  	v49 =	vadd.s32 v22, v0;
	[tilespmem:v2+s21+$0x0] =	vst.idx.msk $0xffff, v59;
	v2 =	vmul.f32 $8.000000000e+00, v3  }
0x210: {  	v62 =	vld [tilespmem:s12+$0xFFFFFE50];
	v3 =	vadd.s32 v6, v38;
	[tilespmem:v36+s21+$0x0] =	vst.idx.msk $0xffff, v61;
	v51 =	vmul.f32 $8.000000000e+00, v56  }
0x211: {  	v52 =	vld [tilespmem:$0x1FE90];
	[tilespmem:v35+s21+$0x0] =	vst.idx.msk $0xffff, v2;
	v2 =	vmul.f32 $8.000000000e+00, v40  }
0x212: {  	v4 =	vmul.f32 $8.000000000e+00, v58;
	v54 =	vld [tilespmem:$0x1FEC0];
	[tilespmem:v33+s21+$0x0] =	vst.idx.msk $0xffff, v51  }
0x213: {  	v57 =	vmul.f32 $8.000000000e+00, v60;
	v58 =	vld [tilespmem:$0x1FF00];
	[tilespmem:v34+s21+$0x0] =	vst.idx.msk $0xffff, v2  }
0x214: {  	v61 =	vld [tilespmem:$0x1FF30];
	[tilespmem:v49+s21+$0x0] =	vst.idx.msk $0xffff, v4  }
0x215: {  	v47 =	vbroadcast v47, $0x0;
	v5 =	vld [tilespmem:s12+$0xFFFFFE90];
	[tilespmem:v3+s21+$0x0] =	vst.idx.msk $0xffff, v57  }
0x216: {  	v44 =	vbroadcast v44, $0x0;
	v4 =	vld [tilespmem:$0x1FF60]  }
0x217: {  	v45 =	vbroadcast v45, $0x0;
	v53 =	vld [tilespmem:s12+$0xFFFFFED0];
	v37 =	vadd.s32 v52, v47  }
0x218: {  	v46 =	vbroadcast v46, $0x0;
	v56 =	vld [tilespmem:s12+$0xFFFFFF10];
	v55 =	vadd.s32 v54, v44  }
0x219: {  	v42 =	vshll.u32 v42, v1;
	v43 =	vbroadcast v43, $0x0;
	v60 =	vld [tilespmem:s12+$0xFFFFFF50];
	v59 =	vadd.s32 v58, v45  }
0x21a: {  	v42 =	vbroadcast v42, $0x0;
	v22 =	vld [tilespmem:s12+$0xFFFFFF90];
	v2 =	vmul.f32 $8.000000000e+00, v62;
	v62 =	vadd.s32 v61, v46  }
0x21b: {  	v3 =	vmul.f32 $8.000000000e+00, v5;
	v33 =	vld [tilespmem:s12+$0xFFFFFE20];
	v4 =	vadd.s32 v4, v43  }
0x21c: {  	v52 =	vld [tilespmem:s12+$0xFFFFFFE0];
	[tilespmem:v37+s21+$0x0] =	vst.idx.msk $0xffff, v2;
	v2 =	vmul.f32 $8.000000000e+00, v53;
	v53 =	vadd.s32 v30, v42  }
0x21d: {  	v54 =	vld [tilespmem:s12+$0xFFFFFE60];
	[tilespmem:v55+s21+$0x0] =	vst.idx.msk $0xffff, v3;
	v3 =	vmul.f32 $8.000000000e+00, v56;
	v56 =	vadd.s32 v7, v38  }
0x21e: {  	v55 =	vadd.s32 v63, v0;
	v57 =	vld [tilespmem:s12+$0xFFFFFEA0];
	[tilespmem:v59+s21+$0x0] =	vst.idx.msk $0xffff, v2;
	v2 =	vmul.f32 $8.000000000e+00, v60  }
0x21f: {  	v58 =	vadd.s32 v11, v47;
	v59 =	vld [tilespmem:s12+$0xFFFFFEE0];
	[tilespmem:v62+s21+$0x0] =	vst.idx.msk $0xffff, v3;
	v3 =	vmul.f32 $8.000000000e+00, v22  }
0x220: {  	v60 =	vadd.s32 v15, v44;
	v62 =	vmul.f32 $8.000000000e+00, v33;
	v61 =	vld [tilespmem:s12+$0xFFFFFF20];
	[tilespmem:v4+s21+$0x0] =	vst.idx.msk $0xffff, v2  }
0x221: {  	v22 =	vadd.s32 v19, v45;
	v2 =	vmul.f32 $8.000000000e+00, v52;
	v30 =	vld [tilespmem:s12+$0xFFFFFF60];
	[tilespmem:v53+s21+$0x0] =	vst.idx.msk $0xffff, v3  }
0x222: {  	v52 =	vadd.s32 v23, v46;
	v3 =	vmul.f32 $8.000000000e+00, v54;
	[tilespmem:v56+s21+$0x0] =	vst.idx.msk $0xffff, v62;
	v53 =	vld [tilespmem:s12+$0xFFFFFFA0]  }
0x223: {  	v54 =	vadd.s32 v27, v43;
	[tilespmem:v55+s21+$0x0] =	vst.idx.msk $0xffff, v2;
	v2 =	vmul.f32 $8.000000000e+00, v57;
	v40 =	vld [tilespmem:s12+$0xFFFFFE30]  }
0x224: {  	v55 =	vadd.s32 v31, v42;
	v35 =	vld [tilespmem:s12+$0xFFFFFFF0];
	[tilespmem:v58+s21+$0x0] =	vst.idx.msk $0xffff, v3;
	v3 =	vmul.f32 $8.000000000e+00, v59  }
0x225: {  	v58 =	vadd.s32 v8, v38;
	v56 =	vld [tilespmem:s12+$0xFFFFFE70];
	[tilespmem:v60+s21+$0x0] =	vst.idx.msk $0xffff, v2;
	v2 =	vmul.f32 $8.000000000e+00, v61  }
0x226: {  	v57 =	vadd.s32 v9, v0;
	v59 =	vld [tilespmem:s12+$0xFFFFFEB0];
	[tilespmem:v22+s21+$0x0] =	vst.idx.msk $0xffff, v3;
	v3 =	vmul.f32 $8.000000000e+00, v30  }
0x227: {  	v60 =	vadd.s32 v12, v47;
	v61 =	vld [tilespmem:s12+$0xFFFFFEF0];
	[tilespmem:v52+s21+$0x0] =	vst.idx.msk $0xffff, v2;
	v2 =	vmul.f32 $8.000000000e+00, v53  }
0x228: {  	v62 =	vadd.s32 v16, v44;
	v19 =	vmul.f32 $8.000000000e+00, v40;
	v16 =	vld [tilespmem:s12+$0xFFFFFF30];
	[tilespmem:v54+s21+$0x0] =	vst.idx.msk $0xffff, v3  }
0x229: {  	v22 =	vadd.s32 v20, v45;
	v3 =	vmul.f32 $8.000000000e+00, v35;
	v23 =	vld [tilespmem:s12+$0xFFFFFF70];
	[tilespmem:v55+s21+$0x0] =	vst.idx.msk $0xffff, v2  }
0x22a: {  	v27 =	vadd.s32 v24, v46;
	v2 =	vmul.f32 $8.000000000e+00, v56;
	[tilespmem:v58+s21+$0x0] =	vst.idx.msk $0xffff, v19;
	v30 =	vld [tilespmem:s12+$0xFFFFFFB0]  }
0x22b: {  	v31 =	vadd.s32 v28, v43;
	[tilespmem:v57+s21+$0x0] =	vst.idx.msk $0xffff, v3;
	v3 =	vmul.f32 $8.000000000e+00, v59;
	v41 =	vld [tilespmem:s12+$0xFFFFFE40]  }
0x22c: {  	v49 =	vadd.s32 v32, v42;
	v34 =	vld [tilespmem:s12+$0x0];
	[tilespmem:v60+s21+$0x0] =	vst.idx.msk $0xffff, v2;
	v2 =	vmul.f32 $8.000000000e+00, v61  }
0x22d: {  	v51 =	vadd.s32 v10, v38;
	v50 =	vld [tilespmem:s12+$0xFFFFFE80];
	[tilespmem:v62+s21+$0x0] =	vst.idx.msk $0xffff, v3;
	v3 =	vmul.f32 $8.000000000e+00, v16  }
0x22e: {  	v0 =	vadd.s32 v26, v0;
	v52 =	vld [tilespmem:s12+$0xFFFFFEC0];
	[tilespmem:v22+s21+$0x0] =	vst.idx.msk $0xffff, v2;
	v2 =	vmul.f32 $8.000000000e+00, v23  }
0x22f: {  	v53 =	vadd.s32 v13, v47;
	v54 =	vld [tilespmem:s12+$0xFFFFFF00];
	[tilespmem:v27+s21+$0x0] =	vst.idx.msk $0xffff, v3;
	v3 =	vmul.f32 $8.000000000e+00, v30  }
0x230: {  	v55 =	vadd.s32 v17, v44;
	v57 =	vmul.f32 $8.000000000e+00, v41;
	v56 =	vld [tilespmem:s12+$0xFFFFFF40];
	[tilespmem:v31+s21+$0x0] =	vst.idx.msk $0xffff, v2  }
0x231: {  	v58 =	vadd.s32 v21, v45;
	v2 =	vmul.f32 $8.000000000e+00, v34;
	v59 =	vld [tilespmem:s12+$0xFFFFFF80];
	[tilespmem:v49+s21+$0x0] =	vst.idx.msk $0xffff, v3  }
0x232: {  	v60 =	vadd.s32 v25, v46;
	v3 =	vmul.f32 $8.000000000e+00, v50;
	[tilespmem:v51+s21+$0x0] =	vst.idx.msk $0xffff, v57;
	v61 =	vld [tilespmem:s12+$0xFFFFFFC0]  }
0x233: {  	[tilespmem:v0+s21+$0x0] =	vst.idx.msk $0xffff, v2;
	v0 =	vmul.f32 $8.000000000e+00, v52;
	v2 =	vadd.s32 v29, v43  }
0x234: {  	v62 =	vadd.s32 v18, v42;
	[tilespmem:v53+s21+$0x0] =	vst.idx.msk $0xffff, v3;
	v3 =	vmul.f32 $8.000000000e+00, v54  }
0x235: {  	[tilespmem:v55+s21+$0x0] =	vst.idx.msk $0xffff, v0;
	v0 =	vmul.f32 $8.000000000e+00, v56  }
0x236: {  	s5 =	sshll.u32 s30, $0x12;
	[tilespmem:v58+s21+$0x0] =	vst.idx.msk $0xffff, v3;
	v3 =	vmul.f32 $8.000000000e+00, v59  }
0x237: {  	s0 =	sor.u32 s6, s5;
	[tilespmem:v60+s21+$0x0] =	vst.idx.msk $0xffff, v0;
	v0 =	vmul.f32 $8.000000000e+00, v61  }
0x238: {  	s0 =	sshrl.u32 s0, $0x3;
	[tilespmem:v2+s21+$0x0] =	vst.idx.msk $0xffff, v3  }
0x239: {  	s8 =	simm.s32 $0x12800;
	s9 =	sadd.s32 s2, s0;
	[tilespmem:v62+s21+$0x0] =	vst.idx.msk $0xffff, v0  }
0x23a: {  	[hbm4b:s9+s3] =	stream.linear.scatter [tilespmem:s8], [sflag:$0x7], $0x80, $0x38;
	[tilespmem:$0x16C00] =	vst v63  }
0x23b: {  	s11 =	simm.s32 $0x12888;
	s5 =	sadd.s32 $0x10, s9  }
0x23c: {  	[hbm4b:s5+s3] =	stream.linear.scatter [tilespmem:s11], [sflag:$0x7], $0x80, $0x38;
	[tilespmem:$0x16C00] =	vst v63  }
0x23d: {  	s30 =	sadd.s32 $0x20, s9;
	s12 =	simm.s32 $0x12910  }
0x23e: {  	[hbm4b:s30+s3] =	stream.linear.scatter [tilespmem:s12], [sflag:$0x7], $0x80, $0x38;
	[tilespmem:$0x16C00] =	vst v63  }
0x23f: {  	s8 =	simm.s32 $0x12998;
	s11 =	sadd.s32 $0x30, s9  }
0x240: {  	[hbm4b:s11+s3] =	stream.linear.scatter [tilespmem:s8], [sflag:$0x7], $0x80, $0x38;
	[tilespmem:$0x16C00] =	vst v63  }
0x241: {  	s12 =	simm.s32 $0x12A20;
	s30 =	sadd.s32 $0x40, s9  }
0x242: {  	[hbm4b:s30+s3] =	stream.linear.scatter [tilespmem:s12], [sflag:$0x7], $0x80, $0x38;
	[tilespmem:$0x16C00] =	vst v63  }
0x243: {  	s0 =	simm.s32 $0x440;
	s8 =	simm.s32 $0x12AA8;
	s11 =	sadd.s32 $0x50, s9  }
0x244: {  	[hbm4b:s11+s3] =	stream.linear.scatter [tilespmem:s8], [sflag:$0x7], $0x80, $0x38;
	[tilespmem:$0x16C00] =	vst v63  }
0x245: {  	s5 =	simm.s32 $0x12BB8;
	s12 =	simm.s32 $0x12B30;
	s30 =	sadd.s32 $0x60, s9  }
0x246: {  	[hbm4b:s30+s3] =	stream.linear.scatter [tilespmem:s12], [sflag:$0x7], $0x80, $0x38;
	[tilespmem:$0x16C00] =	vst v63  }
0x247: {  	s8 =	sadd.s32 $0x70, s9;
	s11 =	sadd.s32 $0x1000, s9;
	s12 =	simm.s32 $0x2200  }
.LBB2_13:
0x248: {  	[hbm4b:s8+s3] =	stream.linear.scatter [tilespmem:s5], [sflag:$0x7], $0x80, $0x38;
	[tilespmem:$0x16C00] =	vst v63  }
0x249: {  	s5 =	smov.u32 s0;
	s0 =	smov.u32 s12  }
0x24a: {  	s9 =	sadd.s32 $0x1100, s12;
	s0 =	sshra.s32 s0, $0x2;
	s8 =	sadd.s32 $0x12800, s5  }
0x24b: {  	[hbm4b:s11+s3] =	stream.linear.scatter [tilespmem:s8], [sflag:$0x7], $0x80, $0x38;
	[tilespmem:$0x16C00] =	vst v63  }
0x24c: {  	p1 =	sne.s32 s12, $0x7700;
	s12 =	sadd.s32 $0x10, s11;
	s8 =	sadd.s32 $0x12888, s5  }
0x24d: {  	[hbm4b:s12+s3] =	stream.linear.scatter [tilespmem:s8], [sflag:$0x7], $0x80, $0x38;
	[tilespmem:$0x16C00] =	vst v63  }
0x24e: {  	s8 =	sadd.s32 $0x12910, s5;
	s12 =	sadd.s32 $0x20, s11  }
0x24f: {  	[hbm4b:s12+s3] =	stream.linear.scatter [tilespmem:s8], [sflag:$0x7], $0x80, $0x38;
	[tilespmem:$0x16C00] =	vst v63  }
0x250: {  	s8 =	sadd.s32 $0x12998, s5;
	s12 =	sadd.s32 $0x30, s11  }
0x251: {  	[hbm4b:s12+s3] =	stream.linear.scatter [tilespmem:s8], [sflag:$0x7], $0x80, $0x38;
	[tilespmem:$0x16C00] =	vst v63  }
0x252: {  	s8 =	sadd.s32 $0x12A20, s5;
	s12 =	sadd.s32 $0x40, s11  }
0x253: {  	[hbm4b:s12+s3] =	stream.linear.scatter [tilespmem:s8], [sflag:$0x7], $0x80, $0x38;
	[tilespmem:$0x16C00] =	vst v63  }
.Ltmp5:
0x254: {  	s8 =	sadd.s32 $0x12AA8, s5;
	s12 =	sadd.s32 $0x50, s11;
	(pc) =	sbr.rel @p1 .LBB2_13-.Ltmp5, $4  }
0x255: {  	[hbm4b:s12+s3] =	stream.linear.scatter [tilespmem:s8], [sflag:$0x7], $0x80, $0x38;
	[tilespmem:$0x16C00] =	vst v63  }
0x256: {  	s8 =	sadd.s32 $0x12B30, s5;
	s12 =	sadd.s32 $0x60, s11;
	s5 =	sadd.s32 $0x12BB8, s5  }
0x257: {  	[hbm4b:s12+s3] =	stream.linear.scatter [tilespmem:s8], [sflag:$0x7], $0x80, $0x38;
	[tilespmem:$0x16C00] =	vst v63  }
0x258: {  	s8 =	sadd.s32 $0x70, s11;
	s11 =	sadd.s32 $0x1000, s11;
	s12 =	smov.u32 s9  }
0x259: {  	[hbm4b:s8+s3] =	stream.linear.scatter [tilespmem:s5], [sflag:$0x7], $0x80, $0x38;
	[tilespmem:$0x16C00] =	vst v63  }
0x25a: {  	s30 =	sadd.s32 $0x12800, s0  }
0x25b: {  	[hbm4b:s11+s3] =	stream.linear.scatter [tilespmem:s30], [sflag:$0x7], $0x80, $0x38;
	[tilespmem:$0x16C00] =	vst v63  }
0x25c: {  	s8 =	sadd.s32 $0x12888, s0;
	s9 =	sadd.s32 $0x10, s11  }
0x25d: {  	[hbm4b:s9+s3] =	stream.linear.scatter [tilespmem:s8], [sflag:$0x7], $0x80, $0x38;
	[tilespmem:$0x16C00] =	vst v63  }
0x25e: {  	s12 =	sadd.s32 $0x12910, s0;
	s30 =	sadd.s32 $0x20, s11  }
0x25f: {  	[hbm4b:s30+s3] =	stream.linear.scatter [tilespmem:s12], [sflag:$0x7], $0x80, $0x38;
	[tilespmem:$0x16C00] =	vst v63  }
0x260: {  	s8 =	sadd.s32 $0x12998, s0;
	s9 =	sadd.s32 $0x30, s11  }
0x261: {  	[hbm4b:s9+s3] =	stream.linear.scatter [tilespmem:s8], [sflag:$0x7], $0x80, $0x38;
	[tilespmem:$0x16C00] =	vst v63  }
0x262: {  	s12 =	sadd.s32 $0x12A20, s0;
	s30 =	sadd.s32 $0x40, s11  }
0x263: {  	[hbm4b:s30+s3] =	stream.linear.scatter [tilespmem:s12], [sflag:$0x7], $0x80, $0x38;
	[tilespmem:$0x16C00] =	vst v63  }
0x264: {  	s8 =	sadd.s32 $0x12AA8, s0;
	s9 =	sadd.s32 $0x50, s11  }
0x265: {  	[hbm4b:s9+s3] =	stream.linear.scatter [tilespmem:s8], [sflag:$0x7], $0x80, $0x38;
	[tilespmem:$0x16C00] =	vst v63  }
0x266: {  	s12 =	sadd.s32 $0x12B30, s0;
	s30 =	sadd.s32 $0x60, s11  }
0x267: {  	[hbm4b:s30+s3] =	stream.linear.scatter [tilespmem:s12], [sflag:$0x7], $0x80, $0x38;
	[tilespmem:$0x16C00] =	vst v63  }
0x268: {  	s5 =	sadd.s32 $0x12BB8, s0;
	s8 =	sadd.s32 $0x70, s11  }
0x269: {  	[hbm4b:s8+s3] =	stream.linear.scatter [tilespmem:s5], [sflag:$0x7], $0x80, $0x38;
	[tilespmem:$0x16C00] =	vst v63  }
0x26a: {  	_ =	swait.ge [sflag:s22], $0x2000  }
0x26b: {  	[sflag:s22] =	ssyncset.done $0x0  }
0x26c: {  	[sflag:s22] =	ssyncadd.s32 $0xFFFFE000  }
0x26d: {  	s30 =	simm.s32 $0x3;
	_ =	swait.ge [sflag:s23], $0x2000  }
0x26e: {  	s9 =	simm.s32 $0x0;
	s12 =	simm.s32 $0x2;
	v4 =	vmov s30;
	v24 =	vld [tilespmem:$0x1FFD0]  }
0x26f: {  	s1 =	sadd.s32 @!p0 $0x280, s1;
	s0 =	simm.s32 $0xC5F0;
	v0 =	vmov s9;
	v3 =	vmov s12;
	s12 =	simm.s32 $0x7;
	v4 =	vshrl.u32 v4, $0x3;
	v27 =	vld [tilespmem:$0x1FE50]  }
0x270: {  	s11 =	simm.s32 $0x1;
	v0 =	vshrl.u32 v0, $0x3;
	s8 =	simm.s32 $0x4;
	v35 =	vmov s12;
	v4 =	vshll.u32 v4, v1;
	[sflag:s23] =	ssyncset.done $0x0;
	v31 =	vld [tilespmem:$0x1FE90]  }
0x271: {  	s5 =	simm.s32 @!p0 $0x80;
	v5 =	vmov s8;
	s8 =	simm.s32 @!p0 $0x8400;
	v35 =	vshrl.u32 v35, $0x3;
	v36 =	vbroadcast v4, $0x0;
	v4 =	vld [tilespmem:$0x1FEC0];
	[sflag:s23] =	ssyncadd.s32 $0xFFFFE000  }
0x272: {  	v2 =	vmov s11;
	v0 =	vshll.u32 v0, v1;
	v35 =	vshll.u32 v35, v1;
	v6 =	vld [tilespmem:$0x1FF00];
	[tilespmem:s8], [sflag:$0x2] =	stream.indirect.gather @!p0 [hbm4b:s4+s5], $0x40, s1, s5, $0xb8  }
0x273: {  	v2 =	vshrl.u32 v2, $0x3;
	v39 =	vbroadcast v0, $0x0;
	v41 =	vbroadcast v35, $0x0;
	v0 =	vld [tilespmem:s0+$0xFFFFFFD0]  }
0x274: {  	v2 =	vshll.u32 v2, v1;
	v3 =	vshrl.u32 v3, $0x3;
	v38 =	vld [tilespmem:s0+$0xFFFFFE10]  }
0x275: {  	v40 =	vbroadcast v2, $0x0;
	v3 =	vshll.u32 v3, v1;
	v42 =	vld [tilespmem:s0+$0xFFFFFE50];
	v2 =	vadd.s32 v24, v41  }
0x276: {  	v5 =	vshrl.u32 v5, $0x3;
	v37 =	vbroadcast v3, $0x0;
	v44 =	vld [tilespmem:s0+$0xFFFFFE90];
	v43 =	vadd.s32 v27, v39  }
0x277: {  	v5 =	vshll.u32 v5, v1;
	v45 =	vadd.s32 v31, v40  }
0x278: {  	s11 =	simm.s32 $0x6;
	v4 =	vadd.s32 v4, v37;
	v56 =	vadd.s32 v6, v36;
	v6 =	vld [tilespmem:$0x1FF30];
	v0 =	vmul.f32 $8.000000000e+00, v0  }
0x279: {  	v34 =	vmov s11;
	v35 =	vbroadcast v5, $0x0;
	v5 =	vmul.f32 $8.000000000e+00, v38  }
0x27a: {  	v34 =	vshrl.u32 v34, $0x3;
	v42 =	vmul.f32 $8.000000000e+00, v42;
	[tilespmem:v2+s24+$0x0] =	vst.idx.msk $0xffff, v0  }
0x27b: {  	v3 =	vshll.u32 v34, v1;
	v46 =	vld [tilespmem:s0+$0xFFFFFED0];
	[tilespmem:v43+s24+$0x0] =	vst.idx.msk $0xffff, v5;
	v2 =	vmul.f32 $8.000000000e+00, v44  }
0x27c: {  	v34 =	vbroadcast v3, $0x0;
	v3 =	vld [tilespmem:$0x1FF60];
	[tilespmem:v45+s24+$0x0] =	vst.idx.msk $0xffff, v42  }
0x27d: {  	v49 =	vadd.s32 v6, v35;
	v6 =	vld [tilespmem:$0x1FF90];
	[tilespmem:v4+s24+$0x0] =	vst.idx.msk $0xffff, v2  }
0x27e: {  	v7 =	vld [tilespmem:$0x1FE60];
	_ =	sdelay $0x1  }
0x27f: {  	v47 =	vld [tilespmem:s0+$0xFFFFFF10];
	v57 =	vmul.f32 $8.000000000e+00, v46  }
0x280: {  	s9 =	simm.s32 $0x5  }
0x281: {  	v33 =	vmov s9;
	v48 =	vld [tilespmem:s0+$0xFFFFFF50];
	[tilespmem:v56+s24+$0x0] =	vst.idx.msk $0xffff, v57  }
0x282: {  	v33 =	vshrl.u32 v33, $0x3;
	v58 =	vadd.s32 v6, v34;
	v6 =	vmovc v7;
	v51 =	vadd.s32 v7, v39;
	v7 =	vld [tilespmem:$0x1FEA0]  }
0x283: {  	v33 =	vshll.u32 v33, v1  }
0x284: {  	v33 =	vbroadcast v33, $0x0;
	v2 =	vmul.f32 $8.000000000e+00, v47  }
0x285: {  	v50 =	vld [tilespmem:s0+$0xFFFFFF90]  }
0x286: {  	v3 =	vadd.s32 v3, v33;
	[tilespmem:v49+s24+$0x0] =	vst.idx.msk $0xffff, v2  }
0x287: {  	v60 =	vmul.f32 $8.000000000e+00, v48;
	v10 =	vmov v7;
	v48 =	vadd.s32 v7, v40;
	v7 =	vld [tilespmem:$0x1FED0]  }
0x288: {  	v5 =	vld [tilespmem:s0+$0xFFFFFFE0]  }
0x289: {  	v43 =	vld [tilespmem:s0+$0xFFFFFE20]  }
0x28a: {  	v59 =	vld [tilespmem:s0+$0xFFFFFE60];
	v4 =	vadd.s32 v63, v41;
	v2 =	vmul.f32 $8.000000000e+00, v50  }
0x28b: {  	[tilespmem:v3+s24+$0x0] =	vst.idx.msk $0xffff, v60  }
0x28c: {  	v20 =	vmov v7;
	v50 =	vadd.s32 v7, v37;
	v7 =	vld [tilespmem:$0x1FF10];
	[tilespmem:v58+s24+$0x0] =	vst.idx.msk $0xffff, v2  }
0x28d: {  	v3 =	vmul.f32 $8.000000000e+00, v5;
	v12 =	vld [tilespmem:$0x1FF40]  }
0x28e: {  	v61 =	vmul.f32 $8.000000000e+00, v43  }
0x28f: {  	v52 =	vld [tilespmem:s0+$0xFFFFFEA0];
	v32 =	vmul.f32 $8.000000000e+00, v59;
	[tilespmem:v4+s24+$0x0] =	vst.idx.msk $0xffff, v3  }
0x290: {  	[tilespmem:v51+s24+$0x0] =	vst.idx.msk $0xffff, v61  }
0x291: {  	v4 =	vld [tilespmem:$0x1FF70];
	[tilespmem:v48+s24+$0x0] =	vst.idx.msk $0xffff, v32  }
0x292: {  	v8 =	vmovc v7;
	v62 =	vadd.s32 v7, v36;
	v7 =	vmov v12;
	v46 =	vadd.s32 v12, v35;
	v12 =	vld [tilespmem:$0x1FFA0]  }
0x293: {  	v53 =	vld [tilespmem:s0+$0xFFFFFEE0]  }
0x294: {  	v54 =	vld [tilespmem:s0+$0xFFFFFF20];
	v3 =	vmul.f32 $8.000000000e+00, v52  }
0x295: {  	v55 =	vld [tilespmem:s0+$0xFFFFFF60]  }
0x296: {  	v56 =	vld [tilespmem:s0+$0xFFFFFFA0];
	[tilespmem:v50+s24+$0x0] =	vst.idx.msk $0xffff, v3  }
0x297: {  	v28 =	vmov v12;
	v48 =	vadd.s32 v12, v34;
	v12 =	vld [tilespmem:$0x1FE70]  }
0x298: {  	s8 =	simm.s32 $0xA;
	v60 =	vld [tilespmem:s0+$0xFFFFFFF0]  }
0x299: {  	v47 =	vmov s8;
	v61 =	vmul.f32 $8.000000000e+00, v53;
	v51 =	vld [tilespmem:s0+$0xFFFFFE30];
	v13 =	vmovc v4;
	v4 =	vadd.s32 v4, v33  }
0x29a: {  	v52 =	vshrl.u32 v47, $0x3;
	v47 =	vld [tilespmem:s0+$0xFFFFFE70]  }
0x29b: {  	v3 =	vmul.f32 $8.000000000e+00, v54;
	v50 =	vadd.s32 v9, v41;
	v57 =	vld [tilespmem:s0+$0xFFFFFEB0];
	[tilespmem:v62+s24+$0x0] =	vst.idx.msk $0xffff, v61  }
0x29c: {  	s30 =	simm.s32 $0x8;
	v62 =	vmul.f32 $8.000000000e+00, v55;
	v17 =	vmov v12;
	v54 =	vadd.s32 v12, v39;
	v12 =	vld [tilespmem:$0x1FEB0]  }
0x29d: {  	s9 =	simm.s32 $0xB;
	v0 =	vmov s30;
	s30 =	simm.s32 $0xE;
	v58 =	vld [tilespmem:s0+$0xFFFFFEF0];
	[tilespmem:v46+s24+$0x0] =	vst.idx.msk $0xffff, v3;
	v3 =	vmul.f32 $8.000000000e+00, v56  }
0x29e: {  	v42 =	vmov s9;
	v2 =	vmov s30;
	v16 =	vld [tilespmem:$0x1FEE0];
	[tilespmem:v4+s24+$0x0] =	vst.idx.msk $0xffff, v62;
	v4 =	vmul.f32 $8.000000000e+00, v60  }
0x29f: {  	v53 =	vshrl.u32 v42, $0x3;
	v42 =	vshrl.u32 v2, $0x3;
	v2 =	vmul.f32 $8.000000000e+00, v51;
	v15 =	vld [tilespmem:$0x1FE20];
	[tilespmem:v48+s24+$0x0] =	vst.idx.msk $0xffff, v3  }
0x2a0: {  	v3 =	vld [tilespmem:$0x1FE30];
	[tilespmem:v50+s24+$0x0] =	vst.idx.msk $0xffff, v4  }
0x2a1: {  	v59 =	vld [tilespmem:s0+$0xFFFFFF30];
	v32 =	vadd.s32 v12, v40;
	[tilespmem:v54+s24+$0x0] =	vst.idx.msk $0xffff, v2  }
0x2a2: {  	v0 =	vshrl.u32 v0, $0x3;
	v4 =	vld [tilespmem:$0x1FE40]  }
0x2a3: {  	v0 =	vshll.u32 v0, v1;
	v61 =	vld [tilespmem:s0+$0xFFFFFF70];
	v46 =	vadd.s32 v16, v37  }
0x2a4: {  	v38 =	vbroadcast v0, $0x0;
	v0 =	vmul.f32 $8.000000000e+00, v47;
	v62 =	vld [tilespmem:s0+$0xFFFFFFB0]  }
0x2a5: {  	v56 =	vld [tilespmem:s0+$0x0]  }
0x2a6: {  	v2 =	vmul.f32 $8.000000000e+00, v57;
	v50 =	vld [tilespmem:s0+$0xFFFFFE40];
	v60 =	vadd.s32 v15, v36;
	[tilespmem:v32+s24+$0x0] =	vst.idx.msk $0xffff, v0  }
0x2a7: {  	v26 =	vmov v4;
	v55 =	vadd.s32 v4, v33;
	v4 =	vld [tilespmem:$0x1FFB0]  }
0x2a8: {  	v44 =	vshll.u32 v52, v1;
	v22 =	vmov v3;
	v3 =	vadd.s32 v3, v35;
	v52 =	vld [tilespmem:s0+$0xFFFFFE80];
	[tilespmem:v46+s24+$0x0] =	vst.idx.msk $0xffff, v2  }
0x2a9: {  	s11 =	simm.s32 $0xC;
	v0 =	vmul.f32 $8.000000000e+00, v58;
	v23 =	vld [tilespmem:$0x1FFE0]  }
0x2aa: {  	v49 =	vmov s11;
	v18 =	vmov v15;
	v15 =	vld [tilespmem:$0x1FE80]  }
0x2ab: {  	v43 =	vshrl.u32 v49, $0x3;
	v2 =	vmul.f32 $8.000000000e+00, v59;
	v49 =	vld [tilespmem:s0+$0xFFFFFEC0];
	[tilespmem:v60+s24+$0x0] =	vst.idx.msk $0xffff, v0  }
0x2ac: {  	s5 =	simm.s32 $0x9;
	v0 =	vld [tilespmem:$0x1FE10]  }
0x2ad: {  	s12 =	simm.s32 $0xD;
	v45 =	vmov s5;
	v54 =	vld [tilespmem:s0+$0xFFFFFF00];
	[tilespmem:v3+s24+$0x0] =	vst.idx.msk $0xffff, v2  }
0x2ae: {  	v45 =	vshrl.u32 v45, $0x3;
	v5 =	vmov s12;
	v11 =	vld [tilespmem:$0x1FEF0]  }
0x2af: {  	v5 =	vshrl.u32 v5, $0x3;
	v47 =	vshll.u32 v45, v1;
	v21 =	vld [tilespmem:$0x1FF20]  }
0x2b0: {  	v45 =	vshll.u32 v53, v1;
	v46 =	vshll.u32 v43, v1;
	v25 =	vld [tilespmem:$0x1FF50];
	v51 =	vadd.s32 v4, v34  }
0x2b1: {  	v43 =	vshll.u32 v5, v1;
	v29 =	vld [tilespmem:$0x1FF80];
	v53 =	vadd.s32 v23, v41;
	v48 =	vadd.s32 v15, v39  }
0x2b2: {  	s1 =	simm.s32 $0x10;
	s11 =	simm.s32 $0xF;
	v32 =	vld [tilespmem:$0x1FFC0];
	v30 =	vmovc v4;
	v39 =	vmul.f32 $8.000000000e+00, v61;
	v19 =	vmovc v0;
	v41 =	vadd.s32 v0, v40;
	v40 =	vmul.f32 $8.000000000e+00, v62  }
.LBB2_15:
0x2b3: {  	v0 =	vmov s11  }
0x2b4: {  	v2 =	vadd.s32 v11, v37;
	v3 =	vld [tilespmem:s0+$0xFFFFFF40];
	[tilespmem:v55+s24+$0x0] =	vst.idx.msk $0xffff, v39;
	v0 =	vshrl.u32 v0, $0x3  }
0x2b5: {  	[tilespmem:v51+s24+$0x0] =	vst.idx.msk $0xffff, v40;
	v55 =	vld [tilespmem:s0+$0xFFFFFF80];
	v0 =	vshll.u32 v0, v1;
	v5 =	vmul.f32 $8.000000000e+00, v50  }
0x2b6: {  	v36 =	vadd.s32 v21, v36;
	v57 =	vld [tilespmem:s0+$0xFFFFFFC0];
	v40 =	vbroadcast v0, $0x0;
	v4 =	vmul.f32 $8.000000000e+00, v56  }
0x2b7: {  	s0 =	sadd.s32 $0x200, s0;
	v56 =	vmul.f32 $8.000000000e+00, v52;
	v0 =	vmul.f32 $8.000000000e+00, v49;
	v52 =	vld [tilespmem:$0x1FEC0];
	[tilespmem:v48+s24+$0x0] =	vst.idx.msk $0xffff, v5  }
0x2b8: {  	[tilespmem:v53+s24+$0x0] =	vst.idx.msk $0xffff, v4;
	v5 =	vadd.s32 v29, v33;
	v58 =	vld [tilespmem:s0+$0xFFFFFE10]  }
0x2b9: {  	v35 =	vadd.s32 v25, v35;
	v39 =	vmov v38;
	v59 =	vmul.f32 $8.000000000e+00, v54;
	[tilespmem:v2+s24+$0x0] =	vst.idx.msk $0xffff, v0;
	v4 =	vld [tilespmem:s0+$0xFFFFFFD0]  }
0x2ba: {  	[tilespmem:v41+s24+$0x0] =	vst.idx.msk $0xffff, v56;
	v0 =	vmul.f32 $8.000000000e+00, v3;
	v2 =	vadd.s32 v27, v39;
	v3 =	vld [tilespmem:s0+$0xFFFFFE90]  }
0x2bb: {  	v61 =	vadd.s32 v24, v40;
	[tilespmem:v36+s24+$0x0] =	vst.idx.msk $0xffff, v59;
	v60 =	vld [tilespmem:s0+$0xFFFFFE50];
	v38 =	vmul.f32 $8.000000000e+00, v55  }
0x2bc: {  	v48 =	vld [tilespmem:s0+$0xFFFFFED0]  }
0x2bd: {  	v34 =	vadd.s32 v32, v34;
	v41 =	vbroadcast v47, $0x0;
	v55 =	vld [tilespmem:$0x1FF00];
	[tilespmem:v5+s24+$0x0] =	vst.idx.msk $0xffff, v38;
	v5 =	vmul.f32 $8.000000000e+00, v58  }
0x2be: {  	[tilespmem:v35+s24+$0x0] =	vst.idx.msk $0xffff, v0;
	v0 =	vmul.f32 $8.000000000e+00, v57;
	v57 =	vld [tilespmem:$0x1FF30];
	v4 =	vmul.f32 $8.000000000e+00, v4  }
0x2bf: {  	v37 =	vbroadcast v44, $0x0;
	[tilespmem:v2+s24+$0x0] =	vst.idx.msk $0xffff, v5;
	v2 =	vmul.f32 $8.000000000e+00, v3;
	v3 =	vld [tilespmem:$0x1FF60]  }
0x2c0: {  	v36 =	vbroadcast v45, $0x0;
	v62 =	vadd.s32 v31, v41;
	[tilespmem:v61+s24+$0x0] =	vst.idx.msk $0xffff, v4;
	v61 =	vld [tilespmem:$0x1FF90]  }
0x2c1: {  	v35 =	vbroadcast v46, $0x0;
	v53 =	vadd.s32 v52, v37;
	v54 =	vld [tilespmem:s0+$0xFFFFFF10]  }
0x2c2: {  	v42 =	vshll.u32 v42, v1;
	v33 =	vbroadcast v43, $0x0;
	[tilespmem:v34+s24+$0x0] =	vst.idx.msk $0xffff, v0;
	v38 =	vadd.s32 v55, v36;
	v56 =	vld [tilespmem:s0+$0xFFFFFF50]  }
0x2c3: {  	s8 =	sadd.s32 $0x2, s1;
	v34 =	vbroadcast v42, $0x0;
	v59 =	vld [tilespmem:s0+$0xFFFFFF90];
	v0 =	vmul.f32 $8.000000000e+00, v60;
	v58 =	vadd.s32 v57, v35  }
0x2c4: {  	v51 =	vadd.s32 v6, v39;
	v50 =	vmov s8;
	v5 =	vld [tilespmem:s0+$0xFFFFFFE0];
	v3 =	vadd.s32 v3, v33  }
0x2c5: {  	v49 =	vadd.s32 v20, v37;
	[tilespmem:v62+s24+$0x0] =	vst.idx.msk $0xffff, v0;
	v0 =	vmul.f32 $8.000000000e+00, v48;
	v60 =	vld [tilespmem:s0+$0xFFFFFE20];
	v44 =	vadd.s32 v61, v34  }
0x2c6: {  	s5 =	sadd.s32 $0x1, s1;
	s11 =	sadd.s32 $0x4, s1;
	v50 =	vshrl.u32 v50, $0x3;
	v45 =	vadd.s32 v63, v40;
	v62 =	vld [tilespmem:s0+$0xFFFFFE60];
	[tilespmem:v53+s24+$0x0] =	vst.idx.msk $0xffff, v2;
	v2 =	vmul.f32 $8.000000000e+00, v54  }
0x2c7: {  	v47 =	vmov s5;
	v43 =	vmov s11;
	v52 =	vld [tilespmem:s0+$0xFFFFFEA0];
	[tilespmem:v38+s24+$0x0] =	vst.idx.msk $0xffff, v0;
	v0 =	vmul.f32 $8.000000000e+00, v56  }
0x2c8: {  	v47 =	vshrl.u32 v47, $0x3;
	v46 =	vadd.s32 v10, v41;
	v63 =	vld [tilespmem:s0+$0xFFFFFEE0];
	[tilespmem:v58+s24+$0x0] =	vst.idx.msk $0xffff, v2;
	v2 =	vmul.f32 $8.000000000e+00, v59  }
0x2c9: {  	v43 =	vshrl.u32 v43, $0x3;
	v47 =	vshll.u32 v47, v1;
	v54 =	vld [tilespmem:s0+$0xFFFFFF20];
	[tilespmem:v3+s24+$0x0] =	vst.idx.msk $0xffff, v0;
	v0 =	vmul.f32 $8.000000000e+00, v5  }
0x2ca: {  	v42 =	vadd.s32 v8, v36;
	v4 =	vmov s1;
	v5 =	vmul.f32 $8.000000000e+00, v60;
	[tilespmem:v44+s24+$0x0] =	vst.idx.msk $0xffff, v2;
	v55 =	vld [tilespmem:s0+$0xFFFFFF60]  }
0x2cb: {  	v4 =	vshrl.u32 v4, $0x3;
	v61 =	vadd.s32 v7, v35;
	v60 =	vmul.f32 $8.000000000e+00, v62;
	v62 =	vld [tilespmem:s0+$0xFFFFFFA0];
	[tilespmem:v45+s24+$0x0] =	vst.idx.msk $0xffff, v0  }
0x2cc: {  	v0 =	vshll.u32 v4, v1;
	[tilespmem:v51+s24+$0x0] =	vst.idx.msk $0xffff, v5;
	v4 =	vmul.f32 $8.000000000e+00, v52;
	v5 =	vadd.s32 v13, v33;
	v45 =	vld [tilespmem:s0+$0xFFFFFFF0]  }
0x2cd: {  	s9 =	sadd.s32 $0x3, s1;
	v48 =	vadd.s32 v16, v37;
	v63 =	vmul.f32 $8.000000000e+00, v63;
	[tilespmem:v46+s24+$0x0] =	vst.idx.msk $0xffff, v60;
	v46 =	vadd.s32 v28, v34;
	v51 =	vld [tilespmem:s0+$0xFFFFFE30]  }
0x2ce: {  	v38 =	vmov s9;
	v52 =	vld [tilespmem:s0+$0xFFFFFE70];
	[tilespmem:v49+s24+$0x0] =	vst.idx.msk $0xffff, v4;
	v4 =	vmul.f32 $8.000000000e+00, v54;
	v49 =	vadd.s32 v9, v40  }
0x2cf: {  	v53 =	vshrl.u32 v38, $0x3;
	[tilespmem:v42+s24+$0x0] =	vst.idx.msk $0xffff, v63;
	v54 =	vadd.s32 v17, v39;
	v57 =	vld [tilespmem:s0+$0xFFFFFEB0];
	v55 =	vmul.f32 $8.000000000e+00, v55  }
0x2d0: {  	s12 =	sadd.s32 $0x5, s1;
	s30 =	sadd.s32 $0x6, s1;
	v58 =	vadd.s32 v12, v41;
	v41 =	vadd.s32 v19, v41;
	v59 =	vld [tilespmem:s0+$0xFFFFFEF0];
	[tilespmem:v61+s24+$0x0] =	vst.idx.msk $0xffff, v4;
	v4 =	vmul.f32 $8.000000000e+00, v62  }
0x2d1: {  	v3 =	vmov s12;
	v2 =	vmov s30;
	v60 =	vld [tilespmem:s0+$0xFFFFFF30];
	[tilespmem:v5+s24+$0x0] =	vst.idx.msk $0xffff, v55;
	v5 =	vmul.f32 $8.000000000e+00, v45  }
0x2d2: {  	v42 =	vshrl.u32 v2, $0x3;
	v61 =	vadd.s32 v18, v36;
	v2 =	vmul.f32 $8.000000000e+00, v51;
	[tilespmem:v46+s24+$0x0] =	vst.idx.msk $0xffff, v4;
	v62 =	vld [tilespmem:s0+$0xFFFFFF70]  }
0x2d3: {  	p0 =	slt.u32 s1, $0x78;
	v38 =	vbroadcast v0, $0x0;
	v0 =	vmul.f32 $8.000000000e+00, v52;
	v4 =	vadd.s32 v22, v35;
	v63 =	vld [tilespmem:s0+$0xFFFFFFB0];
	[tilespmem:v49+s24+$0x0] =	vst.idx.msk $0xffff, v5  }
.Ltmp6:
0x2d4: {  	v44 =	vshll.u32 v50, v1;
	v3 =	vshrl.u32 v3, $0x3;
	[tilespmem:v54+s24+$0x0] =	vst.idx.msk $0xffff, v2;
	v2 =	vmul.f32 $8.000000000e+00, v57;
	v56 =	vld [tilespmem:s0+$0x0];
	(pc) =	sbr.rel @p0 .LBB2_15-.Ltmp6, $4  }
0x2d5: {  	v55 =	vadd.s32 v26, v33;
	v51 =	vadd.s32 v30, v34;
	[tilespmem:v58+s24+$0x0] =	vst.idx.msk $0xffff, v0;
	v0 =	vmul.f32 $8.000000000e+00, v59;
	v50 =	vld [tilespmem:s0+$0xFFFFFE40]  }
0x2d6: {  	v45 =	vshll.u32 v53, v1;
	v53 =	vadd.s32 v23, v40;
	v52 =	vld [tilespmem:s0+$0xFFFFFE80];
	[tilespmem:v48+s24+$0x0] =	vst.idx.msk $0xffff, v2;
	v2 =	vmul.f32 $8.000000000e+00, v60  }
0x2d7: {  	v46 =	vshll.u32 v43, v1;
	v43 =	vshll.u32 v3, v1;
	[tilespmem:v61+s24+$0x0] =	vst.idx.msk $0xffff, v0;
	v49 =	vld [tilespmem:s0+$0xFFFFFEC0]  }
0x2d8: {  	s11 =	sadd.s32 $0x7, s1;
	s1 =	sadd.s32 $0x8, s1;
	v48 =	vadd.s32 v15, v39;
	v54 =	vld [tilespmem:s0+$0xFFFFFF00];
	v39 =	vmul.f32 $8.000000000e+00, v62;
	[tilespmem:v4+s24+$0x0] =	vst.idx.msk $0xffff, v2;
	v40 =	vmul.f32 $8.000000000e+00, v63;
	v63 =	vmovc v14  }
0x2d9: {  	_ =	sdelay $0x3  }
0x2da: {  	v2 =	vadd.s32 v11, v37;
	v3 =	vld [tilespmem:s0+$0xFFFFFF40];
	v4 =	vmul.f32 $8.000000000e+00, v56;
	[tilespmem:v55+s24+$0x0] =	vst.idx.msk $0xffff, v39  }
0x2db: {  	v36 =	vadd.s32 v21, v36;
	v5 =	vmul.f32 $8.000000000e+00, v50;
	[tilespmem:v51+s24+$0x0] =	vst.idx.msk $0xffff, v40  }
0x2dc: {  	v35 =	vadd.s32 v25, v35;
	v59 =	vmul.f32 $8.000000000e+00, v52;
	[tilespmem:v53+s24+$0x0] =	vst.idx.msk $0xffff, v4  }
0x2dd: {  	[tilespmem:v48+s24+$0x0] =	vst.idx.msk $0xffff, v5;
	v5 =	vmul.f32 $8.000000000e+00, v49  }
0x2de: {  	[tilespmem:v41+s24+$0x0] =	vst.idx.msk $0xffff, v59;
	v61 =	vmul.f32 $8.000000000e+00, v54  }
0x2df: {  	v58 =	vld [tilespmem:s0+$0xFFFFFF80];
	[tilespmem:v2+s24+$0x0] =	vst.idx.msk $0xffff, v5;
	v2 =	vmul.f32 $8.000000000e+00, v3  }
0x2e0: {  	[tilespmem:v36+s24+$0x0] =	vst.idx.msk $0xffff, v61  }
0x2e1: {  	v33 =	vadd.s32 v29, v33;
	[tilespmem:v35+s24+$0x0] =	vst.idx.msk $0xffff, v2  }
0x2e2: {  	v14 =	vld [tilespmem:$0x1FEC0];
	_ =	sdelay $0x1  }
0x2e3: {  	v0 =	vmov s11;
	v40 =	vld [tilespmem:s0+$0xFFFFFFC0];
	v53 =	vmul.f32 $8.000000000e+00, v58  }
0x2e4: {  	s1 =	sadd.s32 $0x200, s0;
	v44 =	vbroadcast v44, $0x0;
	v0 =	vshrl.u32 v0, $0x3  }
0x2e5: {  	v34 =	vadd.s32 v32, v34;
	v0 =	vshll.u32 v0, v1;
	v4 =	vld [tilespmem:s1+$0xFFFFFFD0];
	[tilespmem:v33+s24+$0x0] =	vst.idx.msk $0xffff, v53  }
0x2e6: {  	v0 =	vbroadcast v0, $0x0;
	v56 =	vadd.s32 v14, v44;
	v14 =	vld [tilespmem:$0x1FF00]  }
0x2e7: {  	v60 =	vld [tilespmem:s1+$0xFFFFFE10]  }
0x2e8: {  	v47 =	vbroadcast v47, $0x0;
	v62 =	vld [tilespmem:s1+$0xFFFFFE50];
	v52 =	vadd.s32 v24, v0;
	v2 =	vmul.f32 $8.000000000e+00, v40  }
0x2e9: {  	v45 =	vbroadcast v45, $0x0;
	v3 =	vadd.s32 v27, v38  }
0x2ea: {  	v54 =	vadd.s32 v31, v47;
	[tilespmem:v34+s24+$0x0] =	vst.idx.msk $0xffff, v2  }
0x2eb: {  	v4 =	vmul.f32 $8.000000000e+00, v4;
	v59 =	vadd.s32 v14, v45;
	v14 =	vld [tilespmem:$0x1FF30]  }
0x2ec: {  	v58 =	vmul.f32 $8.000000000e+00, v60  }
0x2ed: {  	v55 =	vld [tilespmem:s1+$0xFFFFFED0];
	v2 =	vmul.f32 $8.000000000e+00, v62;
	[tilespmem:v52+s24+$0x0] =	vst.idx.msk $0xffff, v4  }
0x2ee: {  	v46 =	vbroadcast v46, $0x0;
	v5 =	vld [tilespmem:s1+$0xFFFFFE90];
	[tilespmem:v3+s24+$0x0] =	vst.idx.msk $0xffff, v58  }
0x2ef: {  	v4 =	vld [tilespmem:$0x1FF60];
	[tilespmem:v54+s24+$0x0] =	vst.idx.msk $0xffff, v2  }
0x2f0: {  	v61 =	vadd.s32 v14, v46;
	v14 =	vld [tilespmem:$0x1FF90]  }
0x2f1: {  	v57 =	vld [tilespmem:s1+$0xFFFFFF10]  }
0x2f2: {  	v42 =	vshll.u32 v42, v1;
	v43 =	vbroadcast v43, $0x0;
	v60 =	vld [tilespmem:s1+$0xFFFFFF50]  }
0x2f3: {  	v42 =	vbroadcast v42, $0x0;
	v62 =	vld [tilespmem:s1+$0xFFFFFF90]  }
0x2f4: {  	v3 =	vmul.f32 $8.000000000e+00, v5;
	v5 =	vld [tilespmem:s1+$0xFFFFFFE0];
	v4 =	vadd.s32 v4, v43  }
0x2f5: {  	v33 =	vld [tilespmem:s1+$0xFFFFFE20];
	v2 =	vmul.f32 $8.000000000e+00, v55;
	v52 =	vadd.s32 v14, v42  }
0x2f6: {  	v54 =	vadd.s32 v63, v0;
	v53 =	vld [tilespmem:s1+$0xFFFFFE60];
	[tilespmem:v56+s24+$0x0] =	vst.idx.msk $0xffff, v3;
	v3 =	vmul.f32 $8.000000000e+00, v57  }
0x2f7: {  	v55 =	vadd.s32 v6, v38;
	[tilespmem:v59+s24+$0x0] =	vst.idx.msk $0xffff, v2;
	v2 =	vmul.f32 $8.000000000e+00, v60;
	v56 =	vld [tilespmem:s1+$0xFFFFFEA0]  }
0x2f8: {  	v57 =	vadd.s32 v10, v47;
	v58 =	vld [tilespmem:s1+$0xFFFFFEE0];
	[tilespmem:v61+s24+$0x0] =	vst.idx.msk $0xffff, v3;
	v3 =	vmul.f32 $8.000000000e+00, v62  }
0x2f9: {  	v59 =	vadd.s32 v20, v44;
	v60 =	vld [tilespmem:s1+$0xFFFFFF20];
	[tilespmem:v4+s24+$0x0] =	vst.idx.msk $0xffff, v2;
	v2 =	vmul.f32 $8.000000000e+00, v5  }
0x2fa: {  	v4 =	vmul.f32 $8.000000000e+00, v33;
	v5 =	vadd.s32 v8, v45;
	v61 =	vld [tilespmem:s1+$0xFFFFFF60];
	[tilespmem:v52+s24+$0x0] =	vst.idx.msk $0xffff, v3  }
0x2fb: {  	v62 =	vadd.s32 v7, v46;
	[tilespmem:v54+s24+$0x0] =	vst.idx.msk $0xffff, v2;
	v3 =	vmul.f32 $8.000000000e+00, v53;
	v52 =	vld [tilespmem:s1+$0xFFFFFFA0]  }
0x2fc: {  	[tilespmem:v55+s24+$0x0] =	vst.idx.msk $0xffff, v4;
	v2 =	vmul.f32 $8.000000000e+00, v56;
	v4 =	vadd.s32 v13, v43;
	v35 =	vld [tilespmem:s1+$0xFFFFFFF0]  }
0x2fd: {  	v40 =	vld [tilespmem:s1+$0xFFFFFE30];
	v53 =	vadd.s32 v28, v42;
	[tilespmem:v57+s24+$0x0] =	vst.idx.msk $0xffff, v3;
	v3 =	vmul.f32 $8.000000000e+00, v58  }
0x2fe: {  	v55 =	vadd.s32 v9, v0;
	[tilespmem:v59+s24+$0x0] =	vst.idx.msk $0xffff, v2;
	v2 =	vmul.f32 $8.000000000e+00, v60;
	v54 =	vld [tilespmem:s1+$0xFFFFFE70]  }
0x2ff: {  	v56 =	vadd.s32 v17, v38;
	v57 =	vld [tilespmem:s1+$0xFFFFFEB0];
	[tilespmem:v5+s24+$0x0] =	vst.idx.msk $0xffff, v3;
	v3 =	vmul.f32 $8.000000000e+00, v61  }
0x300: {  	[tilespmem:v62+s24+$0x0] =	vst.idx.msk $0xffff, v2;
	v5 =	vadd.s32 v12, v47;
	v58 =	vld [tilespmem:s1+$0xFFFFFEF0];
	v2 =	vmul.f32 $8.000000000e+00, v52  }
0x301: {  	v59 =	vadd.s32 v16, v44;
	v60 =	vld [tilespmem:s1+$0xFFFFFF30];
	[tilespmem:v4+s24+$0x0] =	vst.idx.msk $0xffff, v3;
	v3 =	vmul.f32 $8.000000000e+00, v35  }
0x302: {  	v61 =	vadd.s32 v18, v45;
	v4 =	vmul.f32 $8.000000000e+00, v40;
	v62 =	vld [tilespmem:s1+$0xFFFFFF70];
	[tilespmem:v53+s24+$0x0] =	vst.idx.msk $0xffff, v2  }
0x303: {  	v22 =	vadd.s32 v22, v46;
	v2 =	vmul.f32 $8.000000000e+00, v54;
	[tilespmem:v55+s24+$0x0] =	vst.idx.msk $0xffff, v3;
	v52 =	vld [tilespmem:s1+$0xFFFFFFB0]  }
0x304: {  	[tilespmem:v56+s24+$0x0] =	vst.idx.msk $0xffff, v4;
	v3 =	vmul.f32 $8.000000000e+00, v57;
	v4 =	vadd.s32 v26, v43;
	v34 =	vld [tilespmem:s1+$0x0]  }
0x305: {  	v41 =	vld [tilespmem:s1+$0xFFFFFE40];
	[tilespmem:v5+s24+$0x0] =	vst.idx.msk $0xffff, v2;
	v2 =	vmul.f32 $8.000000000e+00, v58;
	v5 =	vadd.s32 v30, v42  }
0x306: {  	v0 =	vadd.s32 v23, v0;
	[tilespmem:v59+s24+$0x0] =	vst.idx.msk $0xffff, v3;
	v3 =	vmul.f32 $8.000000000e+00, v60;
	v53 =	vld [tilespmem:s1+$0xFFFFFE80]  }
0x307: {  	v54 =	vadd.s32 v15, v38;
	v55 =	vld [tilespmem:s1+$0xFFFFFEC0];
	[tilespmem:v61+s24+$0x0] =	vst.idx.msk $0xffff, v2;
	v2 =	vmul.f32 $8.000000000e+00, v62  }
0x308: {  	v56 =	vadd.s32 v19, v47;
	[tilespmem:v22+s24+$0x0] =	vst.idx.msk $0xffff, v3;
	v57 =	vld [tilespmem:s1+$0xFFFFFF00];
	v3 =	vmul.f32 $8.000000000e+00, v52  }
0x309: {  	v58 =	vadd.s32 v11, v44;
	v59 =	vld [tilespmem:s1+$0xFFFFFF40];
	[tilespmem:v4+s24+$0x0] =	vst.idx.msk $0xffff, v2;
	v2 =	vmul.f32 $8.000000000e+00, v34  }
0x30a: {  	v60 =	vadd.s32 v21, v45;
	v4 =	vmul.f32 $8.000000000e+00, v41;
	v61 =	vld [tilespmem:s1+$0xFFFFFF80];
	[tilespmem:v5+s24+$0x0] =	vst.idx.msk $0xffff, v3  }
0x30b: {  	v3 =	vmul.f32 $8.000000000e+00, v53;
	v5 =	vadd.s32 v25, v46;
	[tilespmem:v0+s24+$0x0] =	vst.idx.msk $0xffff, v2;
	v62 =	vld [tilespmem:s1+$0xFFFFFFC0]  }
0x30c: {  	[tilespmem:v54+s24+$0x0] =	vst.idx.msk $0xffff, v4;
	v0 =	vmul.f32 $8.000000000e+00, v55;
	v2 =	vadd.s32 v29, v43  }
0x30d: {  	v4 =	vadd.s32 v32, v42;
	[tilespmem:v56+s24+$0x0] =	vst.idx.msk $0xffff, v3;
	v3 =	vmul.f32 $8.000000000e+00, v57  }
0x30e: {  	[tilespmem:v58+s24+$0x0] =	vst.idx.msk $0xffff, v0;
	v0 =	vmul.f32 $8.000000000e+00, v59  }
0x30f: {  	s5 =	sshll.u32 s31, $0x12;
	[tilespmem:v60+s24+$0x0] =	vst.idx.msk $0xffff, v3;
	v3 =	vmul.f32 $8.000000000e+00, v61  }
0x310: {  	s0 =	sor.u32 s6, s5;
	[tilespmem:v5+s24+$0x0] =	vst.idx.msk $0xffff, v0;
	v0 =	vmul.f32 $8.000000000e+00, v62  }
0x311: {  	s0 =	sshrl.u32 s0, $0x3;
	[tilespmem:v2+s24+$0x0] =	vst.idx.msk $0xffff, v3  }
0x312: {  	s8 =	simm.s32 $0x14A00;
	s1 =	sadd.s32 s2, s0;
	[tilespmem:v4+s24+$0x0] =	vst.idx.msk $0xffff, v0  }
0x313: {  	[hbm4b:s1+s3] =	stream.linear.scatter [tilespmem:s8], [sflag:$0x8], $0x80, $0x38;
	[tilespmem:$0x16C00] =	vst v63  }
0x314: {  	s9 =	simm.s32 $0x14A88;
	s5 =	sadd.s32 $0x10, s1  }
0x315: {  	[hbm4b:s5+s3] =	stream.linear.scatter [tilespmem:s9], [sflag:$0x8], $0x80, $0x38;
	[tilespmem:$0x16C00] =	vst v63  }
0x316: {  	s11 =	simm.s32 $0x14B10;
	s30 =	simm.s32 $0x14B98;
	s12 =	sadd.s32 $0x20, s1  }
0x317: {  	[hbm4b:s12+s3] =	stream.linear.scatter [tilespmem:s11], [sflag:$0x8], $0x80, $0x38;
	[tilespmem:$0x16C00] =	vst v63  }
0x318: {  	s0 =	simm.s32 $0x440;
	s31 =	sadd.s32 $0x30, s1;
	s8 =	simm.s32 $0x14C20  }
0x319: {  	[hbm4b:s31+s3] =	stream.linear.scatter [tilespmem:s30], [sflag:$0x8], $0x80, $0x38;
	[tilespmem:$0x16C00] =	vst v63  }
0x31a: {  	s9 =	sadd.s32 $0x40, s1;
	s5 =	simm.s32 $0x14DB8;
	s11 =	simm.s32 $0x14CA8  }
0x31b: {  	[hbm4b:s9+s3] =	stream.linear.scatter [tilespmem:s8], [sflag:$0x8], $0x80, $0x38;
	[tilespmem:$0x16C00] =	vst v63  }
0x31c: {  	s12 =	sadd.s32 $0x50, s1;
	s30 =	simm.s32 $0x14D30;
	s31 =	sadd.s32 $0x60, s1  }
0x31d: {  	[hbm4b:s12+s3] =	stream.linear.scatter [tilespmem:s11], [sflag:$0x8], $0x80, $0x38;
	[tilespmem:$0x16C00] =	vst v63  }
0x31e: {  	v14 =	vmovc v28;
	v29 =	vmov v20;
	v25 =	vmov v8;
	v61 =	vmov v7;
	s8 =	sadd.s32 $0x70, s1;
	s1 =	sadd.s32 $0x1000, s1;
	s11 =	simm.s32 $0x2200  }
0x31f: {  	v5 =	vmovc v13;
	v2 =	vmovc v17;
	v17 =	vmov v11;
	v62 =	vmov v9;
	v0 =	vmov v6;
	[hbm4b:s31+s3] =	stream.linear.scatter [tilespmem:s30], [sflag:$0x8], $0x80, $0x38;
	[tilespmem:$0x16C00] =	vst v63  }
.LBB2_17:
0x320: {  	[hbm4b:s8+s3] =	stream.linear.scatter [tilespmem:s5], [sflag:$0x8], $0x80, $0x38;
	[tilespmem:$0x16C00] =	vst v63  }
0x321: {  	s5 =	smov.u32 s0;
	s0 =	smov.u32 s11  }
0x322: {  	s9 =	sadd.s32 $0x1100, s11;
	s0 =	sshra.s32 s0, $0x2;
	s8 =	sadd.s32 $0x14A00, s5  }
0x323: {  	[hbm4b:s1+s3] =	stream.linear.scatter [tilespmem:s8], [sflag:$0x8], $0x80, $0x38;
	[tilespmem:$0x16C00] =	vst v63  }
0x324: {  	p0 =	sne.s32 s11, $0x7700;
	s11 =	sadd.s32 $0x10, s1;
	s8 =	sadd.s32 $0x14A88, s5  }
0x325: {  	[hbm4b:s11+s3] =	stream.linear.scatter [tilespmem:s8], [sflag:$0x8], $0x80, $0x38;
	[tilespmem:$0x16C00] =	vst v63  }
0x326: {  	s8 =	sadd.s32 $0x14B10, s5;
	s11 =	sadd.s32 $0x20, s1  }
0x327: {  	[hbm4b:s11+s3] =	stream.linear.scatter [tilespmem:s8], [sflag:$0x8], $0x80, $0x38;
	[tilespmem:$0x16C00] =	vst v63  }
0x328: {  	s8 =	sadd.s32 $0x14B98, s5;
	s11 =	sadd.s32 $0x30, s1  }
0x329: {  	[hbm4b:s11+s3] =	stream.linear.scatter [tilespmem:s8], [sflag:$0x8], $0x80, $0x38;
	[tilespmem:$0x16C00] =	vst v63  }
0x32a: {  	s8 =	sadd.s32 $0x14C20, s5;
	s11 =	sadd.s32 $0x40, s1  }
0x32b: {  	[hbm4b:s11+s3] =	stream.linear.scatter [tilespmem:s8], [sflag:$0x8], $0x80, $0x38;
	[tilespmem:$0x16C00] =	vst v63  }
.Ltmp7:
0x32c: {  	s8 =	sadd.s32 $0x14CA8, s5;
	s11 =	sadd.s32 $0x50, s1;
	(pc) =	sbr.rel @p0 .LBB2_17-.Ltmp7, $4  }
0x32d: {  	[hbm4b:s11+s3] =	stream.linear.scatter [tilespmem:s8], [sflag:$0x8], $0x80, $0x38;
	[tilespmem:$0x16C00] =	vst v63  }
0x32e: {  	s8 =	sadd.s32 $0x14D30, s5;
	s11 =	sadd.s32 $0x60, s1;
	s5 =	sadd.s32 $0x14DB8, s5  }
0x32f: {  	[hbm4b:s11+s3] =	stream.linear.scatter [tilespmem:s8], [sflag:$0x8], $0x80, $0x38;
	[tilespmem:$0x16C00] =	vst v63  }
0x330: {  	s8 =	sadd.s32 $0x70, s1;
	s1 =	sadd.s32 $0x1000, s1;
	s11 =	smov.u32 s9  }
0x331: {  	[hbm4b:s8+s3] =	stream.linear.scatter [tilespmem:s5], [sflag:$0x8], $0x80, $0x38;
	[tilespmem:$0x16C00] =	vst v63  }
0x332: {  	s12 =	sadd.s32 $0x14A00, s0  }
0x333: {  	v9 =	vld [tilespmem:$0x1FE50];
	[hbm4b:s1+s3] =	stream.linear.scatter [tilespmem:s12], [sflag:$0x8], $0x80, $0x38  }
0x334: {  	s30 =	sadd.s32 $0x14A88, s0;
	s31 =	sadd.s32 $0x10, s1;
	v12 =	vld [tilespmem:$0x1FE80]  }
0x335: {  	v13 =	vld [tilespmem:$0x1FE90];
	[hbm4b:s31+s3] =	stream.linear.scatter [tilespmem:s30], [sflag:$0x8], $0x80, $0x38  }
0x336: {  	s8 =	sadd.s32 $0x14B10, s0;
	s9 =	sadd.s32 $0x20, s1;
	v16 =	vld [tilespmem:$0x1FEB0]  }
0x337: {  	v6 =	vld [tilespmem:$0x1FEC0];
	[hbm4b:s9+s3] =	stream.linear.scatter [tilespmem:s8], [sflag:$0x8], $0x80, $0x38  }
0x338: {  	s11 =	sadd.s32 $0x14B98, s0;
	v24 =	vld [tilespmem:$0x1FEE0];
	s12 =	sadd.s32 $0x30, s1  }
0x339: {  	v28 =	vld [tilespmem:$0x1FF00];
	[hbm4b:s12+s3] =	stream.linear.scatter [tilespmem:s11], [sflag:$0x8], $0x80, $0x38  }
0x33a: {  	s29 =	sadd.s32 $0x1, s29;
	v11 =	vld [tilespmem:$0x1FF20];
	s30 =	sadd.s32 $0x14C20, s0;
	s31 =	sadd.s32 $0x40, s1  }
0x33b: {  	v4 =	vld [tilespmem:$0x1FF30];
	[hbm4b:s31+s3] =	stream.linear.scatter [tilespmem:s30], [sflag:$0x8], $0x80, $0x38  }
0x33c: {  	v7 =	vld [tilespmem:$0x1FF50];
	p0 =	sne.s32 s29, $0x32;
	s8 =	sadd.s32 $0x14CA8, s0;
	s9 =	sadd.s32 $0x50, s1  }
0x33d: {  	v32 =	vld [tilespmem:$0x1FF60];
	[hbm4b:s9+s3] =	stream.linear.scatter [tilespmem:s8], [sflag:$0x8], $0x80, $0x38  }
.Ltmp8:
0x33e: {  	v31 =	vld [tilespmem:$0x1FF80];
	(pc) =	sbr.rel @p0 .LBB2_2-.Ltmp8, $4  }
0x33f: {  	v27 =	vld [tilespmem:$0x1FF90];
	s11 =	sadd.s32 $0x14D30, s0;
	s12 =	sadd.s32 $0x60, s1  }
0x340: {  	v8 =	vld [tilespmem:$0x1FFC0];
	[hbm4b:s12+s3] =	stream.linear.scatter [tilespmem:s11], [sflag:$0x8], $0x80, $0x38  }
0x341: {  	v23 =	vld [tilespmem:$0x1FFD0];
	s30 =	sadd.s32 $0x14DB8, s0;
	s31 =	sadd.s32 $0x70, s1  }
0x342: {  	v19 =	vld [tilespmem:$0x1FFE0];
	[hbm4b:s31+s3] =	stream.linear.scatter [tilespmem:s30], [sflag:$0x8], $0x80, $0x38  }
0x343: {  	_ =	swait.ge [sflag:s25], $0x2000  }
0x344: {  	[sflag:s25] =	ssyncset.done $0x0  }
0x345: {  	[sflag:s25] =	ssyncadd.s32 $0xFFFFE000  }
0x346: {  	_ =	swait.ge [sflag:s26], $0x2000  }
0x347: {  	s28 =	sadd.s32 $0x1, s28;
	s0 =	rddreg [dreg:$0x4]  }
0x348: {  	p0 =	sne.s32 s28, s0  }
.Ltmp9:
0x349: {  	_ = 	snop;
	(pc) =	sbr.rel @p0 .LBB2_1-.Ltmp9, $3  }
0x34a: {  	_ =	sdelay $0x1  }
0x34b: {  	[sflag:s26] =	ssyncset.done $0x0  }
0x34c: {  	[sflag:s26] =	ssyncadd.s32 $0xFFFFE000  }
0x34d: {  	_ =	sfence.sel $0x180000  }
0x34e: {  	[bflag:$0x0] =	sbarrier.arrive $0xFFFF  }
0x34f: {  	_ =	strace $0x9000004A  }
0x350: {  	s0 =	stileid.u32;
	[bflag:$0x2] =	sbarrier.arrive $0xFFFF  }
0x351: {  	p0 =	sne.s32 s0, $0x0;
	s0 =	rddreg [dreg:$0x2]  }
0x352: {  	s0 =	sadd.s32 @!p0 $0x100000, s0  }
0x353: {  	[sflag:s0] =	ssyncadd.tile.s32 @!p0 $0x1;
	_ =	shalt  }
.Lfunc_end2:
_tile_overlayer_lowered:
.L_overlay_start_2:
0x354: {  	(tag) =	ssettag $0x2  }
0x355: {  	s0 =	rddreg [dreg:$0x0];
	s2 =	stileid.u32  }
0x356: {  	s1 =	rddreg [dreg:$0x1];
	p0 =	sne.s32 s2, $0x0  }
0x357: {  	s3 =	rddreg [dreg:$0x2];
	[bflag:$0x3] =	sbarrier.arrive $0xFFFF;
	s2 =	simm.s32 @!p0 $0x1C09  }
0x358: {  	[timem:s3], [sflag:s2] =	dma.local @!p0 [hbm:s0], s1  }
0x359: {  	s0 =	simm.s32 @!p0 $0x9  }
0x35a: {  	_ =	swait.ge @!p0 [sflag:s0], s1  }
0x35b: {  	s1 =	ssub.s32 @!p0 $0x0, s1;
	[sflag:s0] =	ssyncset.done @!p0 $0x0  }
0x35c: {  	[sflag:s0] =	ssyncadd.s32 @!p0 s1  }
0x35d: {  	[bflag:$0x3] =	sbarrier.arrive $0xFFFF  }
0x35e: {  	_ =	shalt  }

// kernel: sparse-core-data-format-call.cloned.1.call-start
scs
called_computation_lowered:
.L_overlay_start_0:
0x0: {  	s2 =	sld [smem:$0x3FD9]  }
0x1: {  	s3 =	sld [smem:$0x3FFE];
	_ =	sdelay $0x1  }
0x2: {  	s1 =	srdreg.scid  }
0x3: {  	s0 =	sand.u32 $0x1, s1  }
0x4: {  	s18 =	sshll.u32 s0, $0xA;
	s2 =	sadd.s32 s3, s2  }
0x5: {  	s2 =	sadd.s32 s2, s18  }
0x6: {  	[smem:$0x3FC6] =	sst s2  }
0x7: {  	_ = 	snop  }
0x8: {  	s2 =	sld [smem:$0x3FC8];
	(tm) =	ssettm $0x1  }
0x9: {  	s19 =	sld [smem:$0x3FFB];
	_ =	sdelay $0x3  }
0xa: {  	_ =	strace s19  }
0xb: {  	s3 =	sld [smem:$0x3FFC];
	_ =	sdelay $0x3  }
0xc: {  	_ =	strace s3  }
0xd: {  	s3 =	sld [smem:$0x3FFD];
	_ =	sdelay $0x3  }
0xe: {  	_ =	strace s3  }
0xf: {  	_ =	strace $0x8FFFFFFF  }
0x10: {  	s20 =	sld [smem:$0x3FDB];
	_ =	sdelay $0x1  }
0x11: {  	s4 =	simm.s32 $_scs_section_size  }
0x12: {  	s5 =	simm.s32 $_size__tile_overlayer_lowered;
	s6 =	simm.s32 $_tile_overlayer_lowered  }
0x13: {  	s23 =	simm.s32 $0x1BFF;
	s22 =	sshll.u32 s6, $0x1;
	s3 =	sadd.s32 s4, s20  }
0x14: {  	s7 =	simm.s32 $0x0;
	s21 =	sshll.u32 s5, $0x1;
	s5 =	sadd.s32 s22, s3  }
0x15: {  	[timem:s7], [sflag:s23] =	dma.local [hbm:s5], s21  }
0x16: {  	_ =	swait.ge [sflag:s23], s21  }
0x17: {  	s4 =	ssub.s32 $0x0, s21;
	[sflag:s23] =	ssyncset.done $0x0  }
0x18: {  	[sflag:s23] =	ssyncadd.s32 s4;
	_ =	sdelay $0x1  }
0x19: {  	s24 =	simm.s32 $0x1B8B  }
0x1a: {  	_ =	swait.ge [sflag:s24], $0x1  }
0x1b: {  	[sflag:s24] =	ssyncset.done $0x0  }
0x1c: {  	s26 =	simm.s32 $0x1B8E;
	s25 =	sld [smem:$0x3FFE];
	[sflag:s24] =	ssyncadd.s32 $0xFFFFFFFF  }
0x1d: {  	s27 =	simm.s32 $execute0_lowered;
	[smem:$0x3FD2] =	sst s26  }
0x1e: {  	s5 =	sshll.u32 s27, $0x1;
	_ =	strace $0x80000046;
	[dreg:$0x1] =	wrdreg $0xFFFFFFFF  }
0x1f: {  	s28 =	simm.s32 $_size_execute0_lowered;
	s3 =	sadd.s32 s3, s5;
	[dreg:$0x0] =	wrdreg $0x0  }
0x20: {  	s5 =	sshll.u32 s28, $0x1;
	[dreg:$0x2] =	wrdreg s3  }
0x21: {  	[dreg:$0x3] =	wrdreg s5  }
0x22: {  	[dreg:$0x4] =	wrdreg $0xC0  }
0x23: {  	_ =	task [dreg:s7], $0x5FFFF  }
0x24: {  	[dreg:$0x1] =	wrdreg $0xFFFFFFFF  }
0x25: {  	[dreg:$0x0] =	wrdreg $0x60  }
0x26: {  	[dreg:$0x2] =	wrdreg s2  }
0x27: {  	[dreg:$0x3] =	wrdreg s25  }
0x28: {  	[dreg:$0x4] =	wrdreg $0x9  }
0x29: {  	_ =	task.clear_ibuf [dreg:s7], $0x5FFFF;
	_ =	strace $0x90000046  }
0x2a: {  	s29 =	simm.s32 $0x9;
	_ =	strace $0x80000048  }
0x2b: {  	_ =	swait.ge [sflag:s29], $0x1  }
0x2c: {  	[sflag:s29] =	ssyncadd.s32 $0xFFFFFFFF  }
0x2d: {  	_ =	strace $0x90000048  }
0x2e: {  	_ =	sfence  }
0x2f: {  	s30 =	sld [smem:$0x0];
	_ =	sdelay $0x2  }
0x30: {  	s31 =	sshll.u32 s1, $0xD;
	s1 =	sshrl.u32 s1, $0x2  }
0x31: {  	s3 =	sand.u32 $0x4000, s31;
	s1 =	sadd.s32 s1, s30  }
0x32: {  	s0 =	sor.u32 s3, s0;
	s1 =	sshll.u32 s1, $0x11  }
0x33: {  	s0 =	sor.u32 s1, s0  }
0x34: {  	s0 =	sadd.s32 $0x8F2B, s0  }
0x35: {  	[sflag:s0] =	ssyncadd.remote.s32 $0x1  }
0x36: {  	_ =	sfence.sel $0xFFFF  }
0x37: {  	[dreg:$0x0] =	wrdreg $0xFFFFFFFF;
	(pc) =	sbr.abs _section_cstart, $3  }
0x38: {  	[dreg:$0x1] =	wrdreg $0xFFFFFFFF  }
0x39: {  	_ =	task.clear_ibuf [dreg:s7], $0x2FFFF;
	_ =	strace $0x9FFFFFFF  }
0x3a: {  	(tm) =	ssettm $0x7FFFFFFF  }
0x3b: {  	_ =	shalt  }
tec
execute0_lowered:
.L_overlay_start_1:
0x0: {  	(tag) =	ssettag $0x1  }
0x1: {  	s0 =	srdreg.scid;
	s2 =	rddreg [dreg:$0x0]  }
0x2: {  	s5 =	rddreg [dreg:$0x1];
	s1 =	stileid.u32  }
0x3: {  	s4 =	simm.s32 $0x1;
	s6 =	simm.s32 $0x2;
	s15 =	simm.s32 $0x0  }
0x4: {  	p0 =	por $0x0, $0x0;
	s8 =	simm.s32 $0x80;
	s0 =	sshll.u32 s0, $0x4  }
0x5: {  	s14 =	simm.s32 $0x0;
	s9 =	simm.s32 $0x0;
	s3 =	sand.u32 $0x10, s0  }
.Ltmp0:
0x6: {  	s10 =	simm.s32 $0x0;
	s3 =	sor.u32 s1, s3;
	(pc) =	sbr.rel .LBB1_1-.Ltmp0, $4  }
0x7: {  	s0 =	rddreg [dreg:$0x2];
	_ =	strace $0x80000047;
	s3 =	sshll.u32 s3, $0x7  }
0x8: {  	s12 =	simm.s32 $0x0;
	[sflag:s4] =	ssyncpa.u1 $0x0;
	s7 =	ssub.s32 $0xF4200, s3  }
0x9: {  	s13 =	simm.s32 $0x0;
	[sflag:s6] =	ssyncpa.u1 $0x0;
	s6 =	sshrl.u32 s7, $0xC  }
0xa: {  	s5 =	sadd.s32 $0xA00, s5;
	s11 =	smov.u32 s3;
	s7 =	sadd.s32 $0x2, s6  }
.LBB1_5:
0xb: {  	p1 =	slt.u32 s13, $0x2  }
0xc: {  	s17 =	smov.u32 s15;
	p2 =	sgt.s32 @!p1 s15, $0xF41C0;
	s16 =	sshra.s32 @!p1 s15, $0x1F  }
0xd: {  	p3 =	sgt.s32 @!p1 s14, $0x40;
	s18 =	sshra.s32 @!p1 s14, $0x1F;
	p2 =	por !p2, p1  }
0xe: {  	s15 =	sand.u32 @!p1 s16, s15;
	p3 =	por !p3, p1;
	s16 =	smov.u32 s14  }
0xf: {  	s14 =	sand.u32 @!p1 s18, s14;
	s17 =	simm.s32 @p2 $0xF41C0;
	s16 =	simm.s32 @p3 $0x40  }
0x10: {  	s15 =	ssub.s32 @!p1 s17, s15;
	s14 =	ssub.s32 @!p1 s16, s14  }
0x11: {  	s18 =	smov.u32 s12;
	s16 =	sadd.s32 @!p1 $0xFFF0BE40, s15;
	s17 =	sadd.s32 @!p1 $0xFFFFFFC0, s14  }
0x12: {  	s15 =	ssub.s32 @!p1 $0xF4240, s15;
	p2 =	sgt.s32 @!p1 s16, $0x7F;
	p3 =	sgt.s32 @!p1 s17, $0x3F  }
0x13: {  	s14 =	ssub.s32 @!p1 $0x80, s14;
	p2 =	por !p2, p1;
	p3 =	por !p3, p1  }
0x14: {  	s16 =	sadd.s32 $0x1000, s11;
	s15 =	simm.s32 @!p2 $0x0;
	s14 =	simm.s32 @!p3 $0x0  }
0x15: {  	p2 =	sgt.s32 s16, $0xF423F;
	s14 =	smul.u32 @!p1 s14, s15;
	s15 =	sadd.s32 $0x40, s12  }
0x16: {  	s18 =	smov.u32 @p2 s15  }
0x17: {  	s16 =	smov.u32 @p2 s3;
	p2 =	sgt.s32 s18, $0x3F  }
0x18: {  	s18 =	simm.s32 @p2 $0x0;
	p2 =	sne.s32 s13, s7  }
.Ltmp1:
0x19: {  	p0 =	por !p0, !p0;
	s17 =	simm.s32 @!p1 $0x2;
	(pc) =	sbr.rel @!p2 .LBB1_6-.Ltmp1, $4  }
0x1a: {  	s15 =	smov.u32 s9;
	s9 =	smov.u32 s11;
	s14 =	sand.u32 @!p1 $0x3FFFFFFF, s14  }
0x1b: {  	s11 =	smov.u32 s16;
	_ =	swait.ge @!p1 [sflag:s17], s14;
	s19 =	ssub.s32 @!p1 $0x0, s14  }
0x1c: {  	s14 =	smov.u32 s10;
	s13 =	sadd.s32 $0x1, s13;
	[sflag:s17] =	ssyncset.done @!p1 $0x0  }
0x1d: {  	s10 =	smov.u32 s12;
	s12 =	smov.u32 s18;
	[sflag:s17] =	ssyncadd.s32 @!p1 s19  }
.LBB1_1:
0x1e: {  	p1 =	sgt.u32 s13, s6  }
0x1f: {  	s16 =	sshrl.u32 @!p1 s12, $0x3  }
0x20: {  	s17 =	sshll.u32 @!p1 s11, $0x3;
	s16 =	smul.u32 @!p1 $0x7A1400, s16  }
0x21: {  	s18 =	sshll.u32 @!p1 s12, $0x7;
	s17 =	sand.u32 @!p1 $0xFFFFFC00, s17  }
0x22: {  	s16 =	sadd.s32 @!p1 s16, s17;
	s17 =	sand.u32 @!p1 $0x380, s18  }
0x23: {  	s18 =	sand.u32 @!p1 $0x7F, s11;
	s16 =	sor.u32 @!p1 s17, s16  }
0x24: {  	s17 =	sor.u32 @!p1 s18, s16  }
0x25: {  	s18 =	smulhi.u32 @!p1 $0x218D6287, s17;
	_ =	sdelay $0x1  }
0x26: {  	s16 =	smulhi.u32 @!p1 $0x218D6287, s16;
	s18 =	sshrl.u32 @!p1 s18, $0x11  }
0x27: {  	s18 =	smul.u32 @!p1 $0xF4280, s18  }
0x28: {  	s19 =	sxor.u32 @!p1 $0xFFFFFFFF, s13;
	s16 =	sshrl.u32 @!p1 s16, $0x11  }
0x29: {  	s19 =	sshll.u32 @!p1 s19, $0xD;
	s16 =	sand.u32 @!p1 $0x3F, s16;
	s17 =	ssub.s32 @!p1 s17, s18  }
0x2a: {  	s16 =	smul.u32 @!p1 $0x1E850, s16;
	s18 =	sshrl.u32 @!p1 s17, $0x3;
	s17 =	sand.u32 @!p1 $0x7, s17  }
0x2b: {  	s19 =	sand.u32 @!p1 $0x2000, s19;
	s18 =	sadd.s32 @!p1 s2, s18;
	s17 =	sshll.u32 @!p1 s17, $0x12  }
0x2c: {  	s16 =	sadd.s32 @!p1 s16, s18;
	s17 =	sor.u32 @!p1 $0x400, s17;
	s18 =	simm.s32 @!p1 $0x7A1400  }
0x2d: {  	[tilespmem:s19], [sflag:$0x1] =	stream.strided.gather @!p1 [hbm4b:s16+s17], $0x2000, s18, s17, $0x38;
	[tilespmem:$0x8100] =	vst v63  }
0x2e: {  	p1 =	seq.s32 s13, $0x0  }
0x2f: {  	p2 =	sge.u32 @!p1 s13, s7  }
0x30: {  	p1 =	por p1, p2  }
.Ltmp2:
0x31: {  	_ = 	snop;
	(pc) =	sbr.rel @p1 .LBB1_5-.Ltmp2, $1  }
0x32: {  	_ =	sdelay $0x3  }
0x33: {  	s16 =	simm.s32 $0x1  }
0x34: {  	_ =	swait.ge [sflag:s4], $0x2000;
	s16 =	simm.s32 @!p0 $0x0  }
0x35: {  	[sflag:s4] =	ssyncset.done $0x0;
	s17 =	sshll.u32 s16, $0xD  }
0x36: {  	[sflag:s4] =	ssyncadd.s32 $0xFFFFE000;
	s17 =	sor.u32 $0x40, s17  }
0x37: {  	s16 =	smul.u32 $0x8200, s16;
	v0 =	vld [tilespmem:s17+$0x30]  }
0x38: {  	v1 =	vld [tilespmem:s17+$0xFFFFFFD0]  }
0x39: {  	s16 =	sshrl.u32 s16, $0x2;
	v5 =	vld [tilespmem:s17+$0xFFFFFFE0]  }
0x3a: {  	v6 =	vld [tilespmem:s17+$0xFFFFFFF0];
	s19 =	sor.u32 $0x4000, s16  }
0x3b: {  	s31 =	sand.u32 $0x1, s13;
	v4 =	vld [tilespmem:s17+$0x0];
	s18 =	sadd.s32 $0x0, s19  }
0x3c: {  	v3 =	vld [tilespmem:s17+$0x10];
	s16 =	smul.u32 $0x8200, s31;
	[tilespmem:s18+$0x1C70 ss:$0x41] =	vst.msk $0xffff, v0  }
0x3d: {  	v2 =	vld [tilespmem:s17+$0x20];
	[tilespmem:s18+$0x410 ss:$0x41] =	vst.msk $0xffff, v1  }
0x3e: {  	s16 =	sshrl.u32 s16, $0x2;
	v1 =	vld [tilespmem:s17+$0xFFFFFFC0];
	[tilespmem:s18+$0x820 ss:$0x41] =	vst.msk $0xffff, v5;
	s17 =	sadd.s32 $0x80, s17  }
0x3f: {  	s20 =	simm.s32 $0x4;
	s21 =	simm.s32 $0x8;
	s16 =	sor.u32 $0x4000, s16;
	[tilespmem:s18+$0xC30 ss:$0x41] =	vst.msk $0xffff, v6;
	v0 =	vld [tilespmem:s17+$0x30]  }
.LBB1_3:
0x40: {  	p1 =	sne.s32 s21, $0xFC;
	v5 =	vld [tilespmem:s17+$0xFFFFFFD0];
	[tilespmem:s18+$0x1040 ss:$0x41] =	vst.msk $0xffff, v4  }
0x41: {  	v6 =	vld [tilespmem:s17+$0xFFFFFFE0];
	[tilespmem:s18+$0x1450 ss:$0x41] =	vst.msk $0xffff, v3  }
0x42: {  	s22 =	sshra.s32 s20, $0x2;
	s20 =	smov.u32 s21;
	v7 =	vld [tilespmem:s17+$0xFFFFFFF0];
	[tilespmem:s18+$0x1860 ss:$0x41] =	vst.msk $0xffff, v2  }
.Ltmp3:
0x43: {  	v4 =	vld [tilespmem:s17+$0x0];
	[tilespmem:s18+$0x0 ss:$0x41] =	vst.msk $0xffff, v1;
	s18 =	sadd.s32 s22, s19;
	(pc) =	sbr.rel @p1 .LBB1_3-.Ltmp3, $4  }
0x44: {  	v3 =	vld [tilespmem:s17+$0x10];
	[tilespmem:s18+$0x1C70 ss:$0x41] =	vst.msk $0xffff, v0  }
0x45: {  	[tilespmem:s18+$0x410 ss:$0x41] =	vst.msk $0xffff, v5;
	v2 =	vld [tilespmem:s17+$0x20]  }
0x46: {  	v1 =	vld [tilespmem:s17+$0xFFFFFFC0];
	[tilespmem:s18+$0x820 ss:$0x41] =	vst.msk $0xffff, v6;
	s17 =	sadd.s32 $0x80, s17  }
0x47: {  	s21 =	sadd.s32 $0x4, s21;
	v0 =	vld [tilespmem:s17+$0x30];
	[tilespmem:s18+$0xC30 ss:$0x41] =	vst.msk $0xffff, v7  }
0x48: {  	s21 =	sshll.u32 s9, $0x7;
	s22 =	sshll.u32 s10, $0x3;
	s20 =	sshra.s32 s20, $0x2  }
0x49: {  	p1 =	sgt.s32 s9, $0xF41C0;
	s30 =	sshra.s32 s9, $0x1F;
	s25 =	sshra.s32 s10, $0x1F  }
0x4a: {  	v5 =	vld [tilespmem:s17+$0xFFFFFFD0];
	s28 =	sshrl.u32 s10, $0x3;
	s23 =	sand.u32 $0xFFFFFC00, s21;
	s22 =	sand.u32 $0xFFFFFC00, s22  }
0x4b: {  	[tilespmem:s18+$0x1040 ss:$0x41] =	vst.msk $0xffff, v4;
	v58 =	vld [tilespmem:s17+$0xFFFFFFE0];
	s21 =	sand.u32 $0x380, s21;
	s19 =	sadd.s32 s20, s19;
	s22 =	sadd.s32 s22, s23  }
0x4c: {  	v59 =	vld [tilespmem:s17+$0xFFFFFFF0];
	[tilespmem:s18+$0x1450 ss:$0x41] =	vst.msk $0xffff, v3;
	s29 =	sor.u32 s21, s22;
	s21 =	smov.u32 s9;
	s22 =	sand.u32 s30, s9  }
0x4d: {  	v60 =	vld [tilespmem:s17+$0x0];
	[tilespmem:s18+$0x1860 ss:$0x41] =	vst.msk $0xffff, v2;
	s30 =	sand.u32 $0x7, s10;
	s20 =	sshrl.u32 s29, $0x7;
	s21 =	simm.s32 @!p1 $0xF41C0  }
0x4e: {  	v61 =	vld [tilespmem:s17+$0x10];
	[tilespmem:s18+$0x0 ss:$0x41] =	vst.msk $0xffff, v1;
	p1 =	sgt.s32 s10, $0x40;
	s24 =	ssub.s32 s21, s22;
	s21 =	smov.u32 s10  }
0x4f: {  	v62 =	vld [tilespmem:s17+$0x20];
	[tilespmem:s19+$0x1C70 ss:$0x41] =	vst.msk $0xffff, v0;
	s31 =	smulhi.u32 $0x218DEF5, s20;
	s22 =	sand.u32 s25, s10;
	s21 =	simm.s32 @!p1 $0x40  }
0x50: {  	v63 =	vld [tilespmem:s17+$0xFFFFFFC0];
	[tilespmem:s19+$0x410 ss:$0x41] =	vst.msk $0xffff, v5;
	s26 =	sadd.s32 $0xFFF0BE40, s24;
	s17 =	ssub.s32 $0xF4240, s24;
	s21 =	ssub.s32 s21, s22  }
0x51: {  	[tilespmem:s19+$0x820 ss:$0x41] =	vst.msk $0xffff, v58;
	s23 =	sshrl.u32 s31, $0xD;
	p1 =	sgt.s32 s26, $0x7F;
	s27 =	sadd.s32 $0xFFFFFFC0, s21  }
0x52: {  	[tilespmem:s19+$0xC30 ss:$0x41] =	vst.msk $0xffff, v59;
	s23 =	smul.u32 $0xF4240, s23;
	s18 =	ssub.s32 $0x80, s21;
	p2 =	sgt.s32 s27, $0x3F  }
.Ltmp4:
0x53: {  	[tilespmem:s19+$0x1040 ss:$0x41] =	vst.msk $0xffff, v60;
	s17 =	simm.s32 @p1 $0x0;
	s18 =	simm.s32 @p2 $0x0;
	(pc) =	sbr.rel .LBB1_5-.Ltmp4, $4  }
0x54: {  	s29 =	sand.u32 $0xF, s28;
	[tilespmem:s19+$0x1450 ss:$0x41] =	vst.msk $0xffff, v61;
	s20 =	ssub.s32 s20, s23;
	s17 =	smul.u32 s18, s17  }
0x55: {  	[tilespmem:s19+$0x1860 ss:$0x41] =	vst.msk $0xffff, v62;
	s21 =	sshll.u32 s30, $0x12;
	s20 =	sshll.u32 s20, $0x4;
	s18 =	sadd.s32 s5, s29  }
0x56: {  	[tilespmem:s19+$0x0 ss:$0x41] =	vst.msk $0xffff, v63;
	s31 =	sor.u32 $0x40, s21;
	s18 =	sadd.s32 s20, s18;
	s17 =	sand.u32 $0x3FFFFFFF, s17  }
0x57: {  	[hbm4b:s18+s31] =	stream.strided.scatter [tilespmem:s16], [sflag:$0x2], s17, s8, s31, $0x18;
	[tilespmem:$0x8100] =	vst v63  }
.LBB1_6:
0x58: {  	_ =	sfence.sel $0x180000  }
0x59: {  	s2 =	simm.s32 $0x1;
	[bflag:$0x0] =	sbarrier.arrive $0xFFFF  }
0x5a: {  	s31 =	simm.s32 $0x2;
	[sflag:s2] =	ssyncpa.u1 $0x1  }
0x5b: {  	[sflag:s31] =	ssyncpa.u1 $0x1  }
0x5c: {  	p0 =	sne.s32 s1, $0x0;
	_ =	strace $0x90000047  }
0x5d: {  	s0 =	sadd.s32 @!p0 $0x100000, s0;
	[bflag:$0x2] =	sbarrier.arrive $0xFFFF  }
0x5e: {  	[sflag:s0] =	ssyncadd.tile.s32 @!p0 $0x1;
	_ =	shalt  }
.Lfunc_end1:
_tile_overlayer_lowered:
.L_overlay_start_2:
0x5f: {  	(tag) =	ssettag $0x2  }
0x60: {  	s0 =	rddreg [dreg:$0x0];
	s2 =	stileid.u32  }
0x61: {  	s1 =	rddreg [dreg:$0x1];
	p0 =	sne.s32 s2, $0x0  }
0x62: {  	s3 =	rddreg [dreg:$0x2];
	[bflag:$0x3] =	sbarrier.arrive $0xFFFF;
	s2 =	simm.s32 @!p0 $0x1C01  }
0x63: {  	[timem:s3], [sflag:s2] =	dma.local @!p0 [hbm:s0], s1  }
0x64: {  	s0 =	simm.s32 @!p0 $0x1  }
0x65: {  	_ =	swait.ge @!p0 [sflag:s0], s1  }
0x66: {  	s1 =	ssub.s32 @!p0 $0x0, s1;
	[sflag:s0] =	ssyncset.done @!p0 $0x0  }
0x67: {  	[sflag:s0] =	ssyncadd.s32 @!p0 s1  }
0x68: {  	[bflag:$0x3] =	sbarrier.arrive $0xFFFF  }
0x69: {  	_ =	shalt  }

</sc_bundles>
